<compile_context>
chip_gen: v7x
topology: tpu7x:2x2x1
jax: 0.10.2.dev20260603
libtpu: 0.0.44.dev20260713+nightly
codegen_flags: <defaults>
</compile_context>

<pallas_src>
import dataclasses
import functools

import jax
import jax.numpy as jnp
from jax import lax
from jax.experimental import pallas as pl
from jax.experimental.pallas import tpu as pltpu
from jax.experimental.pallas import tpu_sc as plsc

_MIN_NORM = 1e-15
_EPS = 4e-3



def _artanh(x):
    x = jnp.clip(x, -1.0 + 1e-7, 1.0 - 1e-7)
    return 0.5 * jnp.log((1.0 + x) / (1.0 - x))


def _norm(x):
    return jnp.clip(
        jnp.sqrt(jnp.sum(x * x, axis=-1, keepdims=True)), _MIN_NORM, None
    )


def _proj(x):
    norm = _norm(x)
    maxnorm = 1.0 - _EPS
    return jnp.where(norm > maxnorm, x / norm * maxnorm, x)


def _expmap0(u):
    u_norm = _norm(u)
    return jnp.tanh(u_norm) * u / u_norm


def _logmap0(p):
    p_norm = _norm(p)
    return _artanh(p_norm) * p / p_norm


def _mobius_add(x, y):
    x2 = jnp.sum(x * x, axis=-1, keepdims=True)
    y2 = jnp.sum(y * y, axis=-1, keepdims=True)
    xy = jnp.sum(x * y, axis=-1, keepdims=True)
    num = (1.0 + 2.0 * xy + y2) * x + (1.0 - x2) * y
    denom = 1.0 + 2.0 * xy + x2 * y2
    return num / jnp.clip(denom, _MIN_NORM, None)


def _hyp_linear(x, W, b):
    x_norm = _norm(x)
    mx = lax.dot_general(
        x, W, (((1,), (1,)), ((), ())), preferred_element_type=jnp.float32
    )
    mx_norm = _norm(mx)
    res = jnp.tanh(mx_norm / x_norm * _artanh(x_norm)) * mx / mx_norm
    allzero = jnp.sum(jnp.abs(mx), axis=-1, keepdims=True) == 0.0
    res = jnp.where(allzero, jnp.zeros_like(res), res)
    res = _proj(res)
    hb = _proj(_expmap0(b))
    return _proj(_mobius_add(res, hb))


def _agg_post_act(p0, p1):
    h = _proj(_expmap0(p0 + p1))
    xt = jax.nn.relu(_logmap0(h))
    return _proj(_expmap0(xt))


def _tc_pre_body(x_ref, w1_ref, b1_ref, xt1_ref):
    x = x_ref[...]
    h0 = _proj(_expmap0(x))
    res = _hyp_linear(h0, w1_ref[...], b1_ref[...])
    xt1_ref[...] = _logmap0(res)


def _tc_mid_body(p0_ref, p1_ref, w2_ref, b2_ref, h1_ref, xt2_ref):
    h1 = _agg_post_act(p0_ref[...], p1_ref[...])
    h1_ref[...] = h1
    res = _hyp_linear(h1, w2_ref[...], b2_ref[...])
    xt2_ref[...] = _logmap0(res)


def _tc_post_body(p0_ref, p1_ref, h2_ref):
    h2_ref[...] = _agg_post_act(p0_ref[...], p1_ref[...])


def _row_blocked(body, n_out, N, D, BR):
    grid = (N // BR,)
    row_spec = pl.BlockSpec((BR, D), lambda i: (i, 0))
    full_spec = pl.BlockSpec((D, D), lambda i: (0, 0))
    bias_spec = pl.BlockSpec((1, D), lambda i: (0, 0))
    specs = {
        "row": row_spec,
        "mat": full_spec,
        "bias": bias_spec,
    }
    return grid, specs


def _tc_pre(x, W1, b1, BR=400):
    N, D = x.shape
    grid, sp = _row_blocked(_tc_pre_body, 1, N, D, BR)
    return pl.pallas_call(
        _tc_pre_body,
        grid=grid,
        in_specs=[sp["row"], sp["mat"], sp["bias"]],
        out_specs=sp["row"],
        out_shape=jax.ShapeDtypeStruct((N, D), jnp.float32),
    )(x, W1, b1.reshape(1, D))


def _tc_mid(p0, p1, W2, b2, BR=400):
    N, D = p0.shape
    grid, sp = _row_blocked(_tc_mid_body, 2, N, D, BR)
    return pl.pallas_call(
        _tc_mid_body,
        grid=grid,
        in_specs=[sp["row"], sp["row"], sp["mat"], sp["bias"]],
        out_specs=[sp["row"], sp["row"]],
        out_shape=[
            jax.ShapeDtypeStruct((N, D), jnp.float32),
            jax.ShapeDtypeStruct((N, D), jnp.float32),
        ],
    )(p0, p1, W2, b2.reshape(1, D))


def _tc_post(p0, p1, BR=400):
    N, D = p0.shape
    grid, sp = _row_blocked(_tc_post_body, 1, N, D, BR)
    return pl.pallas_call(
        _tc_post_body,
        grid=grid,
        in_specs=[sp["row"], sp["row"]],
        out_specs=sp["row"],
        out_shape=jax.ShapeDtypeStruct((N, D), jnp.float32),
    )(p0, p1)



_NC = 2
_NS = 16
_L = 16


@functools.lru_cache(maxsize=None)
def _make_sc_agg(N, D, E):
    NW = _NC * _NS
    e_per_tile = E // NW
    K = 40
    n_chunks = e_per_tile // K
    ZR = 16
    RPT = (N // _NS) // ZR * ZR
    NB = RPT // ZR
    last_rows = N - 15 * RPT
    NB_LAST = last_rows // ZR
    assert e_per_tile * NW == E and n_chunks * K == e_per_tile
    assert NB_LAST * ZR == last_rows and NB_LAST >= NB

    mesh = plsc.VectorSubcoreMesh(core_axis_name="c", subcore_axis_name="s")
    cp = pltpu.CompilerParams()
    if "needs_layout_passes" in pltpu.CompilerParams.__dataclass_fields__:
        cp = dataclasses.replace(cp, needs_layout_passes=False)

    @functools.partial(
        pl.kernel,
        out_type=jax.ShapeDtypeStruct((_NC, N, D), jnp.float32),
        mesh=mesh,
        compiler_params=cp,
        scratch_types=[
            pltpu.VMEM((e_per_tile,), jnp.int32),
            pltpu.VMEM((e_per_tile,), jnp.int32),
            pltpu.VMEM((e_per_tile,), jnp.float32),
            pltpu.VMEM((K, D), jnp.float32),
            pltpu.VMEM((K, D), jnp.float32),
            pltpu.VMEM((ZR, D), jnp.float32),
            pltpu.VMEM_SHARED((N, D), jnp.float32),
            pltpu.SemaphoreType.DMA,
            pltpu.SemaphoreType.DMA,
            pltpu.SemaphoreType.DMA,
            pltpu.SemaphoreType.DMA,
        ],
    )
    def agg(table_hbm, src_hbm, dst_hbm, w_hbm, out_hbm,
            src_all, dst_all, w_all, rows0, rows1, zero_v, acc_sh,
            gsem0, gsem1, ssem0, ssem1):
        c = lax.axis_index("c")
        s = lax.axis_index("s")
        wid = c * _NS + s
        zvec = jnp.zeros((_L,), jnp.float32)
        rows = (rows0, rows1)
        gsems = (gsem0, gsem1)
        ssems = (ssem0, ssem1)

        @pl.loop(0, ZR)
        def _zrow(r):
            for j in range(D // _L):
                zero_v[r, pl.ds(j * _L, _L)] = zvec

        @pl.loop(0, NB)
        def _zcp(k):
            ro = s * RPT + k * ZR
            pltpu.sync_copy(zero_v, acc_sh.at[pl.ds(ro, ZR)])

        @pl.when(s == _NS - 1)
        def _ztail():
            @pl.loop(NB, NB_LAST)
            def _zcp2(k):
                ro = (_NS - 1) * RPT + k * ZR
                pltpu.sync_copy(zero_v, acc_sh.at[pl.ds(ro, ZR)])

        pltpu.sync_copy(w_hbm.at[pl.ds(wid * e_per_tile, e_per_tile)], w_all)
        pltpu.sync_copy(src_hbm.at[wid], src_all)
        pltpu.sync_copy(dst_hbm.at[wid], dst_all)

        plsc.subcore_barrier()

        def src_idx(i):
            return src_all.at[pl.ds(i * K, K)]

        def dst_idx(i):
            return dst_all.at[pl.ds(i * K, K)]

        def start_gather(i, b):
            pltpu.async_copy(table_hbm.at[src_idx(i)], rows[b], gsems[b])

        def wait_gather(i, b):
            pltpu.make_async_copy(
                table_hbm.at[src_idx(i)], rows[b], gsems[b]
            ).wait()

        def start_scatter(i, b):
            pltpu.async_copy(
                rows[b], acc_sh.at[dst_idx(i)], ssems[b], add=True
            )

        def wait_scatter(i, b):
            pltpu.make_async_copy(
                rows[b], acc_sh.at[dst_idx(i)], ssems[b]
            ).wait()

        def scale(i, b):
            buf = rows[b]

            @plsc.parallel_loop(0, K, unroll=8)
            def _scale(r):
                wsplat = plsc.load_gather(
                    w_all, [jnp.full((_L,), i * K + r, jnp.int32)]
                )
                for j in range(D // _L):
                    sl = (r, pl.ds(j * _L, _L))
                    buf[sl] = buf[sl] * wsplat

        start_gather(0, 0)
        start_gather(1, 1)

        @pl.loop(0, n_chunks - 1, step=2)
        def _chunk(i):
            for b in range(2):
                j = i + b
                wait_gather(j, b)
                scale(j, b)
                start_scatter(j, b)
            for b in range(2):
                j = i + b
                nxt = j + 2

                @pl.when(nxt < n_chunks)
                def _next():
                    wait_scatter(j, b)
                    start_gather(nxt, b)

        if n_chunks % 2 == 1:
            last = n_chunks - 1
            wait_gather(last, 0)
            scale(last, 0)
            start_scatter(last, 0)
            wait_scatter(last, 0)
            wait_scatter(n_chunks - 2, 1)
        else:
            wait_scatter(n_chunks - 2, 0)
            wait_scatter(n_chunks - 1, 1)

        plsc.subcore_barrier()

        @pl.loop(0, NB)
        def _out(k):
            ro = s * RPT + k * ZR
            pltpu.sync_copy(
                acc_sh.at[pl.ds(ro, ZR)], out_hbm.at[c, pl.ds(ro, ZR)]
            )

        @pl.when(s == _NS - 1)
        def _otail():
            @pl.loop(NB, NB_LAST)
            def _out2(k):
                ro = (_NS - 1) * RPT + k * ZR
                pltpu.sync_copy(
                    acc_sh.at[pl.ds(ro, ZR)], out_hbm.at[c, pl.ds(ro, ZR)]
                )

    return agg


def _sc_agg(table, src, dst, w):
    N, D = table.shape
    E = w.shape[0]
    NW = _NC * _NS
    e_per_tile = E // NW
    parts = _make_sc_agg(N, D, E)(
        table, src.reshape(NW, e_per_tile), dst.reshape(NW, e_per_tile), w
    )
    return parts[0], parts[1]




def kernel(x, edge_index, w, W1, b1, W2, b2):
    src = edge_index[0].astype(jnp.int32)
    dst = edge_index[1].astype(jnp.int32)
    w = w.astype(jnp.float32)

    xt1 = _tc_pre(x, W1, b1)
    p0, p1 = _sc_agg(xt1, src, dst, w)
    h1, xt2 = _tc_mid(p0, p1, W2, b2)
    q0, q1 = _sc_agg(xt2, src, dst, w)
    h2 = _tc_post(q0, q1)
    return jnp.concatenate([x, h1, h2], axis=1)

# --- scband reference (transcript-rebuilt; emitter-appended) ---
"""Pipeline reference for scband-hgcn-18975165514297 (READ-ONLY COPY).

The authoritative reference and input builder live on the scoring server;
editing this copy changes nothing except your own understanding.
"""

import jax, jax.numpy as jnp
import numpy as np

MIN_NORM = 1e-15
EPS = 4e-3

def artanh(x):
    x = jnp.clip(x, -1.0 + 1e-7, 1.0 - 1e-7)
    return jnp.arctanh(x)

def _norm(x):
    return jnp.clip(jnp.linalg.norm(x, axis=-1, keepdims=True), MIN_NORM, None)

def proj(x, c):
    norm = _norm(x)
    maxnorm = (1.0 - EPS) / jnp.sqrt(c)
    cond = norm > maxnorm
    return jnp.where(cond, x / norm * maxnorm, x)

def proj_tan0(u, c):
    return u

def expmap0(u, c):
    sqrt_c = jnp.sqrt(c)
    u_norm = _norm(u)
    return jnp.tanh(sqrt_c * u_norm) * u / (sqrt_c * u_norm)

def logmap0(p, c):
    sqrt_c = jnp.sqrt(c)
    p_norm = _norm(p)
    return artanh(sqrt_c * p_norm) * p / (sqrt_c * p_norm)

def mobius_add(x, y, c):
    x2 = jnp.sum(x * x, axis=-1, keepdims=True)
    y2 = jnp.sum(y * y, axis=-1, keepdims=True)
    xy = jnp.sum(x * y, axis=-1, keepdims=True)
    num = (1.0 + 2.0 * c * xy + c * y2) * x + (1.0 - c * x2) * y
    denom = 1.0 + 2.0 * c * xy + c * c * x2 * y2
    return num / jnp.clip(denom, MIN_NORM, None)

def mobius_matvec(m, x, c):
    sqrt_c = jnp.sqrt(c)
    x_norm = _norm(x)
    mx = x @ m.T
    mx_norm = _norm(mx)
    res_c = jnp.tanh(mx_norm / x_norm * artanh(sqrt_c * x_norm)) * mx / (mx_norm * sqrt_c)
    cond = jnp.all(mx == 0, axis=-1, keepdims=True)
    return jnp.where(cond, jnp.zeros_like(res_c), res_c)

def hyp_linear(x, W, b, c):
    mv = mobius_matvec(W, x, c)
    res = proj(mv, c)
    bias = proj_tan0(b.reshape(1, -1), c)
    hyp_bias = proj(expmap0(bias, c), c)
    res = proj(mobius_add(res, hyp_bias, c), c)
    return res

def hyp_agg(x, edge_index, w, c):
    n = x.shape[0]
    x_tangent = logmap0(x, c)
    src = edge_index[0]
    dst = edge_index[1]
    msg = x_tangent[src] * w[:, None]
    support_t = jax.ops.segment_sum(msg, dst, num_segments=n)
    return proj(expmap0(support_t, c), c)

def hyp_act(x, c_in, c_out):
    xt = jax.nn.relu(logmap0(x, c_in))
    xt = proj_tan0(xt, c_out)
    return proj(expmap0(xt, c_out), c_out)

def hgcn_layer(x, edge_index, w, W, b, c_in, c_out):
    h = hyp_linear(x, W, b, c_in)
    h = hyp_agg(h, edge_index, w, c_in)
    h = hyp_act(h, c_in, c_out)
    return h

def setup_inputs(seed: int = 0):
    key = jax.random.key(seed)
    ks = jax.random.split(key, 6)
    N, D, E = 10000, 128, 320000
    x = jax.random.normal(ks[0], (N, D), dtype=jnp.float32)
    edge_index = jax.random.randint(ks[1], (2, E), 0, N).astype(jnp.int64)
    w = jax.random.uniform(ks[2], (E,), dtype=jnp.float32)
    W1 = jax.random.normal(ks[3], (D, D), dtype=jnp.float32) * (1.0 / np.sqrt(D))
    b1 = jnp.zeros((D,), dtype=jnp.float32)
    W2 = jax.random.normal(ks[4], (D, D), dtype=jnp.float32) * (1.0 / np.sqrt(D))
    b2 = jnp.zeros((D,), dtype=jnp.float32)
    return {"x": x, "edge_index": edge_index, "w": w, "W1": W1, "b1": b1, "W2": W2, "b2": b2}

def reference(x, edge_index, w, W1, b1, W2, b2):
    # HGCN with skip=True (_cat path): initial Euclidean x is kept, then mapped to the
    # Poincare ball (proj_tan0 -> expmap0 -> proj), passed through 2 HGCN layers
    # (HypLinear -> HypAgg over sparse adj with edge weights w -> HypAct), and all
    # intermediate representations are concatenated along axis=1.
    c = 1.0
    x_i = [x]
    h = proj(expmap0(proj_tan0(x, c), c), c)
    h = hgcn_layer(h, edge_index, w, W1, b1, c, c)
    x_i.append(h)
    h = hgcn_layer(h, edge_index, w, W2, b2, c, c)
    x_i.append(h)
    return jnp.concatenate(x_i, axis=1)

if __name__ == "__main__":
    import jax
    _d = setup_inputs()
    print(jax.jit(kernel)(*tuple(_d.values())))

</pallas_src>

<mosaic_0001>
#map = affine_map<(d0, d1) -> (0, 0)>
#map1 = affine_map<(d0, d1) -> (0)>
#map2 = affine_map<(d0, d1) -> (0, 0, 0)>
module attributes {stable_mosaic.version = 14 : i64} {
  func.func @agg(%arg0: i32, %arg1: i32, %arg2: memref<10000x128xf32, #tpu.memory_space<hbm>>, %arg3: memref<32x10000xi32, #tpu.memory_space<hbm>>, %arg4: memref<32x10000xi32, #tpu.memory_space<hbm>>, %arg5: memref<320000xf32, #tpu.memory_space<hbm>>, %arg6: memref<2x10000x128xf32, #tpu.memory_space<hbm>>, %arg7: memref<10000xi32, #tpu.memory_space<vmem>>, %arg8: memref<10000xi32, #tpu.memory_space<vmem>>, %arg9: memref<10000xf32, #tpu.memory_space<vmem>>, %arg10: memref<40x128xf32, #tpu.memory_space<vmem>>, %arg11: memref<40x128xf32, #tpu.memory_space<vmem>>, %arg12: memref<16x128xf32, #tpu.memory_space<vmem>>, %arg13: memref<10000x128xf32, #tpu.memory_space<vmem_shared>>, %arg14: memref<!tpu.dma_semaphore, #tpu.memory_space<semaphore_mem>>, %arg15: memref<!tpu.dma_semaphore, #tpu.memory_space<semaphore_mem>>, %arg16: memref<!tpu.dma_semaphore, #tpu.memory_space<semaphore_mem>>, %arg17: memref<!tpu.dma_semaphore, #tpu.memory_space<semaphore_mem>>) attributes {dimension_semantics = [#tpu.dimension_semantics<core_parallel>, #tpu.dimension_semantics<subcore_parallel>], iteration_bounds = array<i64: 2, 16>, scalar_prefetch = 0 : i64, scratch_operands = 11 : i64, tpu.core_type = #tpu.core_type<sc_vector_subcore>, window_params = [{transform_indices = #map}, {transform_indices = #map}, {transform_indices = #map}, {transform_indices = #map1}, {transform_indices = #map2}]} {
    %mul3A = arith.constant 16 : i32
    %mul3A_0 = arith.muli %arg0, %mul3A : i32
    %add3A = arith.addi %mul3A_0, %arg1 : i32
    %broadcast_in_dim3A = arith.constant 0.000000e+00 : f32
    %broadcast_in_dim3A_1 = vector.broadcast %broadcast_in_dim3A : f32 to vector<16xf32>
    %scan3A = arith.constant 0 : i32
    %scan3A_2 = arith.constant 16 : i32
    %scan3A_3 = arith.addi %scan3A, %scan3A_2 : i32
    %scan3A_4 = arith.constant 1 : i32
    scf.for %scan3A_49 = %scan3A to %scan3A_3 step %scan3A_4  : i32 {
      %mul3A_50 = arith.constant 1 : i32
      %mul3A_51 = arith.muli %scan3A_49, %mul3A_50 : i32
      %add3A_52 = arith.constant 0 : i32
      %add3A_53 = arith.addi %add3A_52, %mul3A_51 : i32
      %swap3A = arith.index_cast %add3A_53 : i32 to index
      %swap3A_54 = arith.constant 0 : index
      %swap3A_55 = tpu.vector_load %arg12[%swap3A, %swap3A_54] {strides = array<i32>} : memref<16x128xf32, #tpu.memory_space<vmem>>, vector<16xf32>,
      tpu.vector_store %arg12[%swap3A, %swap3A_54], %broadcast_in_dim3A_1 {strides = array<i32>} : memref<16x128xf32, #tpu.memory_space<vmem>>, vector<16xf32>,
      %swap3A_56 = arith.index_cast %add3A_53 : i32 to index
      %swap3A_57 = arith.constant 16 : index
      %swap3A_58 = tpu.vector_load %arg12[%swap3A_56, %swap3A_57] {strides = array<i32>} : memref<16x128xf32, #tpu.memory_space<vmem>>, vector<16xf32>,
      tpu.vector_store %arg12[%swap3A_56, %swap3A_57], %broadcast_in_dim3A_1 {strides = array<i32>} : memref<16x128xf32, #tpu.memory_space<vmem>>, vector<16xf32>,
      %swap3A_59 = arith.index_cast %add3A_53 : i32 to index
      %swap3A_60 = arith.constant 32 : index
      %swap3A_61 = tpu.vector_load %arg12[%swap3A_59, %swap3A_60] {strides = array<i32>} : memref<16x128xf32, #tpu.memory_space<vmem>>, vector<16xf32>,
      tpu.vector_store %arg12[%swap3A_59, %swap3A_60], %broadcast_in_dim3A_1 {strides = array<i32>} : memref<16x128xf32, #tpu.memory_space<vmem>>, vector<16xf32>,
      %swap3A_62 = arith.index_cast %add3A_53 : i32 to index
      %swap3A_63 = arith.constant 48 : index
      %swap3A_64 = tpu.vector_load %arg12[%swap3A_62, %swap3A_63] {strides = array<i32>} : memref<16x128xf32, #tpu.memory_space<vmem>>, vector<16xf32>,
      tpu.vector_store %arg12[%swap3A_62, %swap3A_63], %broadcast_in_dim3A_1 {strides = array<i32>} : memref<16x128xf32, #tpu.memory_space<vmem>>, vector<16xf32>,
      %swap3A_65 = arith.index_cast %add3A_53 : i32 to index
      %swap3A_66 = arith.constant 64 : index
      %swap3A_67 = tpu.vector_load %arg12[%swap3A_65, %swap3A_66] {strides = array<i32>} : memref<16x128xf32, #tpu.memory_space<vmem>>, vector<16xf32>,
      tpu.vector_store %arg12[%swap3A_65, %swap3A_66], %broadcast_in_dim3A_1 {strides = array<i32>} : memref<16x128xf32, #tpu.memory_space<vmem>>, vector<16xf32>,
      %swap3A_68 = arith.index_cast %add3A_53 : i32 to index
      %swap3A_69 = arith.constant 80 : index
      %swap3A_70 = tpu.vector_load %arg12[%swap3A_68, %swap3A_69] {strides = array<i32>} : memref<16x128xf32, #tpu.memory_space<vmem>>, vector<16xf32>,
      tpu.vector_store %arg12[%swap3A_68, %swap3A_69], %broadcast_in_dim3A_1 {strides = array<i32>} : memref<16x128xf32, #tpu.memory_space<vmem>>, vector<16xf32>,
      %swap3A_71 = arith.index_cast %add3A_53 : i32 to index
      %swap3A_72 = arith.constant 96 : index
      %swap3A_73 = tpu.vector_load %arg12[%swap3A_71, %swap3A_72] {strides = array<i32>} : memref<16x128xf32, #tpu.memory_space<vmem>>, vector<16xf32>,
      tpu.vector_store %arg12[%swap3A_71, %swap3A_72], %broadcast_in_dim3A_1 {strides = array<i32>} : memref<16x128xf32, #tpu.memory_space<vmem>>, vector<16xf32>,
      %swap3A_74 = arith.index_cast %add3A_53 : i32 to index
      %swap3A_75 = arith.constant 112 : index
      %swap3A_76 = tpu.vector_load %arg12[%swap3A_74, %swap3A_75] {strides = array<i32>} : memref<16x128xf32, #tpu.memory_space<vmem>>, vector<16xf32>,
      tpu.vector_store %arg12[%swap3A_74, %swap3A_75], %broadcast_in_dim3A_1 {strides = array<i32>} : memref<16x128xf32, #tpu.memory_space<vmem>>, vector<16xf32>,
    }
    %scan3A_5 = arith.constant 16 : i32
    %scan3A_6 = arith.constant 0 : i32
    %scan3A_7 = arith.constant 39 : i32
    %scan3A_8 = arith.addi %scan3A_6, %scan3A_7 : i32
    %scan3A_9 = arith.constant 1 : i32
    scf.for %scan3A_49 = %scan3A_6 to %scan3A_8 step %scan3A_9  : i32 {
      %mul3A_50 = arith.constant 1 : i32
      %mul3A_51 = arith.muli %scan3A_49, %mul3A_50 : i32
      %add3A_52 = arith.constant 0 : i32
      %add3A_53 = arith.addi %add3A_52, %mul3A_51 : i32
      %mul3A_54 = arith.constant 624 : i32
      %mul3A_55 = arith.muli %arg1, %mul3A_54 : i32
      %mul3A_56 = arith.constant 16 : i32
      %mul3A_57 = arith.muli %add3A_53, %mul3A_56 : i32
      %add3A_58 = arith.addi %mul3A_55, %mul3A_57 : i32
      "tpu.region"() ({
        %run_scoped3A = tpu.sem_alloc : memref<!tpu.dma_semaphore, #tpu.memory_space<semaphore_mem>>
        %dma_start3A_59 = arith.constant 0 : i32
        %dma_start3A_60 = tpu.memref_slice %arg13[%add3A_58, %dma_start3A_59] : memref<10000x128xf32, #tpu.memory_space<vmem_shared>> -> memref<16x128xf32, #tpu.memory_space<vmem_shared>>
        %dma_start3A_61 = arith.constant 0 : i32
        %dma_start3A_62 = tpu.memref_slice %arg13[%add3A_58, %dma_start3A_61] : memref<10000x128xf32, #tpu.memory_space<vmem_shared>> -> memref<16x128xf32, #tpu.memory_space<vmem_shared>>
        tpu.enqueue_dma source(%arg12 : memref<16x128xf32, #tpu.memory_space<vmem>>) target(%dma_start3A_62 : memref<16x128xf32, #tpu.memory_space<vmem_shared>>) target_semaphore(%run_scoped3A : memref<!tpu.dma_semaphore, #tpu.memory_space<semaphore_mem>>)
        %dma_wait3A_63 = arith.constant 0 : i32
        %dma_wait3A_64 = tpu.memref_slice %arg13[%add3A_58, %dma_wait3A_63] : memref<10000x128xf32, #tpu.memory_space<vmem_shared>> -> memref<16x128xf32, #tpu.memory_space<vmem_shared>>
        %dma_wait3A_65 = arith.constant 0 : i32
        %dma_wait3A_66 = tpu.memref_slice %arg13[%add3A_58, %dma_wait3A_65] : memref<10000x128xf32, #tpu.memory_space<vmem_shared>> -> memref<16x128xf32, #tpu.memory_space<vmem_shared>>
        tpu.wait_dma2 semaphore(%run_scoped3A : memref<!tpu.dma_semaphore, #tpu.memory_space<semaphore_mem>>) src(%arg12 : memref<16x128xf32, #tpu.memory_space<vmem>>) dst(%dma_wait3A_66 : memref<16x128xf32, #tpu.memory_space<vmem_shared>>)
        tpu.yield
      }) : () -> ()
    }
    %scan3A_10 = arith.constant 39 : i32
    %eq3A = arith.constant 15 : i32
    %eq3A_11 = arith.cmpi eq, %arg1, %eq3A : i32
    %convert_element_type3A = arith.extui %eq3A_11 : i1 to i32
    %cond3A = arith.constant 0 : i32
    %cond3A_12 = arith.cmpi ne, %convert_element_type3A, %cond3A : i32
    scf.if %cond3A_12 {
      %scan3A_49 = arith.constant 0 : i32
      %mul3A_50 = arith.constant 1 : i32
      %mul3A_51 = arith.muli %scan3A_49, %mul3A_50 : i32
      %add3A_52 = arith.constant 39 : i32
      %add3A_53 = arith.addi %add3A_52, %mul3A_51 : i32
      %mul3A_54 = arith.constant 16 : i32
      %mul3A_55 = arith.muli %add3A_53, %mul3A_54 : i32
      %add3A_56 = arith.constant 9360 : i32
      %add3A_57 = arith.addi %add3A_56, %mul3A_55 : i32
      "tpu.region"() ({
        %run_scoped3A = tpu.sem_alloc : memref<!tpu.dma_semaphore, #tpu.memory_space<semaphore_mem>>
        %dma_start3A_59 = arith.constant 0 : i32
        %dma_start3A_60 = tpu.memref_slice %arg13[%add3A_57, %dma_start3A_59] : memref<10000x128xf32, #tpu.memory_space<vmem_shared>> -> memref<16x128xf32, #tpu.memory_space<vmem_shared>>
        %dma_start3A_61 = arith.constant 0 : i32
        %dma_start3A_62 = tpu.memref_slice %arg13[%add3A_57, %dma_start3A_61] : memref<10000x128xf32, #tpu.memory_space<vmem_shared>> -> memref<16x128xf32, #tpu.memory_space<vmem_shared>>
        tpu.enqueue_dma source(%arg12 : memref<16x128xf32, #tpu.memory_space<vmem>>) target(%dma_start3A_62 : memref<16x128xf32, #tpu.memory_space<vmem_shared>>) target_semaphore(%run_scoped3A : memref<!tpu.dma_semaphore, #tpu.memory_space<semaphore_mem>>)
        %dma_wait3A_63 = arith.constant 0 : i32
        %dma_wait3A_64 = tpu.memref_slice %arg13[%add3A_57, %dma_wait3A_63] : memref<10000x128xf32, #tpu.memory_space<vmem_shared>> -> memref<16x128xf32, #tpu.memory_space<vmem_shared>>
        %dma_wait3A_65 = arith.constant 0 : i32
        %dma_wait3A_66 = tpu.memref_slice %arg13[%add3A_57, %dma_wait3A_65] : memref<10000x128xf32, #tpu.memory_space<vmem_shared>> -> memref<16x128xf32, #tpu.memory_space<vmem_shared>>
        tpu.wait_dma2 semaphore(%run_scoped3A : memref<!tpu.dma_semaphore, #tpu.memory_space<semaphore_mem>>) src(%arg12 : memref<16x128xf32, #tpu.memory_space<vmem>>) dst(%dma_wait3A_66 : memref<16x128xf32, #tpu.memory_space<vmem_shared>>)
        tpu.yield
      }) : () -> ()
      %scan3A_58 = arith.constant 1 : i32
    } else {
    }
    %mul3A_13 = arith.constant 10000 : i32
    %mul3A_14 = arith.muli %add3A, %mul3A_13 : i32
    "tpu.region"() ({
      %run_scoped3A = tpu.sem_alloc : memref<!tpu.dma_semaphore, #tpu.memory_space<semaphore_mem>>
      %dma_start3A_49 = tpu.memref_slice %arg5[%mul3A_14] : memref<320000xf32, #tpu.memory_space<hbm>> -> memref<10000xf32, #tpu.memory_space<hbm>>
      %dma_start3A_50 = tpu.memref_slice %arg5[%mul3A_14] : memref<320000xf32, #tpu.memory_space<hbm>> -> memref<10000xf32, #tpu.memory_space<hbm>>
      tpu.enqueue_dma source(%dma_start3A_50 : memref<10000xf32, #tpu.memory_space<hbm>>) target(%arg9 : memref<10000xf32, #tpu.memory_space<vmem>>) target_semaphore(%run_scoped3A : memref<!tpu.dma_semaphore, #tpu.memory_space<semaphore_mem>>)
      %dma_wait3A_51 = tpu.memref_slice %arg5[%mul3A_14] : memref<320000xf32, #tpu.memory_space<hbm>> -> memref<10000xf32, #tpu.memory_space<hbm>>
      %dma_wait3A_52 = tpu.memref_slice %arg5[%mul3A_14] : memref<320000xf32, #tpu.memory_space<hbm>> -> memref<10000xf32, #tpu.memory_space<hbm>>
      tpu.wait_dma2 semaphore(%run_scoped3A : memref<!tpu.dma_semaphore, #tpu.memory_space<semaphore_mem>>) src(%dma_wait3A_52 : memref<10000xf32, #tpu.memory_space<hbm>>) dst(%arg9 : memref<10000xf32, #tpu.memory_space<vmem>>)
      tpu.yield
    }) : () -> ()
    "tpu.region"() ({
      %run_scoped3A = tpu.sem_alloc : memref<!tpu.dma_semaphore, #tpu.memory_space<semaphore_mem>>
      %dma_start3A_49 = arith.constant 0 : i32
      %dma_start3A_50 = tpu.memref_slice %arg3[%add3A, %dma_start3A_49] : memref<32x10000xi32, #tpu.memory_space<hbm>> -> memref<1x10000xi32, #tpu.memory_space<hbm>>
      %dma_start3A_51 = tpu.memref_squeeze %dma_start3A_50 : memref<1x10000xi32, #tpu.memory_space<hbm>> -> memref<10000xi32, #tpu.memory_space<hbm>>
      %dma_start3A_52 = arith.constant 0 : i32
      %dma_start3A_53 = tpu.memref_slice %arg3[%add3A, %dma_start3A_52] : memref<32x10000xi32, #tpu.memory_space<hbm>> -> memref<1x10000xi32, #tpu.memory_space<hbm>>
      %dma_start3A_54 = tpu.memref_squeeze %dma_start3A_53 : memref<1x10000xi32, #tpu.memory_space<hbm>> -> memref<10000xi32, #tpu.memory_space<hbm>>
      tpu.enqueue_dma source(%dma_start3A_54 : memref<10000xi32, #tpu.memory_space<hbm>>) target(%arg7 : memref<10000xi32, #tpu.memory_space<vmem>>) target_semaphore(%run_scoped3A : memref<!tpu.dma_semaphore, #tpu.memory_space<semaphore_mem>>)
      %dma_wait3A_55 = arith.constant 0 : i32
      %dma_wait3A_56 = tpu.memref_slice %arg3[%add3A, %dma_wait3A_55] : memref<32x10000xi32, #tpu.memory_space<hbm>> -> memref<1x10000xi32, #tpu.memory_space<hbm>>
      %dma_wait3A_57 = tpu.memref_squeeze %dma_wait3A_56 : memref<1x10000xi32, #tpu.memory_space<hbm>> -> memref<10000xi32, #tpu.memory_space<hbm>>
      %dma_wait3A_58 = arith.constant 0 : i32
      %dma_wait3A_59 = tpu.memref_slice %arg3[%add3A, %dma_wait3A_58] : memref<32x10000xi32, #tpu.memory_space<hbm>> -> memref<1x10000xi32, #tpu.memory_space<hbm>>
      %dma_wait3A_60 = tpu.memref_squeeze %dma_wait3A_59 : memref<1x10000xi32, #tpu.memory_space<hbm>> -> memref<10000xi32, #tpu.memory_space<hbm>>
      tpu.wait_dma2 semaphore(%run_scoped3A : memref<!tpu.dma_semaphore, #tpu.memory_space<semaphore_mem>>) src(%dma_wait3A_60 : memref<10000xi32, #tpu.memory_space<hbm>>) dst(%arg7 : memref<10000xi32, #tpu.memory_space<vmem>>)
      tpu.yield
    }) : () -> ()
    "tpu.region"() ({
      %run_scoped3A = tpu.sem_alloc : memref<!tpu.dma_semaphore, #tpu.memory_space<semaphore_mem>>
      %dma_start3A_49 = arith.constant 0 : i32
      %dma_start3A_50 = tpu.memref_slice %arg4[%add3A, %dma_start3A_49] : memref<32x10000xi32, #tpu.memory_space<hbm>> -> memref<1x10000xi32, #tpu.memory_space<hbm>>
      %dma_start3A_51 = tpu.memref_squeeze %dma_start3A_50 : memref<1x10000xi32, #tpu.memory_space<hbm>> -> memref<10000xi32, #tpu.memory_space<hbm>>
      %dma_start3A_52 = arith.constant 0 : i32
      %dma_start3A_53 = tpu.memref_slice %arg4[%add3A, %dma_start3A_52] : memref<32x10000xi32, #tpu.memory_space<hbm>> -> memref<1x10000xi32, #tpu.memory_space<hbm>>
      %dma_start3A_54 = tpu.memref_squeeze %dma_start3A_53 : memref<1x10000xi32, #tpu.memory_space<hbm>> -> memref<10000xi32, #tpu.memory_space<hbm>>
      tpu.enqueue_dma source(%dma_start3A_54 : memref<10000xi32, #tpu.memory_space<hbm>>) target(%arg8 : memref<10000xi32, #tpu.memory_space<vmem>>) target_semaphore(%run_scoped3A : memref<!tpu.dma_semaphore, #tpu.memory_space<semaphore_mem>>)
      %dma_wait3A_55 = arith.constant 0 : i32
      %dma_wait3A_56 = tpu.memref_slice %arg4[%add3A, %dma_wait3A_55] : memref<32x10000xi32, #tpu.memory_space<hbm>> -> memref<1x10000xi32, #tpu.memory_space<hbm>>
      %dma_wait3A_57 = tpu.memref_squeeze %dma_wait3A_56 : memref<1x10000xi32, #tpu.memory_space<hbm>> -> memref<10000xi32, #tpu.memory_space<hbm>>
      %dma_wait3A_58 = arith.constant 0 : i32
      %dma_wait3A_59 = tpu.memref_slice %arg4[%add3A, %dma_wait3A_58] : memref<32x10000xi32, #tpu.memory_space<hbm>> -> memref<1x10000xi32, #tpu.memory_space<hbm>>
      %dma_wait3A_60 = tpu.memref_squeeze %dma_wait3A_59 : memref<1x10000xi32, #tpu.memory_space<hbm>> -> memref<10000xi32, #tpu.memory_space<hbm>>
      tpu.wait_dma2 semaphore(%run_scoped3A : memref<!tpu.dma_semaphore, #tpu.memory_space<semaphore_mem>>) src(%dma_wait3A_60 : memref<10000xi32, #tpu.memory_space<hbm>>) dst(%arg8 : memref<10000xi32, #tpu.memory_space<vmem>>)
      tpu.yield
    }) : () -> ()
    %barrier3A = arith.constant 0 : index
    tpu.barrier barrier_id(%barrier3A)
    %dma_start3A = arith.constant 0 : i32
    %dma_start3A_15 = tpu.memref_slice %arg7[%dma_start3A] : memref<10000xi32, #tpu.memory_space<vmem>> -> memref<40xi32, #tpu.memory_space<vmem>>
    %dma_start3A_16 = arith.constant 0 : i32
    %dma_start3A_17 = arith.constant 0 : i32
    %dma_start3A_18 = tpu.memref_slice %arg2[%dma_start3A_16, %dma_start3A_17] : memref<10000x128xf32, #tpu.memory_space<hbm>> -> memref<10000x128xf32, #tpu.memory_space<hbm>>
    tpu.enqueue_indirect_dma source(%dma_start3A_18 : memref<10000x128xf32, #tpu.memory_space<hbm>>) target(%arg10 : memref<40x128xf32, #tpu.memory_space<vmem>>) offsets(%dma_start3A_15 : memref<40xi32, #tpu.memory_space<vmem>>) semaphore(%arg14 : memref<!tpu.dma_semaphore, #tpu.memory_space<semaphore_mem>>)
    %dma_start3A_19 = arith.constant 40 : i32
    %dma_start3A_20 = tpu.memref_slice %arg7[%dma_start3A_19] : memref<10000xi32, #tpu.memory_space<vmem>> -> memref<40xi32, #tpu.memory_space<vmem>>
    %dma_start3A_21 = arith.constant 0 : i32
    %dma_start3A_22 = arith.constant 0 : i32
    %dma_start3A_23 = tpu.memref_slice %arg2[%dma_start3A_21, %dma_start3A_22] : memref<10000x128xf32, #tpu.memory_space<hbm>> -> memref<10000x128xf32, #tpu.memory_space<hbm>>
    tpu.enqueue_indirect_dma source(%dma_start3A_23 : memref<10000x128xf32, #tpu.memory_space<hbm>>) target(%arg11 : memref<40x128xf32, #tpu.memory_space<vmem>>) offsets(%dma_start3A_20 : memref<40xi32, #tpu.memory_space<vmem>>) semaphore(%arg15 : memref<!tpu.dma_semaphore, #tpu.memory_space<semaphore_mem>>)
    %scan3A_24 = arith.constant 0 : i32
    %scan3A_25 = arith.constant 125 : i32
    %scan3A_26 = arith.addi %scan3A_24, %scan3A_25 : i32
    %scan3A_27 = arith.constant 1 : i32
    scf.for %scan3A_49 = %scan3A_24 to %scan3A_26 step %scan3A_27  : i32 {
      %mul3A_50 = arith.constant 2 : i32
      %mul3A_51 = arith.muli %scan3A_49, %mul3A_50 : i32
      %add3A_52 = arith.constant 0 : i32
      %add3A_53 = arith.addi %add3A_52, %mul3A_51 : i32
      %add3A_54 = arith.constant 0 : i32
      %add3A_55 = arith.addi %add3A_53, %add3A_54 : i32
      %mul3A_56 = arith.constant 40 : i32
      %mul3A_57 = arith.muli %add3A_55, %mul3A_56 : i32
      %dma_wait3A_58 = tpu.memref_slice %arg7[%mul3A_57] : memref<10000xi32, #tpu.memory_space<vmem>> -> memref<40xi32, #tpu.memory_space<vmem>>
      %dma_wait3A_59 = arith.constant 0 : i32
      %dma_wait3A_60 = arith.constant 0 : i32
      %dma_wait3A_61 = tpu.memref_slice %arg2[%dma_wait3A_59, %dma_wait3A_60] : memref<10000x128xf32, #tpu.memory_space<hbm>> -> memref<10000x128xf32, #tpu.memory_space<hbm>>
      tpu.wait_indirect_dma semaphore(%arg14 : memref<!tpu.dma_semaphore, #tpu.memory_space<semaphore_mem>>) src(%dma_wait3A_61 : memref<10000x128xf32, #tpu.memory_space<hbm>>) dst(%arg10 : memref<40x128xf32, #tpu.memory_space<vmem>>)
      %parallel_loop3A = arith.constant 0 : i32
      %parallel_loop3A_62 = arith.constant 40 : i32
      %parallel_loop3A_63 = arith.constant 1 : i32
      scf.for %parallel_loop3A_104 = %parallel_loop3A to %parallel_loop3A_62 step %parallel_loop3A_63  : i32 {
        %parallel_loop3A_105 = arith.constant 40 : i32
        %parallel_loop3A_106 = arith.muli %add3A_55, %parallel_loop3A_105 : i32
        %parallel_loop3A_107 = arith.addi %parallel_loop3A_106, %parallel_loop3A_104 : i32
        %parallel_loop3A_108 = vector.broadcast %parallel_loop3A_107 : i32 to vector<16xi32>
        %parallel_loop3A_109 = tpu.vector_load_idx %arg9[%parallel_loop3A_108] : memref<10000xf32, #tpu.memory_space<vmem>>[vector<16xi32>], vector<16xf32>,
        %parallel_loop3A_110 = arith.index_cast %parallel_loop3A_104 : i32 to index
        %parallel_loop3A_111 = arith.constant 0 : index
        %parallel_loop3A_112 = tpu.vector_load %arg10[%parallel_loop3A_110, %parallel_loop3A_111] {strides = array<i32>} : memref<40x128xf32, #tpu.memory_space<vmem>>, vector<16xf32>,
        %parallel_loop3A_113 = arith.mulf %parallel_loop3A_112, %parallel_loop3A_109 : vector<16xf32>
        %parallel_loop3A_114 = arith.index_cast %parallel_loop3A_104 : i32 to index
        %parallel_loop3A_115 = arith.constant 0 : index
        %parallel_loop3A_116 = tpu.vector_load %arg10[%parallel_loop3A_114, %parallel_loop3A_115] {strides = array<i32>} : memref<40x128xf32, #tpu.memory_space<vmem>>, vector<16xf32>,
        tpu.vector_store %arg10[%parallel_loop3A_114, %parallel_loop3A_115], %parallel_loop3A_113 {strides = array<i32>} : memref<40x128xf32, #tpu.memory_space<vmem>>, vector<16xf32>,
        %parallel_loop3A_117 = arith.index_cast %parallel_loop3A_104 : i32 to index
        %parallel_loop3A_118 = arith.constant 16 : index
        %parallel_loop3A_119 = tpu.vector_load %arg10[%parallel_loop3A_117, %parallel_loop3A_118] {strides = array<i32>} : memref<40x128xf32, #tpu.memory_space<vmem>>, vector<16xf32>,
        %parallel_loop3A_120 = arith.mulf %parallel_loop3A_119, %parallel_loop3A_109 : vector<16xf32>
        %parallel_loop3A_121 = arith.index_cast %parallel_loop3A_104 : i32 to index
        %parallel_loop3A_122 = arith.constant 16 : index
        %parallel_loop3A_123 = tpu.vector_load %arg10[%parallel_loop3A_121, %parallel_loop3A_122] {strides = array<i32>} : memref<40x128xf32, #tpu.memory_space<vmem>>, vector<16xf32>,
        tpu.vector_store %arg10[%parallel_loop3A_121, %parallel_loop3A_122], %parallel_loop3A_120 {strides = array<i32>} : memref<40x128xf32, #tpu.memory_space<vmem>>, vector<16xf32>,
        %parallel_loop3A_124 = arith.index_cast %parallel_loop3A_104 : i32 to index
        %parallel_loop3A_125 = arith.constant 32 : index
        %parallel_loop3A_126 = tpu.vector_load %arg10[%parallel_loop3A_124, %parallel_loop3A_125] {strides = array<i32>} : memref<40x128xf32, #tpu.memory_space<vmem>>, vector<16xf32>,
        %parallel_loop3A_127 = arith.mulf %parallel_loop3A_126, %parallel_loop3A_109 : vector<16xf32>
        %parallel_loop3A_128 = arith.index_cast %parallel_loop3A_104 : i32 to index
        %parallel_loop3A_129 = arith.constant 32 : index
        %parallel_loop3A_130 = tpu.vector_load %arg10[%parallel_loop3A_128, %parallel_loop3A_129] {strides = array<i32>} : memref<40x128xf32, #tpu.memory_space<vmem>>, vector<16xf32>,
        tpu.vector_store %arg10[%parallel_loop3A_128, %parallel_loop3A_129], %parallel_loop3A_127 {strides = array<i32>} : memref<40x128xf32, #tpu.memory_space<vmem>>, vector<16xf32>,
        %parallel_loop3A_131 = arith.index_cast %parallel_loop3A_104 : i32 to index
        %parallel_loop3A_132 = arith.constant 48 : index
        %parallel_loop3A_133 = tpu.vector_load %arg10[%parallel_loop3A_131, %parallel_loop3A_132] {strides = array<i32>} : memref<40x128xf32, #tpu.memory_space<vmem>>, vector<16xf32>,
        %parallel_loop3A_134 = arith.mulf %parallel_loop3A_133, %parallel_loop3A_109 : vector<16xf32>
        %parallel_loop3A_135 = arith.index_cast %parallel_loop3A_104 : i32 to index
        %parallel_loop3A_136 = arith.constant 48 : index
        %parallel_loop3A_137 = tpu.vector_load %arg10[%parallel_loop3A_135, %parallel_loop3A_136] {strides = array<i32>} : memref<40x128xf32, #tpu.memory_space<vmem>>, vector<16xf32>,
        tpu.vector_store %arg10[%parallel_loop3A_135, %parallel_loop3A_136], %parallel_loop3A_134 {strides = array<i32>} : memref<40x128xf32, #tpu.memory_space<vmem>>, vector<16xf32>,
        %parallel_loop3A_138 = arith.index_cast %parallel_loop3A_104 : i32 to index
        %parallel_loop3A_139 = arith.constant 64 : index
        %parallel_loop3A_140 = tpu.vector_load %arg10[%parallel_loop3A_138, %parallel_loop3A_139] {strides = array<i32>} : memref<40x128xf32, #tpu.memory_space<vmem>>, vector<16xf32>,
        %parallel_loop3A_141 = arith.mulf %parallel_loop3A_140, %parallel_loop3A_109 : vector<16xf32>
        %parallel_loop3A_142 = arith.index_cast %parallel_loop3A_104 : i32 to index
        %parallel_loop3A_143 = arith.constant 64 : index
        %parallel_loop3A_144 = tpu.vector_load %arg10[%parallel_loop3A_142, %parallel_loop3A_143] {strides = array<i32>} : memref<40x128xf32, #tpu.memory_space<vmem>>, vector<16xf32>,
        tpu.vector_store %arg10[%parallel_loop3A_142, %parallel_loop3A_143], %parallel_loop3A_141 {strides = array<i32>} : memref<40x128xf32, #tpu.memory_space<vmem>>, vector<16xf32>,
        %parallel_loop3A_145 = arith.index_cast %parallel_loop3A_104 : i32 to index
        %parallel_loop3A_146 = arith.constant 80 : index
        %parallel_loop3A_147 = tpu.vector_load %arg10[%parallel_loop3A_145, %parallel_loop3A_146] {strides = array<i32>} : memref<40x128xf32, #tpu.memory_space<vmem>>, vector<16xf32>,
        %parallel_loop3A_148 = arith.mulf %parallel_loop3A_147, %parallel_loop3A_109 : vector<16xf32>
        %parallel_loop3A_149 = arith.index_cast %parallel_loop3A_104 : i32 to index
        %parallel_loop3A_150 = arith.constant 80 : index
        %parallel_loop3A_151 = tpu.vector_load %arg10[%parallel_loop3A_149, %parallel_loop3A_150] {strides = array<i32>} : memref<40x128xf32, #tpu.memory_space<vmem>>, vector<16xf32>,
        tpu.vector_store %arg10[%parallel_loop3A_149, %parallel_loop3A_150], %parallel_loop3A_148 {strides = array<i32>} : memref<40x128xf32, #tpu.memory_space<vmem>>, vector<16xf32>,
        %parallel_loop3A_152 = arith.index_cast %parallel_loop3A_104 : i32 to index
        %parallel_loop3A_153 = arith.constant 96 : index
        %parallel_loop3A_154 = tpu.vector_load %arg10[%parallel_loop3A_152, %parallel_loop3A_153] {strides = array<i32>} : memref<40x128xf32, #tpu.memory_space<vmem>>, vector<16xf32>,
        %parallel_loop3A_155 = arith.mulf %parallel_loop3A_154, %parallel_loop3A_109 : vector<16xf32>
        %parallel_loop3A_156 = arith.index_cast %parallel_loop3A_104 : i32 to index
        %parallel_loop3A_157 = arith.constant 96 : index
        %parallel_loop3A_158 = tpu.vector_load %arg10[%parallel_loop3A_156, %parallel_loop3A_157] {strides = array<i32>} : memref<40x128xf32, #tpu.memory_space<vmem>>, vector<16xf32>,
        tpu.vector_store %arg10[%parallel_loop3A_156, %parallel_loop3A_157], %parallel_loop3A_155 {strides = array<i32>} : memref<40x128xf32, #tpu.memory_space<vmem>>, vector<16xf32>,
        %parallel_loop3A_159 = arith.index_cast %parallel_loop3A_104 : i32 to index
        %parallel_loop3A_160 = arith.constant 112 : index
        %parallel_loop3A_161 = tpu.vector_load %arg10[%parallel_loop3A_159, %parallel_loop3A_160] {strides = array<i32>} : memref<40x128xf32, #tpu.memory_space<vmem>>, vector<16xf32>,
        %parallel_loop3A_162 = arith.mulf %parallel_loop3A_161, %parallel_loop3A_109 : vector<16xf32>
        %parallel_loop3A_163 = arith.index_cast %parallel_loop3A_104 : i32 to index
        %parallel_loop3A_164 = arith.constant 112 : index
        %parallel_loop3A_165 = tpu.vector_load %arg10[%parallel_loop3A_163, %parallel_loop3A_164] {strides = array<i32>} : memref<40x128xf32, #tpu.memory_space<vmem>>, vector<16xf32>,
        tpu.vector_store %arg10[%parallel_loop3A_163, %parallel_loop3A_164], %parallel_loop3A_162 {strides = array<i32>} : memref<40x128xf32, #tpu.memory_space<vmem>>, vector<16xf32>,
      } {sc.loop_unroll_factor = 8 : i64, sc.parallel_access}
      %mul3A_64 = arith.constant 40 : i32
      %mul3A_65 = arith.muli %add3A_55, %mul3A_64 : i32
      %dma_start3A_66 = tpu.memref_slice %arg8[%mul3A_65] : memref<10000xi32, #tpu.memory_space<vmem>> -> memref<40xi32, #tpu.memory_space<vmem>>
      %dma_start3A_67 = arith.constant 0 : i32
      %dma_start3A_68 = arith.constant 0 : i32
      %dma_start3A_69 = tpu.memref_slice %arg13[%dma_start3A_67, %dma_start3A_68] : memref<10000x128xf32, #tpu.memory_space<vmem_shared>> -> memref<10000x128xf32, #tpu.memory_space<vmem_shared>>
      tpu.enqueue_indirect_dma source(%arg10 : memref<40x128xf32, #tpu.memory_space<vmem>>) target(%dma_start3A_69 : memref<10000x128xf32, #tpu.memory_space<vmem_shared>>) offsets(%dma_start3A_66 : memref<40xi32, #tpu.memory_space<vmem>>) semaphore(%arg16 : memref<!tpu.dma_semaphore, #tpu.memory_space<semaphore_mem>>) {add = true}
      %add3A_70 = arith.constant 1 : i32
      %add3A_71 = arith.addi %add3A_53, %add3A_70 : i32
      %mul3A_72 = arith.constant 40 : i32
      %mul3A_73 = arith.muli %add3A_71, %mul3A_72 : i32
      %dma_wait3A_74 = tpu.memref_slice %arg7[%mul3A_73] : memref<10000xi32, #tpu.memory_space<vmem>> -> memref<40xi32, #tpu.memory_space<vmem>>
      %dma_wait3A_75 = arith.constant 0 : i32
      %dma_wait3A_76 = arith.constant 0 : i32
      %dma_wait3A_77 = tpu.memref_slice %arg2[%dma_wait3A_75, %dma_wait3A_76] : memref<10000x128xf32, #tpu.memory_space<hbm>> -> memref<10000x128xf32, #tpu.memory_space<hbm>>
      tpu.wait_indirect_dma semaphore(%arg15 : memref<!tpu.dma_semaphore, #tpu.memory_space<semaphore_mem>>) src(%dma_wait3A_77 : memref<10000x128xf32, #tpu.memory_space<hbm>>) dst(%arg11 : memref<40x128xf32, #tpu.memory_space<vmem>>)
      %parallel_loop3A_78 = arith.constant 0 : i32
      %parallel_loop3A_79 = arith.constant 40 : i32
      %parallel_loop3A_80 = arith.constant 1 : i32
      scf.for %parallel_loop3A_104 = %parallel_loop3A_78 to %parallel_loop3A_79 step %parallel_loop3A_80  : i32 {
        %parallel_loop3A_105 = arith.constant 40 : i32
        %parallel_loop3A_106 = arith.muli %add3A_71, %parallel_loop3A_105 : i32
        %parallel_loop3A_107 = arith.addi %parallel_loop3A_106, %parallel_loop3A_104 : i32
        %parallel_loop3A_108 = vector.broadcast %parallel_loop3A_107 : i32 to vector<16xi32>
        %parallel_loop3A_109 = tpu.vector_load_idx %arg9[%parallel_loop3A_108] : memref<10000xf32, #tpu.memory_space<vmem>>[vector<16xi32>], vector<16xf32>,
        %parallel_loop3A_110 = arith.index_cast %parallel_loop3A_104 : i32 to index
        %parallel_loop3A_111 = arith.constant 0 : index
        %parallel_loop3A_112 = tpu.vector_load %arg11[%parallel_loop3A_110, %parallel_loop3A_111] {strides = array<i32>} : memref<40x128xf32, #tpu.memory_space<vmem>>, vector<16xf32>,
        %parallel_loop3A_113 = arith.mulf %parallel_loop3A_112, %parallel_loop3A_109 : vector<16xf32>
        %parallel_loop3A_114 = arith.index_cast %parallel_loop3A_104 : i32 to index
        %parallel_loop3A_115 = arith.constant 0 : index
        %parallel_loop3A_116 = tpu.vector_load %arg11[%parallel_loop3A_114, %parallel_loop3A_115] {strides = array<i32>} : memref<40x128xf32, #tpu.memory_space<vmem>>, vector<16xf32>,
        tpu.vector_store %arg11[%parallel_loop3A_114, %parallel_loop3A_115], %parallel_loop3A_113 {strides = array<i32>} : memref<40x128xf32, #tpu.memory_space<vmem>>, vector<16xf32>,
        %parallel_loop3A_117 = arith.index_cast %parallel_loop3A_104 : i32 to index
        %parallel_loop3A_118 = arith.constant 16 : index
        %parallel_loop3A_119 = tpu.vector_load %arg11[%parallel_loop3A_117, %parallel_loop3A_118] {strides = array<i32>} : memref<40x128xf32, #tpu.memory_space<vmem>>, vector<16xf32>,
        %parallel_loop3A_120 = arith.mulf %parallel_loop3A_119, %parallel_loop3A_109 : vector<16xf32>
        %parallel_loop3A_121 = arith.index_cast %parallel_loop3A_104 : i32 to index
        %parallel_loop3A_122 = arith.constant 16 : index
        %parallel_loop3A_123 = tpu.vector_load %arg11[%parallel_loop3A_121, %parallel_loop3A_122] {strides = array<i32>} : memref<40x128xf32, #tpu.memory_space<vmem>>, vector<16xf32>,
        tpu.vector_store %arg11[%parallel_loop3A_121, %parallel_loop3A_122], %parallel_loop3A_120 {strides = array<i32>} : memref<40x128xf32, #tpu.memory_space<vmem>>, vector<16xf32>,
        %parallel_loop3A_124 = arith.index_cast %parallel_loop3A_104 : i32 to index
        %parallel_loop3A_125 = arith.constant 32 : index
        %parallel_loop3A_126 = tpu.vector_load %arg11[%parallel_loop3A_124, %parallel_loop3A_125] {strides = array<i32>} : memref<40x128xf32, #tpu.memory_space<vmem>>, vector<16xf32>,
        %parallel_loop3A_127 = arith.mulf %parallel_loop3A_126, %parallel_loop3A_109 : vector<16xf32>
        %parallel_loop3A_128 = arith.index_cast %parallel_loop3A_104 : i32 to index
        %parallel_loop3A_129 = arith.constant 32 : index
        %parallel_loop3A_130 = tpu.vector_load %arg11[%parallel_loop3A_128, %parallel_loop3A_129] {strides = array<i32>} : memref<40x128xf32, #tpu.memory_space<vmem>>, vector<16xf32>,
        tpu.vector_store %arg11[%parallel_loop3A_128, %parallel_loop3A_129], %parallel_loop3A_127 {strides = array<i32>} : memref<40x128xf32, #tpu.memory_space<vmem>>, vector<16xf32>,
        %parallel_loop3A_131 = arith.index_cast %parallel_loop3A_104 : i32 to index
        %parallel_loop3A_132 = arith.constant 48 : index
        %parallel_loop3A_133 = tpu.vector_load %arg11[%parallel_loop3A_131, %parallel_loop3A_132] {strides = array<i32>} : memref<40x128xf32, #tpu.memory_space<vmem>>, vector<16xf32>,
        %parallel_loop3A_134 = arith.mulf %parallel_loop3A_133, %parallel_loop3A_109 : vector<16xf32>
        %parallel_loop3A_135 = arith.index_cast %parallel_loop3A_104 : i32 to index
        %parallel_loop3A_136 = arith.constant 48 : index
        %parallel_loop3A_137 = tpu.vector_load %arg11[%parallel_loop3A_135, %parallel_loop3A_136] {strides = array<i32>} : memref<40x128xf32, #tpu.memory_space<vmem>>, vector<16xf32>,
        tpu.vector_store %arg11[%parallel_loop3A_135, %parallel_loop3A_136], %parallel_loop3A_134 {strides = array<i32>} : memref<40x128xf32, #tpu.memory_space<vmem>>, vector<16xf32>,
        %parallel_loop3A_138 = arith.index_cast %parallel_loop3A_104 : i32 to index
        %parallel_loop3A_139 = arith.constant 64 : index
        %parallel_loop3A_140 = tpu.vector_load %arg11[%parallel_loop3A_138, %parallel_loop3A_139] {strides = array<i32>} : memref<40x128xf32, #tpu.memory_space<vmem>>, vector<16xf32>,
        %parallel_loop3A_141 = arith.mulf %parallel_loop3A_140, %parallel_loop3A_109 : vector<16xf32>
        %parallel_loop3A_142 = arith.index_cast %parallel_loop3A_104 : i32 to index
        %parallel_loop3A_143 = arith.constant 64 : index
        %parallel_loop3A_144 = tpu.vector_load %arg11[%parallel_loop3A_142, %parallel_loop3A_143] {strides = array<i32>} : memref<40x128xf32, #tpu.memory_space<vmem>>, vector<16xf32>,
        tpu.vector_store %arg11[%parallel_loop3A_142, %parallel_loop3A_143], %parallel_loop3A_141 {strides = array<i32>} : memref<40x128xf32, #tpu.memory_space<vmem>>, vector<16xf32>,
        %parallel_loop3A_145 = arith.index_cast %parallel_loop3A_104 : i32 to index
        %parallel_loop3A_146 = arith.constant 80 : index
        %parallel_loop3A_147 = tpu.vector_load %arg11[%parallel_loop3A_145, %parallel_loop3A_146] {strides = array<i32>} : memref<40x128xf32, #tpu.memory_space<vmem>>, vector<16xf32>,
        %parallel_loop3A_148 = arith.mulf %parallel_loop3A_147, %parallel_loop3A_109 : vector<16xf32>
        %parallel_loop3A_149 = arith.index_cast %parallel_loop3A_104 : i32 to index
        %parallel_loop3A_150 = arith.constant 80 : index
        %parallel_loop3A_151 = tpu.vector_load %arg11[%parallel_loop3A_149, %parallel_loop3A_150] {strides = array<i32>} : memref<40x128xf32, #tpu.memory_space<vmem>>, vector<16xf32>,
        tpu.vector_store %arg11[%parallel_loop3A_149, %parallel_loop3A_150], %parallel_loop3A_148 {strides = array<i32>} : memref<40x128xf32, #tpu.memory_space<vmem>>, vector<16xf32>,
        %parallel_loop3A_152 = arith.index_cast %parallel_loop3A_104 : i32 to index
        %parallel_loop3A_153 = arith.constant 96 : index
        %parallel_loop3A_154 = tpu.vector_load %arg11[%parallel_loop3A_152, %parallel_loop3A_153] {strides = array<i32>} : memref<40x128xf32, #tpu.memory_space<vmem>>, vector<16xf32>,
        %parallel_loop3A_155 = arith.mulf %parallel_loop3A_154, %parallel_loop3A_109 : vector<16xf32>
        %parallel_loop3A_156 = arith.index_cast %parallel_loop3A_104 : i32 to index
        %parallel_loop3A_157 = arith.constant 96 : index
        %parallel_loop3A_158 = tpu.vector_load %arg11[%parallel_loop3A_156, %parallel_loop3A_157] {strides = array<i32>} : memref<40x128xf32, #tpu.memory_space<vmem>>, vector<16xf32>,
        tpu.vector_store %arg11[%parallel_loop3A_156, %parallel_loop3A_157], %parallel_loop3A_155 {strides = array<i32>} : memref<40x128xf32, #tpu.memory_space<vmem>>, vector<16xf32>,
        %parallel_loop3A_159 = arith.index_cast %parallel_loop3A_104 : i32 to index
        %parallel_loop3A_160 = arith.constant 112 : index
        %parallel_loop3A_161 = tpu.vector_load %arg11[%parallel_loop3A_159, %parallel_loop3A_160] {strides = array<i32>} : memref<40x128xf32, #tpu.memory_space<vmem>>, vector<16xf32>,
        %parallel_loop3A_162 = arith.mulf %parallel_loop3A_161, %parallel_loop3A_109 : vector<16xf32>
        %parallel_loop3A_163 = arith.index_cast %parallel_loop3A_104 : i32 to index
        %parallel_loop3A_164 = arith.constant 112 : index
        %parallel_loop3A_165 = tpu.vector_load %arg11[%parallel_loop3A_163, %parallel_loop3A_164] {strides = array<i32>} : memref<40x128xf32, #tpu.memory_space<vmem>>, vector<16xf32>,
        tpu.vector_store %arg11[%parallel_loop3A_163, %parallel_loop3A_164], %parallel_loop3A_162 {strides = array<i32>} : memref<40x128xf32, #tpu.memory_space<vmem>>, vector<16xf32>,
      } {sc.loop_unroll_factor = 8 : i64, sc.parallel_access}
      %mul3A_81 = arith.constant 40 : i32
      %mul3A_82 = arith.muli %add3A_71, %mul3A_81 : i32
      %dma_start3A_83 = tpu.memref_slice %arg8[%mul3A_82] : memref<10000xi32, #tpu.memory_space<vmem>> -> memref<40xi32, #tpu.memory_space<vmem>>
      %dma_start3A_84 = arith.constant 0 : i32
      %dma_start3A_85 = arith.constant 0 : i32
      %dma_start3A_86 = tpu.memref_slice %arg13[%dma_start3A_84, %dma_start3A_85] : memref<10000x128xf32, #tpu.memory_space<vmem_shared>> -> memref<10000x128xf32, #tpu.memory_space<vmem_shared>>
      tpu.enqueue_indirect_dma source(%arg11 : memref<40x128xf32, #tpu.memory_space<vmem>>) target(%dma_start3A_86 : memref<10000x128xf32, #tpu.memory_space<vmem_shared>>) offsets(%dma_start3A_83 : memref<40xi32, #tpu.memory_space<vmem>>) semaphore(%arg17 : memref<!tpu.dma_semaphore, #tpu.memory_space<semaphore_mem>>) {add = true}
      %add3A_87 = arith.constant 0 : i32
      %add3A_88 = arith.addi %add3A_53, %add3A_87 : i32
      %add3A_89 = arith.constant 2 : i32
      %add3A_90 = arith.addi %add3A_88, %add3A_89 : i32
      %lt3A = arith.constant 250 : i32
      %lt3A_91 = arith.cmpi slt, %add3A_90, %lt3A : i32
      %convert_element_type3A_92 = arith.extui %lt3A_91 : i1 to i32
      %cond3A_93 = arith.constant 0 : i32
      %cond3A_94 = arith.cmpi ne, %convert_element_type3A_92, %cond3A_93 : i32
      scf.if %cond3A_94 {
        %mul3A_104 = arith.constant 40 : i32
        %mul3A_105 = arith.muli %add3A_88, %mul3A_104 : i32
        %dma_wait3A_106 = tpu.memref_slice %arg8[%mul3A_105] : memref<10000xi32, #tpu.memory_space<vmem>> -> memref<40xi32, #tpu.memory_space<vmem>>
        %dma_wait3A_107 = arith.constant 0 : i32
        %dma_wait3A_108 = arith.constant 0 : i32
        %dma_wait3A_109 = tpu.memref_slice %arg13[%dma_wait3A_107, %dma_wait3A_108] : memref<10000x128xf32, #tpu.memory_space<vmem_shared>> -> memref<10000x128xf32, #tpu.memory_space<vmem_shared>>
        tpu.wait_indirect_dma semaphore(%arg16 : memref<!tpu.dma_semaphore, #tpu.memory_space<semaphore_mem>>) src(%arg10 : memref<40x128xf32, #tpu.memory_space<vmem>>) dst(%dma_wait3A_109 : memref<10000x128xf32, #tpu.memory_space<vmem_shared>>)
        %mul3A_110 = arith.constant 40 : i32
        %mul3A_111 = arith.muli %add3A_90, %mul3A_110 : i32
        %dma_start3A_112 = tpu.memref_slice %arg7[%mul3A_111] : memref<10000xi32, #tpu.memory_space<vmem>> -> memref<40xi32, #tpu.memory_space<vmem>>
        %dma_start3A_113 = arith.constant 0 : i32
        %dma_start3A_114 = arith.constant 0 : i32
        %dma_start3A_115 = tpu.memref_slice %arg2[%dma_start3A_113, %dma_start3A_114] : memref<10000x128xf32, #tpu.memory_space<hbm>> -> memref<10000x128xf32, #tpu.memory_space<hbm>>
        tpu.enqueue_indirect_dma source(%dma_start3A_115 : memref<10000x128xf32, #tpu.memory_space<hbm>>) target(%arg10 : memref<40x128xf32, #tpu.memory_space<vmem>>) offsets(%dma_start3A_112 : memref<40xi32, #tpu.memory_space<vmem>>) semaphore(%arg14 : memref<!tpu.dma_semaphore, #tpu.memory_space<semaphore_mem>>)
      } else {
      }
      %add3A_95 = arith.constant 1 : i32
      %add3A_96 = arith.addi %add3A_53, %add3A_95 : i32
      %add3A_97 = arith.constant 2 : i32
      %add3A_98 = arith.addi %add3A_96, %add3A_97 : i32
      %lt3A_99 = arith.constant 250 : i32
      %lt3A_100 = arith.cmpi slt, %add3A_98, %lt3A_99 : i32
      %convert_element_type3A_101 = arith.extui %lt3A_100 : i1 to i32
      %cond3A_102 = arith.constant 0 : i32
      %cond3A_103 = arith.cmpi ne, %convert_element_type3A_101, %cond3A_102 : i32
      scf.if %cond3A_103 {
        %mul3A_104 = arith.constant 40 : i32
        %mul3A_105 = arith.muli %add3A_96, %mul3A_104 : i32
        %dma_wait3A_106 = tpu.memref_slice %arg8[%mul3A_105] : memref<10000xi32, #tpu.memory_space<vmem>> -> memref<40xi32, #tpu.memory_space<vmem>>
        %dma_wait3A_107 = arith.constant 0 : i32
        %dma_wait3A_108 = arith.constant 0 : i32
        %dma_wait3A_109 = tpu.memref_slice %arg13[%dma_wait3A_107, %dma_wait3A_108] : memref<10000x128xf32, #tpu.memory_space<vmem_shared>> -> memref<10000x128xf32, #tpu.memory_space<vmem_shared>>
        tpu.wait_indirect_dma semaphore(%arg17 : memref<!tpu.dma_semaphore, #tpu.memory_space<semaphore_mem>>) src(%arg11 : memref<40x128xf32, #tpu.memory_space<vmem>>) dst(%dma_wait3A_109 : memref<10000x128xf32, #tpu.memory_space<vmem_shared>>)
        %mul3A_110 = arith.constant 40 : i32
        %mul3A_111 = arith.muli %add3A_98, %mul3A_110 : i32
        %dma_start3A_112 = tpu.memref_slice %arg7[%mul3A_111] : memref<10000xi32, #tpu.memory_space<vmem>> -> memref<40xi32, #tpu.memory_space<vmem>>
        %dma_start3A_113 = arith.constant 0 : i32
        %dma_start3A_114 = arith.constant 0 : i32
        %dma_start3A_115 = tpu.memref_slice %arg2[%dma_start3A_113, %dma_start3A_114] : memref<10000x128xf32, #tpu.memory_space<hbm>> -> memref<10000x128xf32, #tpu.memory_space<hbm>>
        tpu.enqueue_indirect_dma source(%dma_start3A_115 : memref<10000x128xf32, #tpu.memory_space<hbm>>) target(%arg11 : memref<40x128xf32, #tpu.memory_space<vmem>>) offsets(%dma_start3A_112 : memref<40xi32, #tpu.memory_space<vmem>>) semaphore(%arg15 : memref<!tpu.dma_semaphore, #tpu.memory_space<semaphore_mem>>)
      } else {
      }
    }
    %scan3A_28 = arith.constant 125 : i32
    %dma_wait3A = arith.constant 9920 : i32
    %dma_wait3A_29 = tpu.memref_slice %arg8[%dma_wait3A] : memref<10000xi32, #tpu.memory_space<vmem>> -> memref<40xi32, #tpu.memory_space<vmem>>
    %dma_wait3A_30 = arith.constant 0 : i32
    %dma_wait3A_31 = arith.constant 0 : i32
    %dma_wait3A_32 = tpu.memref_slice %arg13[%dma_wait3A_30, %dma_wait3A_31] : memref<10000x128xf32, #tpu.memory_space<vmem_shared>> -> memref<10000x128xf32, #tpu.memory_space<vmem_shared>>
    tpu.wait_indirect_dma semaphore(%arg16 : memref<!tpu.dma_semaphore, #tpu.memory_space<semaphore_mem>>) src(%arg10 : memref<40x128xf32, #tpu.memory_space<vmem>>) dst(%dma_wait3A_32 : memref<10000x128xf32, #tpu.memory_space<vmem_shared>>)
    %dma_wait3A_33 = arith.constant 9960 : i32
    %dma_wait3A_34 = tpu.memref_slice %arg8[%dma_wait3A_33] : memref<10000xi32, #tpu.memory_space<vmem>> -> memref<40xi32, #tpu.memory_space<vmem>>
    %dma_wait3A_35 = arith.constant 0 : i32
    %dma_wait3A_36 = arith.constant 0 : i32
    %dma_wait3A_37 = tpu.memref_slice %arg13[%dma_wait3A_35, %dma_wait3A_36] : memref<10000x128xf32, #tpu.memory_space<vmem_shared>> -> memref<10000x128xf32, #tpu.memory_space<vmem_shared>>
    tpu.wait_indirect_dma semaphore(%arg17 : memref<!tpu.dma_semaphore, #tpu.memory_space<semaphore_mem>>) src(%arg11 : memref<40x128xf32, #tpu.memory_space<vmem>>) dst(%dma_wait3A_37 : memref<10000x128xf32, #tpu.memory_space<vmem_shared>>)
    %barrier3A_38 = arith.constant 0 : index
    tpu.barrier barrier_id(%barrier3A_38)
    %scan3A_39 = arith.constant 0 : i32
    %scan3A_40 = arith.constant 39 : i32
    %scan3A_41 = arith.addi %scan3A_39, %scan3A_40 : i32
    %scan3A_42 = arith.constant 1 : i32
    scf.for %scan3A_49 = %scan3A_39 to %scan3A_41 step %scan3A_42  : i32 {
      %mul3A_50 = arith.constant 1 : i32
      %mul3A_51 = arith.muli %scan3A_49, %mul3A_50 : i32
      %add3A_52 = arith.constant 0 : i32
      %add3A_53 = arith.addi %add3A_52, %mul3A_51 : i32
      %mul3A_54 = arith.constant 624 : i32
      %mul3A_55 = arith.muli %arg1, %mul3A_54 : i32
      %mul3A_56 = arith.constant 16 : i32
      %mul3A_57 = arith.muli %add3A_53, %mul3A_56 : i32
      %add3A_58 = arith.addi %mul3A_55, %mul3A_57 : i32
      "tpu.region"() ({
        %run_scoped3A = tpu.sem_alloc : memref<!tpu.dma_semaphore, #tpu.memory_space<semaphore_mem>>
        %dma_start3A_59 = arith.constant 0 : i32
        %dma_start3A_60 = tpu.memref_slice %arg6[%arg0, %add3A_58, %dma_start3A_59] : memref<2x10000x128xf32, #tpu.memory_space<hbm>> -> memref<1x16x128xf32, #tpu.memory_space<hbm>>
        %dma_start3A_61 = tpu.memref_squeeze %dma_start3A_60 : memref<1x16x128xf32, #tpu.memory_space<hbm>> -> memref<16x128xf32, #tpu.memory_space<hbm>>
        %dma_start3A_62 = arith.constant 0 : i32
        %dma_start3A_63 = tpu.memref_slice %arg13[%add3A_58, %dma_start3A_62] : memref<10000x128xf32, #tpu.memory_space<vmem_shared>> -> memref<16x128xf32, #tpu.memory_space<vmem_shared>>
        tpu.enqueue_dma source(%dma_start3A_63 : memref<16x128xf32, #tpu.memory_space<vmem_shared>>) target(%dma_start3A_61 : memref<16x128xf32, #tpu.memory_space<hbm>>) target_semaphore(%run_scoped3A : memref<!tpu.dma_semaphore, #tpu.memory_space<semaphore_mem>>)
        %dma_wait3A_64 = arith.constant 0 : i32
        %dma_wait3A_65 = tpu.memref_slice %arg6[%arg0, %add3A_58, %dma_wait3A_64] : memref<2x10000x128xf32, #tpu.memory_space<hbm>> -> memref<1x16x128xf32, #tpu.memory_space<hbm>>
        %dma_wait3A_66 = tpu.memref_squeeze %dma_wait3A_65 : memref<1x16x128xf32, #tpu.memory_space<hbm>> -> memref<16x128xf32, #tpu.memory_space<hbm>>
        %dma_wait3A_67 = arith.constant 0 : i32
        %dma_wait3A_68 = tpu.memref_slice %arg13[%add3A_58, %dma_wait3A_67] : memref<10000x128xf32, #tpu.memory_space<vmem_shared>> -> memref<16x128xf32, #tpu.memory_space<vmem_shared>>
        tpu.wait_dma2 semaphore(%run_scoped3A : memref<!tpu.dma_semaphore, #tpu.memory_space<semaphore_mem>>) src(%dma_wait3A_68 : memref<16x128xf32, #tpu.memory_space<vmem_shared>>) dst(%dma_wait3A_66 : memref<16x128xf32, #tpu.memory_space<hbm>>)
        tpu.yield
      }) : () -> ()
    }
    %scan3A_43 = arith.constant 39 : i32
    %eq3A_44 = arith.constant 15 : i32
    %eq3A_45 = arith.cmpi eq, %arg1, %eq3A_44 : i32
    %convert_element_type3A_46 = arith.extui %eq3A_45 : i1 to i32
    %cond3A_47 = arith.constant 0 : i32
    %cond3A_48 = arith.cmpi ne, %convert_element_type3A_46, %cond3A_47 : i32
    scf.if %cond3A_48 {
      %scan3A_49 = arith.constant 0 : i32
      %mul3A_50 = arith.constant 1 : i32
      %mul3A_51 = arith.muli %scan3A_49, %mul3A_50 : i32
      %add3A_52 = arith.constant 39 : i32
      %add3A_53 = arith.addi %add3A_52, %mul3A_51 : i32
      %mul3A_54 = arith.constant 16 : i32
      %mul3A_55 = arith.muli %add3A_53, %mul3A_54 : i32
      %add3A_56 = arith.constant 9360 : i32
      %add3A_57 = arith.addi %add3A_56, %mul3A_55 : i32
      "tpu.region"() ({
        %run_scoped3A = tpu.sem_alloc : memref<!tpu.dma_semaphore, #tpu.memory_space<semaphore_mem>>
        %dma_start3A_59 = arith.constant 0 : i32
        %dma_start3A_60 = tpu.memref_slice %arg6[%arg0, %add3A_57, %dma_start3A_59] : memref<2x10000x128xf32, #tpu.memory_space<hbm>> -> memref<1x16x128xf32, #tpu.memory_space<hbm>>
        %dma_start3A_61 = tpu.memref_squeeze %dma_start3A_60 : memref<1x16x128xf32, #tpu.memory_space<hbm>> -> memref<16x128xf32, #tpu.memory_space<hbm>>
        %dma_start3A_62 = arith.constant 0 : i32
        %dma_start3A_63 = tpu.memref_slice %arg13[%add3A_57, %dma_start3A_62] : memref<10000x128xf32, #tpu.memory_space<vmem_shared>> -> memref<16x128xf32, #tpu.memory_space<vmem_shared>>
        tpu.enqueue_dma source(%dma_start3A_63 : memref<16x128xf32, #tpu.memory_space<vmem_shared>>) target(%dma_start3A_61 : memref<16x128xf32, #tpu.memory_space<hbm>>) target_semaphore(%run_scoped3A : memref<!tpu.dma_semaphore, #tpu.memory_space<semaphore_mem>>)
        %dma_wait3A_64 = arith.constant 0 : i32
        %dma_wait3A_65 = tpu.memref_slice %arg6[%arg0, %add3A_57, %dma_wait3A_64] : memref<2x10000x128xf32, #tpu.memory_space<hbm>> -> memref<1x16x128xf32, #tpu.memory_space<hbm>>
        %dma_wait3A_66 = tpu.memref_squeeze %dma_wait3A_65 : memref<1x16x128xf32, #tpu.memory_space<hbm>> -> memref<16x128xf32, #tpu.memory_space<hbm>>
        %dma_wait3A_67 = arith.constant 0 : i32
        %dma_wait3A_68 = tpu.memref_slice %arg13[%add3A_57, %dma_wait3A_67] : memref<10000x128xf32, #tpu.memory_space<vmem_shared>> -> memref<16x128xf32, #tpu.memory_space<vmem_shared>>
        tpu.wait_dma2 semaphore(%run_scoped3A : memref<!tpu.dma_semaphore, #tpu.memory_space<semaphore_mem>>) src(%dma_wait3A_68 : memref<16x128xf32, #tpu.memory_space<vmem_shared>>) dst(%dma_wait3A_66 : memref<16x128xf32, #tpu.memory_space<hbm>>)
        tpu.yield
      }) : () -> ()
      %scan3A_58 = arith.constant 1 : i32
    } else {
    }
    return
  }
}

#map = affine_map<(d0, d1) -> (0, 0)>
#map1 = affine_map<(d0, d1) -> (0)>
#map2 = affine_map<(d0, d1) -> (0, 0, 0)>
module attributes {stable_mosaic.version = 14 : i64} {
  func.func @agg(%arg0: i32, %arg1: i32, %arg2: memref<10000x128xf32, #tpu.memory_space<hbm>>, %arg3: memref<32x10000xi32, #tpu.memory_space<hbm>>, %arg4: memref<32x10000xi32, #tpu.memory_space<hbm>>, %arg5: memref<320000xf32, #tpu.memory_space<hbm>>, %arg6: memref<2x10000x128xf32, #tpu.memory_space<hbm>>, %arg7: memref<10000xi32, #tpu.memory_space<vmem>>, %arg8: memref<10000xi32, #tpu.memory_space<vmem>>, %arg9: memref<10000xf32, #tpu.memory_space<vmem>>, %arg10: memref<40x128xf32, #tpu.memory_space<vmem>>, %arg11: memref<40x128xf32, #tpu.memory_space<vmem>>, %arg12: memref<16x128xf32, #tpu.memory_space<vmem>>, %arg13: memref<10000x128xf32, #tpu.memory_space<vmem_shared>>, %arg14: memref<!tpu.dma_semaphore, #tpu.memory_space<semaphore_mem>>, %arg15: memref<!tpu.dma_semaphore, #tpu.memory_space<semaphore_mem>>, %arg16: memref<!tpu.dma_semaphore, #tpu.memory_space<semaphore_mem>>, %arg17: memref<!tpu.dma_semaphore, #tpu.memory_space<semaphore_mem>>) attributes {dimension_semantics = [#tpu.dimension_semantics<core_parallel>, #tpu.dimension_semantics<subcore_parallel>], iteration_bounds = array<i64: 2, 16>, scalar_prefetch = 0 : i64, scratch_operands = 11 : i64, tpu.core_type = #tpu.core_type<sc_vector_subcore>, window_params = [{transform_indices = #map}, {transform_indices = #map}, {transform_indices = #map}, {transform_indices = #map1}, {transform_indices = #map2}]} {
    %mul3A = arith.constant 16 : i32
    %mul3A_0 = arith.muli %arg0, %mul3A : i32
    %add3A = arith.addi %mul3A_0, %arg1 : i32
    %broadcast_in_dim3A = arith.constant 0.000000e+00 : f32
    %broadcast_in_dim3A_1 = vector.broadcast %broadcast_in_dim3A : f32 to vector<16xf32>
    %scan3A = arith.constant 0 : i32
    %scan3A_2 = arith.constant 16 : i32
    %scan3A_3 = arith.addi %scan3A, %scan3A_2 : i32
    %scan3A_4 = arith.constant 1 : i32
    scf.for %scan3A_49 = %scan3A to %scan3A_3 step %scan3A_4  : i32 {
      %mul3A_50 = arith.constant 1 : i32
      %mul3A_51 = arith.muli %scan3A_49, %mul3A_50 : i32
      %add3A_52 = arith.constant 0 : i32
      %add3A_53 = arith.addi %add3A_52, %mul3A_51 : i32
      %swap3A = arith.index_cast %add3A_53 : i32 to index
      %swap3A_54 = arith.constant 0 : index
      %swap3A_55 = tpu.vector_load %arg12[%swap3A, %swap3A_54] {strides = array<i32>} : memref<16x128xf32, #tpu.memory_space<vmem>>, vector<16xf32>,
      tpu.vector_store %arg12[%swap3A, %swap3A_54], %broadcast_in_dim3A_1 {strides = array<i32>} : memref<16x128xf32, #tpu.memory_space<vmem>>, vector<16xf32>,
      %swap3A_56 = arith.index_cast %add3A_53 : i32 to index
      %swap3A_57 = arith.constant 16 : index
      %swap3A_58 = tpu.vector_load %arg12[%swap3A_56, %swap3A_57] {strides = array<i32>} : memref<16x128xf32, #tpu.memory_space<vmem>>, vector<16xf32>,
      tpu.vector_store %arg12[%swap3A_56, %swap3A_57], %broadcast_in_dim3A_1 {strides = array<i32>} : memref<16x128xf32, #tpu.memory_space<vmem>>, vector<16xf32>,
      %swap3A_59 = arith.index_cast %add3A_53 : i32 to index
      %swap3A_60 = arith.constant 32 : index
      %swap3A_61 = tpu.vector_load %arg12[%swap3A_59, %swap3A_60] {strides = array<i32>} : memref<16x128xf32, #tpu.memory_space<vmem>>, vector<16xf32>,
      tpu.vector_store %arg12[%swap3A_59, %swap3A_60], %broadcast_in_dim3A_1 {strides = array<i32>} : memref<16x128xf32, #tpu.memory_space<vmem>>, vector<16xf32>,
      %swap3A_62 = arith.index_cast %add3A_53 : i32 to index
      %swap3A_63 = arith.constant 48 : index
      %swap3A_64 = tpu.vector_load %arg12[%swap3A_62, %swap3A_63] {strides = array<i32>} : memref<16x128xf32, #tpu.memory_space<vmem>>, vector<16xf32>,
      tpu.vector_store %arg12[%swap3A_62, %swap3A_63], %broadcast_in_dim3A_1 {strides = array<i32>} : memref<16x128xf32, #tpu.memory_space<vmem>>, vector<16xf32>,
      %swap3A_65 = arith.index_cast %add3A_53 : i32 to index
      %swap3A_66 = arith.constant 64 : index
      %swap3A_67 = tpu.vector_load %arg12[%swap3A_65, %swap3A_66] {strides = array<i32>} : memref<16x128xf32, #tpu.memory_space<vmem>>, vector<16xf32>,
      tpu.vector_store %arg12[%swap3A_65, %swap3A_66], %broadcast_in_dim3A_1 {strides = array<i32>} : memref<16x128xf32, #tpu.memory_space<vmem>>, vector<16xf32>,
      %swap3A_68 = arith.index_cast %add3A_53 : i32 to index
      %swap3A_69 = arith.constant 80 : index
      %swap3A_70 = tpu.vector_load %arg12[%swap3A_68, %swap3A_69] {strides = array<i32>} : memref<16x128xf32, #tpu.memory_space<vmem>>, vector<16xf32>,
      tpu.vector_store %arg12[%swap3A_68, %swap3A_69], %broadcast_in_dim3A_1 {strides = array<i32>} : memref<16x128xf32, #tpu.memory_space<vmem>>, vector<16xf32>,
      %swap3A_71 = arith.index_cast %add3A_53 : i32 to index
      %swap3A_72 = arith.constant 96 : index
      %swap3A_73 = tpu.vector_load %arg12[%swap3A_71, %swap3A_72] {strides = array<i32>} : memref<16x128xf32, #tpu.memory_space<vmem>>, vector<16xf32>,
      tpu.vector_store %arg12[%swap3A_71, %swap3A_72], %broadcast_in_dim3A_1 {strides = array<i32>} : memref<16x128xf32, #tpu.memory_space<vmem>>, vector<16xf32>,
      %swap3A_74 = arith.index_cast %add3A_53 : i32 to index
      %swap3A_75 = arith.constant 112 : index
      %swap3A_76 = tpu.vector_load %arg12[%swap3A_74, %swap3A_75] {strides = array<i32>} : memref<16x128xf32, #tpu.memory_space<vmem>>, vector<16xf32>,
      tpu.vector_store %arg12[%swap3A_74, %swap3A_75], %broadcast_in_dim3A_1 {strides = array<i32>} : memref<16x128xf32, #tpu.memory_space<vmem>>, vector<16xf32>,
    }
    %scan3A_5 = arith.constant 16 : i32
    %scan3A_6 = arith.constant 0 : i32
    %scan3A_7 = arith.constant 39 : i32
    %scan3A_8 = arith.addi %scan3A_6, %scan3A_7 : i32
    %scan3A_9 = arith.constant 1 : i32
    scf.for %scan3A_49 = %scan3A_6 to %scan3A_8 step %scan3A_9  : i32 {
      %mul3A_50 = arith.constant 1 : i32
      %mul3A_51 = arith.muli %scan3A_49, %mul3A_50 : i32
      %add3A_52 = arith.constant 0 : i32
      %add3A_53 = arith.addi %add3A_52, %mul3A_51 : i32
      %mul3A_54 = arith.constant 624 : i32
      %mul3A_55 = arith.muli %arg1, %mul3A_54 : i32
      %mul3A_56 = arith.constant 16 : i32
      %mul3A_57 = arith.muli %add3A_53, %mul3A_56 : i32
      %add3A_58 = arith.addi %mul3A_55, %mul3A_57 : i32
      "tpu.region"() ({
        %run_scoped3A = tpu.sem_alloc : memref<!tpu.dma_semaphore, #tpu.memory_space<semaphore_mem>>
        %dma_start3A_59 = arith.constant 0 : i32
        %dma_start3A_60 = tpu.memref_slice %arg13[%add3A_58, %dma_start3A_59] : memref<10000x128xf32, #tpu.memory_space<vmem_shared>> -> memref<16x128xf32, #tpu.memory_space<vmem_shared>>
        %dma_start3A_61 = arith.constant 0 : i32
        %dma_start3A_62 = tpu.memref_slice %arg13[%add3A_58, %dma_start3A_61] : memref<10000x128xf32, #tpu.memory_space<vmem_shared>> -> memref<16x128xf32, #tpu.memory_space<vmem_shared>>
        tpu.enqueue_dma source(%arg12 : memref<16x128xf32, #tpu.memory_space<vmem>>) target(%dma_start3A_62 : memref<16x128xf32, #tpu.memory_space<vmem_shared>>) target_semaphore(%run_scoped3A : memref<!tpu.dma_semaphore, #tpu.memory_space<semaphore_mem>>)
        %dma_wait3A_63 = arith.constant 0 : i32
        %dma_wait3A_64 = tpu.memref_slice %arg13[%add3A_58, %dma_wait3A_63] : memref<10000x128xf32, #tpu.memory_space<vmem_shared>> -> memref<16x128xf32, #tpu.memory_space<vmem_shared>>
        %dma_wait3A_65 = arith.constant 0 : i32
        %dma_wait3A_66 = tpu.memref_slice %arg13[%add3A_58, %dma_wait3A_65] : memref<10000x128xf32, #tpu.memory_space<vmem_shared>> -> memref<16x128xf32, #tpu.memory_space<vmem_shared>>
        tpu.wait_dma2 semaphore(%run_scoped3A : memref<!tpu.dma_semaphore, #tpu.memory_space<semaphore_mem>>) src(%arg12 : memref<16x128xf32, #tpu.memory_space<vmem>>) dst(%dma_wait3A_66 : memref<16x128xf32, #tpu.memory_space<vmem_shared>>)
        tpu.yield
      }) : () -> ()
    }
    %scan3A_10 = arith.constant 39 : i32
    %eq3A = arith.constant 15 : i32
    %eq3A_11 = arith.cmpi eq, %arg1, %eq3A : i32
    %convert_element_type3A = arith.extui %eq3A_11 : i1 to i32
    %cond3A = arith.constant 0 : i32
    %cond3A_12 = arith.cmpi ne, %convert_element_type3A, %cond3A : i32
    scf.if %cond3A_12 {
      %scan3A_49 = arith.constant 0 : i32
      %mul3A_50 = arith.constant 1 : i32
      %mul3A_51 = arith.muli %scan3A_49, %mul3A_50 : i32
      %add3A_52 = arith.constant 39 : i32
      %add3A_53 = arith.addi %add3A_52, %mul3A_51 : i32
      %mul3A_54 = arith.constant 16 : i32
      %mul3A_55 = arith.muli %add3A_53, %mul3A_54 : i32
      %add3A_56 = arith.constant 9360 : i32
      %add3A_57 = arith.addi %add3A_56, %mul3A_55 : i32
      "tpu.region"() ({
        %run_scoped3A = tpu.sem_alloc : memref<!tpu.dma_semaphore, #tpu.memory_space<semaphore_mem>>
        %dma_start3A_59 = arith.constant 0 : i32
        %dma_start3A_60 = tpu.memref_slice %arg13[%add3A_57, %dma_start3A_59] : memref<10000x128xf32, #tpu.memory_space<vmem_shared>> -> memref<16x128xf32, #tpu.memory_space<vmem_shared>>
        %dma_start3A_61 = arith.constant 0 : i32
        %dma_start3A_62 = tpu.memref_slice %arg13[%add3A_57, %dma_start3A_61] : memref<10000x128xf32, #tpu.memory_space<vmem_shared>> -> memref<16x128xf32, #tpu.memory_space<vmem_shared>>
        tpu.enqueue_dma source(%arg12 : memref<16x128xf32, #tpu.memory_space<vmem>>) target(%dma_start3A_62 : memref<16x128xf32, #tpu.memory_space<vmem_shared>>) target_semaphore(%run_scoped3A : memref<!tpu.dma_semaphore, #tpu.memory_space<semaphore_mem>>)
        %dma_wait3A_63 = arith.constant 0 : i32
        %dma_wait3A_64 = tpu.memref_slice %arg13[%add3A_57, %dma_wait3A_63] : memref<10000x128xf32, #tpu.memory_space<vmem_shared>> -> memref<16x128xf32, #tpu.memory_space<vmem_shared>>
        %dma_wait3A_65 = arith.constant 0 : i32
        %dma_wait3A_66 = tpu.memref_slice %arg13[%add3A_57, %dma_wait3A_65] : memref<10000x128xf32, #tpu.memory_space<vmem_shared>> -> memref<16x128xf32, #tpu.memory_space<vmem_shared>>
        tpu.wait_dma2 semaphore(%run_scoped3A : memref<!tpu.dma_semaphore, #tpu.memory_space<semaphore_mem>>) src(%arg12 : memref<16x128xf32, #tpu.memory_space<vmem>>) dst(%dma_wait3A_66 : memref<16x128xf32, #tpu.memory_space<vmem_shared>>)
        tpu.yield
      }) : () -> ()
      %scan3A_58 = arith.constant 1 : i32
    } else {
    }
    %mul3A_13 = arith.constant 10000 : i32
    %mul3A_14 = arith.muli %add3A, %mul3A_13 : i32
    "tpu.region"() ({
      %run_scoped3A = tpu.sem_alloc : memref<!tpu.dma_semaphore, #tpu.memory_space<semaphore_mem>>
      %dma_start3A_49 = tpu.memref_slice %arg5[%mul3A_14] : memref<320000xf32, #tpu.memory_space<hbm>> -> memref<10000xf32, #tpu.memory_space<hbm>>
      %dma_start3A_50 = tpu.memref_slice %arg5[%mul3A_14] : memref<320000xf32, #tpu.memory_space<hbm>> -> memref<10000xf32, #tpu.memory_space<hbm>>
      tpu.enqueue_dma source(%dma_start3A_50 : memref<10000xf32, #tpu.memory_space<hbm>>) target(%arg9 : memref<10000xf32, #tpu.memory_space<vmem>>) target_semaphore(%run_scoped3A : memref<!tpu.dma_semaphore, #tpu.memory_space<semaphore_mem>>)
      %dma_wait3A_51 = tpu.memref_slice %arg5[%mul3A_14] : memref<320000xf32, #tpu.memory_space<hbm>> -> memref<10000xf32, #tpu.memory_space<hbm>>
      %dma_wait3A_52 = tpu.memref_slice %arg5[%mul3A_14] : memref<320000xf32, #tpu.memory_space<hbm>> -> memref<10000xf32, #tpu.memory_space<hbm>>
      tpu.wait_dma2 semaphore(%run_scoped3A : memref<!tpu.dma_semaphore, #tpu.memory_space<semaphore_mem>>) src(%dma_wait3A_52 : memref<10000xf32, #tpu.memory_space<hbm>>) dst(%arg9 : memref<10000xf32, #tpu.memory_space<vmem>>)
      tpu.yield
    }) : () -> ()
    "tpu.region"() ({
      %run_scoped3A = tpu.sem_alloc : memref<!tpu.dma_semaphore, #tpu.memory_space<semaphore_mem>>
      %dma_start3A_49 = arith.constant 0 : i32
      %dma_start3A_50 = tpu.memref_slice %arg3[%add3A, %dma_start3A_49] : memref<32x10000xi32, #tpu.memory_space<hbm>> -> memref<1x10000xi32, #tpu.memory_space<hbm>>
      %dma_start3A_51 = tpu.memref_squeeze %dma_start3A_50 : memref<1x10000xi32, #tpu.memory_space<hbm>> -> memref<10000xi32, #tpu.memory_space<hbm>>
      %dma_start3A_52 = arith.constant 0 : i32
      %dma_start3A_53 = tpu.memref_slice %arg3[%add3A, %dma_start3A_52] : memref<32x10000xi32, #tpu.memory_space<hbm>> -> memref<1x10000xi32, #tpu.memory_space<hbm>>
      %dma_start3A_54 = tpu.memref_squeeze %dma_start3A_53 : memref<1x10000xi32, #tpu.memory_space<hbm>> -> memref<10000xi32, #tpu.memory_space<hbm>>
      tpu.enqueue_dma source(%dma_start3A_54 : memref<10000xi32, #tpu.memory_space<hbm>>) target(%arg7 : memref<10000xi32, #tpu.memory_space<vmem>>) target_semaphore(%run_scoped3A : memref<!tpu.dma_semaphore, #tpu.memory_space<semaphore_mem>>)
      %dma_wait3A_55 = arith.constant 0 : i32
      %dma_wait3A_56 = tpu.memref_slice %arg3[%add3A, %dma_wait3A_55] : memref<32x10000xi32, #tpu.memory_space<hbm>> -> memref<1x10000xi32, #tpu.memory_space<hbm>>
      %dma_wait3A_57 = tpu.memref_squeeze %dma_wait3A_56 : memref<1x10000xi32, #tpu.memory_space<hbm>> -> memref<10000xi32, #tpu.memory_space<hbm>>
      %dma_wait3A_58 = arith.constant 0 : i32
      %dma_wait3A_59 = tpu.memref_slice %arg3[%add3A, %dma_wait3A_58] : memref<32x10000xi32, #tpu.memory_space<hbm>> -> memref<1x10000xi32, #tpu.memory_space<hbm>>
      %dma_wait3A_60 = tpu.memref_squeeze %dma_wait3A_59 : memref<1x10000xi32, #tpu.memory_space<hbm>> -> memref<10000xi32, #tpu.memory_space<hbm>>
      tpu.wait_dma2 semaphore(%run_scoped3A : memref<!tpu.dma_semaphore, #tpu.memory_space<semaphore_mem>>) src(%dma_wait3A_60 : memref<10000xi32, #tpu.memory_space<hbm>>) dst(%arg7 : memref<10000xi32, #tpu.memory_space<vmem>>)
      tpu.yield
    }) : () -> ()
    "tpu.region"() ({
      %run_scoped3A = tpu.sem_alloc : memref<!tpu.dma_semaphore, #tpu.memory_space<semaphore_mem>>
      %dma_start3A_49 = arith.constant 0 : i32
      %dma_start3A_50 = tpu.memref_slice %arg4[%add3A, %dma_start3A_49] : memref<32x10000xi32, #tpu.memory_space<hbm>> -> memref<1x10000xi32, #tpu.memory_space<hbm>>
      %dma_start3A_51 = tpu.memref_squeeze %dma_start3A_50 : memref<1x10000xi32, #tpu.memory_space<hbm>> -> memref<10000xi32, #tpu.memory_space<hbm>>
      %dma_start3A_52 = arith.constant 0 : i32
      %dma_start3A_53 = tpu.memref_slice %arg4[%add3A, %dma_start3A_52] : memref<32x10000xi32, #tpu.memory_space<hbm>> -> memref<1x10000xi32, #tpu.memory_space<hbm>>
      %dma_start3A_54 = tpu.memref_squeeze %dma_start3A_53 : memref<1x10000xi32, #tpu.memory_space<hbm>> -> memref<10000xi32, #tpu.memory_space<hbm>>
      tpu.enqueue_dma source(%dma_start3A_54 : memref<10000xi32, #tpu.memory_space<hbm>>) target(%arg8 : memref<10000xi32, #tpu.memory_space<vmem>>) target_semaphore(%run_scoped3A : memref<!tpu.dma_semaphore, #tpu.memory_space<semaphore_mem>>)
      %dma_wait3A_55 = arith.constant 0 : i32
      %dma_wait3A_56 = tpu.memref_slice %arg4[%add3A, %dma_wait3A_55] : memref<32x10000xi32, #tpu.memory_space<hbm>> -> memref<1x10000xi32, #tpu.memory_space<hbm>>
      %dma_wait3A_57 = tpu.memref_squeeze %dma_wait3A_56 : memref<1x10000xi32, #tpu.memory_space<hbm>> -> memref<10000xi32, #tpu.memory_space<hbm>>
      %dma_wait3A_58 = arith.constant 0 : i32
      %dma_wait3A_59 = tpu.memref_slice %arg4[%add3A, %dma_wait3A_58] : memref<32x10000xi32, #tpu.memory_space<hbm>> -> memref<1x10000xi32, #tpu.memory_space<hbm>>
      %dma_wait3A_60 = tpu.memref_squeeze %dma_wait3A_59 : memref<1x10000xi32, #tpu.memory_space<hbm>> -> memref<10000xi32, #tpu.memory_space<hbm>>
      tpu.wait_dma2 semaphore(%run_scoped3A : memref<!tpu.dma_semaphore, #tpu.memory_space<semaphore_mem>>) src(%dma_wait3A_60 : memref<10000xi32, #tpu.memory_space<hbm>>) dst(%arg8 : memref<10000xi32, #tpu.memory_space<vmem>>)
      tpu.yield
    }) : () -> ()
    %barrier3A = arith.constant 0 : index
    tpu.barrier barrier_id(%barrier3A)
    %dma_start3A = arith.constant 0 : i32
    %dma_start3A_15 = tpu.memref_slice %arg7[%dma_start3A] : memref<10000xi32, #tpu.memory_space<vmem>> -> memref<40xi32, #tpu.memory_space<vmem>>
    %dma_start3A_16 = arith.constant 0 : i32
    %dma_start3A_17 = arith.constant 0 : i32
    %dma_start3A_18 = tpu.memref_slice %arg2[%dma_start3A_16, %dma_start3A_17] : memref<10000x128xf32, #tpu.memory_space<hbm>> -> memref<10000x128xf32, #tpu.memory_space<hbm>>
    tpu.enqueue_indirect_dma source(%dma_start3A_18 : memref<10000x128xf32, #tpu.memory_space<hbm>>) target(%arg10 : memref<40x128xf32, #tpu.memory_space<vmem>>) offsets(%dma_start3A_15 : memref<40xi32, #tpu.memory_space<vmem>>) semaphore(%arg14 : memref<!tpu.dma_semaphore, #tpu.memory_space<semaphore_mem>>)
    %dma_start3A_19 = arith.constant 40 : i32
    %dma_start3A_20 = tpu.memref_slice %arg7[%dma_start3A_19] : memref<10000xi32, #tpu.memory_space<vmem>> -> memref<40xi32, #tpu.memory_space<vmem>>
    %dma_start3A_21 = arith.constant 0 : i32
    %dma_start3A_22 = arith.constant 0 : i32
    %dma_start3A_23 = tpu.memref_slice %arg2[%dma_start3A_21, %dma_start3A_22] : memref<10000x128xf32, #tpu.memory_space<hbm>> -> memref<10000x128xf32, #tpu.memory_space<hbm>>
    tpu.enqueue_indirect_dma source(%dma_start3A_23 : memref<10000x128xf32, #tpu.memory_space<hbm>>) target(%arg11 : memref<40x128xf32, #tpu.memory_space<vmem>>) offsets(%dma_start3A_20 : memref<40xi32, #tpu.memory_space<vmem>>) semaphore(%arg15 : memref<!tpu.dma_semaphore, #tpu.memory_space<semaphore_mem>>)
    %scan3A_24 = arith.constant 0 : i32
    %scan3A_25 = arith.constant 125 : i32
    %scan3A_26 = arith.addi %scan3A_24, %scan3A_25 : i32
    %scan3A_27 = arith.constant 1 : i32
    scf.for %scan3A_49 = %scan3A_24 to %scan3A_26 step %scan3A_27  : i32 {
      %mul3A_50 = arith.constant 2 : i32
      %mul3A_51 = arith.muli %scan3A_49, %mul3A_50 : i32
      %add3A_52 = arith.constant 0 : i32
      %add3A_53 = arith.addi %add3A_52, %mul3A_51 : i32
      %add3A_54 = arith.constant 0 : i32
      %add3A_55 = arith.addi %add3A_53, %add3A_54 : i32
      %mul3A_56 = arith.constant 40 : i32
      %mul3A_57 = arith.muli %add3A_55, %mul3A_56 : i32
      %dma_wait3A_58 = tpu.memref_slice %arg7[%mul3A_57] : memref<10000xi32, #tpu.memory_space<vmem>> -> memref<40xi32, #tpu.memory_space<vmem>>
      %dma_wait3A_59 = arith.constant 0 : i32
      %dma_wait3A_60 = arith.constant 0 : i32
      %dma_wait3A_61 = tpu.memref_slice %arg2[%dma_wait3A_59, %dma_wait3A_60] : memref<10000x128xf32, #tpu.memory_space<hbm>> -> memref<10000x128xf32, #tpu.memory_space<hbm>>
      tpu.wait_indirect_dma semaphore(%arg14 : memref<!tpu.dma_semaphore, #tpu.memory_space<semaphore_mem>>) src(%dma_wait3A_61 : memref<10000x128xf32, #tpu.memory_space<hbm>>) dst(%arg10 : memref<40x128xf32, #tpu.memory_space<vmem>>)
      %parallel_loop3A = arith.constant 0 : i32
      %parallel_loop3A_62 = arith.constant 40 : i32
      %parallel_loop3A_63 = arith.constant 1 : i32
      scf.for %parallel_loop3A_104 = %parallel_loop3A to %parallel_loop3A_62 step %parallel_loop3A_63  : i32 {
        %parallel_loop3A_105 = arith.constant 40 : i32
        %parallel_loop3A_106 = arith.muli %add3A_55, %parallel_loop3A_105 : i32
        %parallel_loop3A_107 = arith.addi %parallel_loop3A_106, %parallel_loop3A_104 : i32
        %parallel_loop3A_108 = vector.broadcast %parallel_loop3A_107 : i32 to vector<16xi32>
        %parallel_loop3A_109 = tpu.vector_load_idx %arg9[%parallel_loop3A_108] : memref<10000xf32, #tpu.memory_space<vmem>>[vector<16xi32>], vector<16xf32>,
        %parallel_loop3A_110 = arith.index_cast %parallel_loop3A_104 : i32 to index
        %parallel_loop3A_111 = arith.constant 0 : index
        %parallel_loop3A_112 = tpu.vector_load %arg10[%parallel_loop3A_110, %parallel_loop3A_111] {strides = array<i32>} : memref<40x128xf32, #tpu.memory_space<vmem>>, vector<16xf32>,
        %parallel_loop3A_113 = arith.mulf %parallel_loop3A_112, %parallel_loop3A_109 : vector<16xf32>
        %parallel_loop3A_114 = arith.index_cast %parallel_loop3A_104 : i32 to index
        %parallel_loop3A_115 = arith.constant 0 : index
        %parallel_loop3A_116 = tpu.vector_load %arg10[%parallel_loop3A_114, %parallel_loop3A_115] {strides = array<i32>} : memref<40x128xf32, #tpu.memory_space<vmem>>, vector<16xf32>,
        tpu.vector_store %arg10[%parallel_loop3A_114, %parallel_loop3A_115], %parallel_loop3A_113 {strides = array<i32>} : memref<40x128xf32, #tpu.memory_space<vmem>>, vector<16xf32>,
        %parallel_loop3A_117 = arith.index_cast %parallel_loop3A_104 : i32 to index
        %parallel_loop3A_118 = arith.constant 16 : index
        %parallel_loop3A_119 = tpu.vector_load %arg10[%parallel_loop3A_117, %parallel_loop3A_118] {strides = array<i32>} : memref<40x128xf32, #tpu.memory_space<vmem>>, vector<16xf32>,
        %parallel_loop3A_120 = arith.mulf %parallel_loop3A_119, %parallel_loop3A_109 : vector<16xf32>
        %parallel_loop3A_121 = arith.index_cast %parallel_loop3A_104 : i32 to index
        %parallel_loop3A_122 = arith.constant 16 : index
        %parallel_loop3A_123 = tpu.vector_load %arg10[%parallel_loop3A_121, %parallel_loop3A_122] {strides = array<i32>} : memref<40x128xf32, #tpu.memory_space<vmem>>, vector<16xf32>,
        tpu.vector_store %arg10[%parallel_loop3A_121, %parallel_loop3A_122], %parallel_loop3A_120 {strides = array<i32>} : memref<40x128xf32, #tpu.memory_space<vmem>>, vector<16xf32>,
        %parallel_loop3A_124 = arith.index_cast %parallel_loop3A_104 : i32 to index
        %parallel_loop3A_125 = arith.constant 32 : index
        %parallel_loop3A_126 = tpu.vector_load %arg10[%parallel_loop3A_124, %parallel_loop3A_125] {strides = array<i32>} : memref<40x128xf32, #tpu.memory_space<vmem>>, vector<16xf32>,
        %parallel_loop3A_127 = arith.mulf %parallel_loop3A_126, %parallel_loop3A_109 : vector<16xf32>
        %parallel_loop3A_128 = arith.index_cast %parallel_loop3A_104 : i32 to index
        %parallel_loop3A_129 = arith.constant 32 : index
        %parallel_loop3A_130 = tpu.vector_load %arg10[%parallel_loop3A_128, %parallel_loop3A_129] {strides = array<i32>} : memref<40x128xf32, #tpu.memory_space<vmem>>, vector<16xf32>,
        tpu.vector_store %arg10[%parallel_loop3A_128, %parallel_loop3A_129], %parallel_loop3A_127 {strides = array<i32>} : memref<40x128xf32, #tpu.memory_space<vmem>>, vector<16xf32>,
        %parallel_loop3A_131 = arith.index_cast %parallel_loop3A_104 : i32 to index
        %parallel_loop3A_132 = arith.constant 48 : index
        %parallel_loop3A_133 = tpu.vector_load %arg10[%parallel_loop3A_131, %parallel_loop3A_132] {strides = array<i32>} : memref<40x128xf32, #tpu.memory_space<vmem>>, vector<16xf32>,
        %parallel_loop3A_134 = arith.mulf %parallel_loop3A_133, %parallel_loop3A_109 : vector<16xf32>
        %parallel_loop3A_135 = arith.index_cast %parallel_loop3A_104 : i32 to index
        %parallel_loop3A_136 = arith.constant 48 : index
        %parallel_loop3A_137 = tpu.vector_load %arg10[%parallel_loop3A_135, %parallel_loop3A_136] {strides = array<i32>} : memref<40x128xf32, #tpu.memory_space<vmem>>, vector<16xf32>,
        tpu.vector_store %arg10[%parallel_loop3A_135, %parallel_loop3A_136], %parallel_loop3A_134 {strides = array<i32>} : memref<40x128xf32, #tpu.memory_space<vmem>>, vector<16xf32>,
        %parallel_loop3A_138 = arith.index_cast %parallel_loop3A_104 : i32 to index
        %parallel_loop3A_139 = arith.constant 64 : index
        %parallel_loop3A_140 = tpu.vector_load %arg10[%parallel_loop3A_138, %parallel_loop3A_139] {strides = array<i32>} : memref<40x128xf32, #tpu.memory_space<vmem>>, vector<16xf32>,
        %parallel_loop3A_141 = arith.mulf %parallel_loop3A_140, %parallel_loop3A_109 : vector<16xf32>
        %parallel_loop3A_142 = arith.index_cast %parallel_loop3A_104 : i32 to index
        %parallel_loop3A_143 = arith.constant 64 : index
        %parallel_loop3A_144 = tpu.vector_load %arg10[%parallel_loop3A_142, %parallel_loop3A_143] {strides = array<i32>} : memref<40x128xf32, #tpu.memory_space<vmem>>, vector<16xf32>,
        tpu.vector_store %arg10[%parallel_loop3A_142, %parallel_loop3A_143], %parallel_loop3A_141 {strides = array<i32>} : memref<40x128xf32, #tpu.memory_space<vmem>>, vector<16xf32>,
        %parallel_loop3A_145 = arith.index_cast %parallel_loop3A_104 : i32 to index
        %parallel_loop3A_146 = arith.constant 80 : index
        %parallel_loop3A_147 = tpu.vector_load %arg10[%parallel_loop3A_145, %parallel_loop3A_146] {strides = array<i32>} : memref<40x128xf32, #tpu.memory_space<vmem>>, vector<16xf32>,
        %parallel_loop3A_148 = arith.mulf %parallel_loop3A_147, %parallel_loop3A_109 : vector<16xf32>
        %parallel_loop3A_149 = arith.index_cast %parallel_loop3A_104 : i32 to index
        %parallel_loop3A_150 = arith.constant 80 : index
        %parallel_loop3A_151 = tpu.vector_load %arg10[%parallel_loop3A_149, %parallel_loop3A_150] {strides = array<i32>} : memref<40x128xf32, #tpu.memory_space<vmem>>, vector<16xf32>,
        tpu.vector_store %arg10[%parallel_loop3A_149, %parallel_loop3A_150], %parallel_loop3A_148 {strides = array<i32>} : memref<40x128xf32, #tpu.memory_space<vmem>>, vector<16xf32>,
        %parallel_loop3A_152 = arith.index_cast %parallel_loop3A_104 : i32 to index
        %parallel_loop3A_153 = arith.constant 96 : index
        %parallel_loop3A_154 = tpu.vector_load %arg10[%parallel_loop3A_152, %parallel_loop3A_153] {strides = array<i32>} : memref<40x128xf32, #tpu.memory_space<vmem>>, vector<16xf32>,
        %parallel_loop3A_155 = arith.mulf %parallel_loop3A_154, %parallel_loop3A_109 : vector<16xf32>
        %parallel_loop3A_156 = arith.index_cast %parallel_loop3A_104 : i32 to index
        %parallel_loop3A_157 = arith.constant 96 : index
        %parallel_loop3A_158 = tpu.vector_load %arg10[%parallel_loop3A_156, %parallel_loop3A_157] {strides = array<i32>} : memref<40x128xf32, #tpu.memory_space<vmem>>, vector<16xf32>,
        tpu.vector_store %arg10[%parallel_loop3A_156, %parallel_loop3A_157], %parallel_loop3A_155 {strides = array<i32>} : memref<40x128xf32, #tpu.memory_space<vmem>>, vector<16xf32>,
        %parallel_loop3A_159 = arith.index_cast %parallel_loop3A_104 : i32 to index
        %parallel_loop3A_160 = arith.constant 112 : index
        %parallel_loop3A_161 = tpu.vector_load %arg10[%parallel_loop3A_159, %parallel_loop3A_160] {strides = array<i32>} : memref<40x128xf32, #tpu.memory_space<vmem>>, vector<16xf32>,
        %parallel_loop3A_162 = arith.mulf %parallel_loop3A_161, %parallel_loop3A_109 : vector<16xf32>
        %parallel_loop3A_163 = arith.index_cast %parallel_loop3A_104 : i32 to index
        %parallel_loop3A_164 = arith.constant 112 : index
        %parallel_loop3A_165 = tpu.vector_load %arg10[%parallel_loop3A_163, %parallel_loop3A_164] {strides = array<i32>} : memref<40x128xf32, #tpu.memory_space<vmem>>, vector<16xf32>,
        tpu.vector_store %arg10[%parallel_loop3A_163, %parallel_loop3A_164], %parallel_loop3A_162 {strides = array<i32>} : memref<40x128xf32, #tpu.memory_space<vmem>>, vector<16xf32>,
      } {sc.loop_unroll_factor = 8 : i64, sc.parallel_access}
      %mul3A_64 = arith.constant 40 : i32
      %mul3A_65 = arith.muli %add3A_55, %mul3A_64 : i32
      %dma_start3A_66 = tpu.memref_slice %arg8[%mul3A_65] : memref<10000xi32, #tpu.memory_space<vmem>> -> memref<40xi32, #tpu.memory_space<vmem>>
      %dma_start3A_67 = arith.constant 0 : i32
      %dma_start3A_68 = arith.constant 0 : i32
      %dma_start3A_69 = tpu.memref_slice %arg13[%dma_start3A_67, %dma_start3A_68] : memref<10000x128xf32, #tpu.memory_space<vmem_shared>> -> memref<10000x128xf32, #tpu.memory_space<vmem_shared>>
      tpu.enqueue_indirect_dma source(%arg10 : memref<40x128xf32, #tpu.memory_space<vmem>>) target(%dma_start3A_69 : memref<10000x128xf32, #tpu.memory_space<vmem_shared>>) offsets(%dma_start3A_66 : memref<40xi32, #tpu.memory_space<vmem>>) semaphore(%arg16 : memref<!tpu.dma_semaphore, #tpu.memory_space<semaphore_mem>>) {add = true}
      %add3A_70 = arith.constant 1 : i32
      %add3A_71 = arith.addi %add3A_53, %add3A_70 : i32
      %mul3A_72 = arith.constant 40 : i32
      %mul3A_73 = arith.muli %add3A_71, %mul3A_72 : i32
      %dma_wait3A_74 = tpu.memref_slice %arg7[%mul3A_73] : memref<10000xi32, #tpu.memory_space<vmem>> -> memref<40xi32, #tpu.memory_space<vmem>>
      %dma_wait3A_75 = arith.constant 0 : i32
      %dma_wait3A_76 = arith.constant 0 : i32
      %dma_wait3A_77 = tpu.memref_slice %arg2[%dma_wait3A_75, %dma_wait3A_76] : memref<10000x128xf32, #tpu.memory_space<hbm>> -> memref<10000x128xf32, #tpu.memory_space<hbm>>
      tpu.wait_indirect_dma semaphore(%arg15 : memref<!tpu.dma_semaphore, #tpu.memory_space<semaphore_mem>>) src(%dma_wait3A_77 : memref<10000x128xf32, #tpu.memory_space<hbm>>) dst(%arg11 : memref<40x128xf32, #tpu.memory_space<vmem>>)
      %parallel_loop3A_78 = arith.constant 0 : i32
      %parallel_loop3A_79 = arith.constant 40 : i32
      %parallel_loop3A_80 = arith.constant 1 : i32
      scf.for %parallel_loop3A_104 = %parallel_loop3A_78 to %parallel_loop3A_79 step %parallel_loop3A_80  : i32 {
        %parallel_loop3A_105 = arith.constant 40 : i32
        %parallel_loop3A_106 = arith.muli %add3A_71, %parallel_loop3A_105 : i32
        %parallel_loop3A_107 = arith.addi %parallel_loop3A_106, %parallel_loop3A_104 : i32
        %parallel_loop3A_108 = vector.broadcast %parallel_loop3A_107 : i32 to vector<16xi32>
        %parallel_loop3A_109 = tpu.vector_load_idx %arg9[%parallel_loop3A_108] : memref<10000xf32, #tpu.memory_space<vmem>>[vector<16xi32>], vector<16xf32>,
        %parallel_loop3A_110 = arith.index_cast %parallel_loop3A_104 : i32 to index
        %parallel_loop3A_111 = arith.constant 0 : index
        %parallel_loop3A_112 = tpu.vector_load %arg11[%parallel_loop3A_110, %parallel_loop3A_111] {strides = array<i32>} : memref<40x128xf32, #tpu.memory_space<vmem>>, vector<16xf32>,
        %parallel_loop3A_113 = arith.mulf %parallel_loop3A_112, %parallel_loop3A_109 : vector<16xf32>
        %parallel_loop3A_114 = arith.index_cast %parallel_loop3A_104 : i32 to index
        %parallel_loop3A_115 = arith.constant 0 : index
        %parallel_loop3A_116 = tpu.vector_load %arg11[%parallel_loop3A_114, %parallel_loop3A_115] {strides = array<i32>} : memref<40x128xf32, #tpu.memory_space<vmem>>, vector<16xf32>,
        tpu.vector_store %arg11[%parallel_loop3A_114, %parallel_loop3A_115], %parallel_loop3A_113 {strides = array<i32>} : memref<40x128xf32, #tpu.memory_space<vmem>>, vector<16xf32>,
        %parallel_loop3A_117 = arith.index_cast %parallel_loop3A_104 : i32 to index
        %parallel_loop3A_118 = arith.constant 16 : index
        %parallel_loop3A_119 = tpu.vector_load %arg11[%parallel_loop3A_117, %parallel_loop3A_118] {strides = array<i32>} : memref<40x128xf32, #tpu.memory_space<vmem>>, vector<16xf32>,
        %parallel_loop3A_120 = arith.mulf %parallel_loop3A_119, %parallel_loop3A_109 : vector<16xf32>
        %parallel_loop3A_121 = arith.index_cast %parallel_loop3A_104 : i32 to index
        %parallel_loop3A_122 = arith.constant 16 : index
        %parallel_loop3A_123 = tpu.vector_load %arg11[%parallel_loop3A_121, %parallel_loop3A_122] {strides = array<i32>} : memref<40x128xf32, #tpu.memory_space<vmem>>, vector<16xf32>,
        tpu.vector_store %arg11[%parallel_loop3A_121, %parallel_loop3A_122], %parallel_loop3A_120 {strides = array<i32>} : memref<40x128xf32, #tpu.memory_space<vmem>>, vector<16xf32>,
        %parallel_loop3A_124 = arith.index_cast %parallel_loop3A_104 : i32 to index
        %parallel_loop3A_125 = arith.constant 32 : index
        %parallel_loop3A_126 = tpu.vector_load %arg11[%parallel_loop3A_124, %parallel_loop3A_125] {strides = array<i32>} : memref<40x128xf32, #tpu.memory_space<vmem>>, vector<16xf32>,
        %parallel_loop3A_127 = arith.mulf %parallel_loop3A_126, %parallel_loop3A_109 : vector<16xf32>
        %parallel_loop3A_128 = arith.index_cast %parallel_loop3A_104 : i32 to index
        %parallel_loop3A_129 = arith.constant 32 : index
        %parallel_loop3A_130 = tpu.vector_load %arg11[%parallel_loop3A_128, %parallel_loop3A_129] {strides = array<i32>} : memref<40x128xf32, #tpu.memory_space<vmem>>, vector<16xf32>,
        tpu.vector_store %arg11[%parallel_loop3A_128, %parallel_loop3A_129], %parallel_loop3A_127 {strides = array<i32>} : memref<40x128xf32, #tpu.memory_space<vmem>>, vector<16xf32>,
        %parallel_loop3A_131 = arith.index_cast %parallel_loop3A_104 : i32 to index
        %parallel_loop3A_132 = arith.constant 48 : index
        %parallel_loop3A_133 = tpu.vector_load %arg11[%parallel_loop3A_131, %parallel_loop3A_132] {strides = array<i32>} : memref<40x128xf32, #tpu.memory_space<vmem>>, vector<16xf32>,
        %parallel_loop3A_134 = arith.mulf %parallel_loop3A_133, %parallel_loop3A_109 : vector<16xf32>
        %parallel_loop3A_135 = arith.index_cast %parallel_loop3A_104 : i32 to index
        %parallel_loop3A_136 = arith.constant 48 : index
        %parallel_loop3A_137 = tpu.vector_load %arg11[%parallel_loop3A_135, %parallel_loop3A_136] {strides = array<i32>} : memref<40x128xf32, #tpu.memory_space<vmem>>, vector<16xf32>,
        tpu.vector_store %arg11[%parallel_loop3A_135, %parallel_loop3A_136], %parallel_loop3A_134 {strides = array<i32>} : memref<40x128xf32, #tpu.memory_space<vmem>>, vector<16xf32>,
        %parallel_loop3A_138 = arith.index_cast %parallel_loop3A_104 : i32 to index
        %parallel_loop3A_139 = arith.constant 64 : index
        %parallel_loop3A_140 = tpu.vector_load %arg11[%parallel_loop3A_138, %parallel_loop3A_139] {strides = array<i32>} : memref<40x128xf32, #tpu.memory_space<vmem>>, vector<16xf32>,
        %parallel_loop3A_141 = arith.mulf %parallel_loop3A_140, %parallel_loop3A_109 : vector<16xf32>
        %parallel_loop3A_142 = arith.index_cast %parallel_loop3A_104 : i32 to index
        %parallel_loop3A_143 = arith.constant 64 : index
        %parallel_loop3A_144 = tpu.vector_load %arg11[%parallel_loop3A_142, %parallel_loop3A_143] {strides = array<i32>} : memref<40x128xf32, #tpu.memory_space<vmem>>, vector<16xf32>,
        tpu.vector_store %arg11[%parallel_loop3A_142, %parallel_loop3A_143], %parallel_loop3A_141 {strides = array<i32>} : memref<40x128xf32, #tpu.memory_space<vmem>>, vector<16xf32>,
        %parallel_loop3A_145 = arith.index_cast %parallel_loop3A_104 : i32 to index
        %parallel_loop3A_146 = arith.constant 80 : index
        %parallel_loop3A_147 = tpu.vector_load %arg11[%parallel_loop3A_145, %parallel_loop3A_146] {strides = array<i32>} : memref<40x128xf32, #tpu.memory_space<vmem>>, vector<16xf32>,
        %parallel_loop3A_148 = arith.mulf %parallel_loop3A_147, %parallel_loop3A_109 : vector<16xf32>
        %parallel_loop3A_149 = arith.index_cast %parallel_loop3A_104 : i32 to index
        %parallel_loop3A_150 = arith.constant 80 : index
        %parallel_loop3A_151 = tpu.vector_load %arg11[%parallel_loop3A_149, %parallel_loop3A_150] {strides = array<i32>} : memref<40x128xf32, #tpu.memory_space<vmem>>, vector<16xf32>,
        tpu.vector_store %arg11[%parallel_loop3A_149, %parallel_loop3A_150], %parallel_loop3A_148 {strides = array<i32>} : memref<40x128xf32, #tpu.memory_space<vmem>>, vector<16xf32>,
        %parallel_loop3A_152 = arith.index_cast %parallel_loop3A_104 : i32 to index
        %parallel_loop3A_153 = arith.constant 96 : index
        %parallel_loop3A_154 = tpu.vector_load %arg11[%parallel_loop3A_152, %parallel_loop3A_153] {strides = array<i32>} : memref<40x128xf32, #tpu.memory_space<vmem>>, vector<16xf32>,
        %parallel_loop3A_155 = arith.mulf %parallel_loop3A_154, %parallel_loop3A_109 : vector<16xf32>
        %parallel_loop3A_156 = arith.index_cast %parallel_loop3A_104 : i32 to index
        %parallel_loop3A_157 = arith.constant 96 : index
        %parallel_loop3A_158 = tpu.vector_load %arg11[%parallel_loop3A_156, %parallel_loop3A_157] {strides = array<i32>} : memref<40x128xf32, #tpu.memory_space<vmem>>, vector<16xf32>,
        tpu.vector_store %arg11[%parallel_loop3A_156, %parallel_loop3A_157], %parallel_loop3A_155 {strides = array<i32>} : memref<40x128xf32, #tpu.memory_space<vmem>>, vector<16xf32>,
        %parallel_loop3A_159 = arith.index_cast %parallel_loop3A_104 : i32 to index
        %parallel_loop3A_160 = arith.constant 112 : index
        %parallel_loop3A_161 = tpu.vector_load %arg11[%parallel_loop3A_159, %parallel_loop3A_160] {strides = array<i32>} : memref<40x128xf32, #tpu.memory_space<vmem>>, vector<16xf32>,
        %parallel_loop3A_162 = arith.mulf %parallel_loop3A_161, %parallel_loop3A_109 : vector<16xf32>
        %parallel_loop3A_163 = arith.index_cast %parallel_loop3A_104 : i32 to index
        %parallel_loop3A_164 = arith.constant 112 : index
        %parallel_loop3A_165 = tpu.vector_load %arg11[%parallel_loop3A_163, %parallel_loop3A_164] {strides = array<i32>} : memref<40x128xf32, #tpu.memory_space<vmem>>, vector<16xf32>,
        tpu.vector_store %arg11[%parallel_loop3A_163, %parallel_loop3A_164], %parallel_loop3A_162 {strides = array<i32>} : memref<40x128xf32, #tpu.memory_space<vmem>>, vector<16xf32>,
      } {sc.loop_unroll_factor = 8 : i64, sc.parallel_access}
      %mul3A_81 = arith.constant 40 : i32
      %mul3A_82 = arith.muli %add3A_71, %mul3A_81 : i32
      %dma_start3A_83 = tpu.memref_slice %arg8[%mul3A_82] : memref<10000xi32, #tpu.memory_space<vmem>> -> memref<40xi32, #tpu.memory_space<vmem>>
      %dma_start3A_84 = arith.constant 0 : i32
      %dma_start3A_85 = arith.constant 0 : i32
      %dma_start3A_86 = tpu.memref_slice %arg13[%dma_start3A_84, %dma_start3A_85] : memref<10000x128xf32, #tpu.memory_space<vmem_shared>> -> memref<10000x128xf32, #tpu.memory_space<vmem_shared>>
      tpu.enqueue_indirect_dma source(%arg11 : memref<40x128xf32, #tpu.memory_space<vmem>>) target(%dma_start3A_86 : memref<10000x128xf32, #tpu.memory_space<vmem_shared>>) offsets(%dma_start3A_83 : memref<40xi32, #tpu.memory_space<vmem>>) semaphore(%arg17 : memref<!tpu.dma_semaphore, #tpu.memory_space<semaphore_mem>>) {add = true}
      %add3A_87 = arith.constant 0 : i32
      %add3A_88 = arith.addi %add3A_53, %add3A_87 : i32
      %add3A_89 = arith.constant 2 : i32
      %add3A_90 = arith.addi %add3A_88, %add3A_89 : i32
      %lt3A = arith.constant 250 : i32
      %lt3A_91 = arith.cmpi slt, %add3A_90, %lt3A : i32
      %convert_element_type3A_92 = arith.extui %lt3A_91 : i1 to i32
      %cond3A_93 = arith.constant 0 : i32
      %cond3A_94 = arith.cmpi ne, %convert_element_type3A_92, %cond3A_93 : i32
      scf.if %cond3A_94 {
        %mul3A_104 = arith.constant 40 : i32
        %mul3A_105 = arith.muli %add3A_88, %mul3A_104 : i32
        %dma_wait3A_106 = tpu.memref_slice %arg8[%mul3A_105] : memref<10000xi32, #tpu.memory_space<vmem>> -> memref<40xi32, #tpu.memory_space<vmem>>
        %dma_wait3A_107 = arith.constant 0 : i32
        %dma_wait3A_108 = arith.constant 0 : i32
        %dma_wait3A_109 = tpu.memref_slice %arg13[%dma_wait3A_107, %dma_wait3A_108] : memref<10000x128xf32, #tpu.memory_space<vmem_shared>> -> memref<10000x128xf32, #tpu.memory_space<vmem_shared>>
        tpu.wait_indirect_dma semaphore(%arg16 : memref<!tpu.dma_semaphore, #tpu.memory_space<semaphore_mem>>) src(%arg10 : memref<40x128xf32, #tpu.memory_space<vmem>>) dst(%dma_wait3A_109 : memref<10000x128xf32, #tpu.memory_space<vmem_shared>>)
        %mul3A_110 = arith.constant 40 : i32
        %mul3A_111 = arith.muli %add3A_90, %mul3A_110 : i32
        %dma_start3A_112 = tpu.memref_slice %arg7[%mul3A_111] : memref<10000xi32, #tpu.memory_space<vmem>> -> memref<40xi32, #tpu.memory_space<vmem>>
        %dma_start3A_113 = arith.constant 0 : i32
        %dma_start3A_114 = arith.constant 0 : i32
        %dma_start3A_115 = tpu.memref_slice %arg2[%dma_start3A_113, %dma_start3A_114] : memref<10000x128xf32, #tpu.memory_space<hbm>> -> memref<10000x128xf32, #tpu.memory_space<hbm>>
        tpu.enqueue_indirect_dma source(%dma_start3A_115 : memref<10000x128xf32, #tpu.memory_space<hbm>>) target(%arg10 : memref<40x128xf32, #tpu.memory_space<vmem>>) offsets(%dma_start3A_112 : memref<40xi32, #tpu.memory_space<vmem>>) semaphore(%arg14 : memref<!tpu.dma_semaphore, #tpu.memory_space<semaphore_mem>>)
      } else {
      }
      %add3A_95 = arith.constant 1 : i32
      %add3A_96 = arith.addi %add3A_53, %add3A_95 : i32
      %add3A_97 = arith.constant 2 : i32
      %add3A_98 = arith.addi %add3A_96, %add3A_97 : i32
      %lt3A_99 = arith.constant 250 : i32
      %lt3A_100 = arith.cmpi slt, %add3A_98, %lt3A_99 : i32
      %convert_element_type3A_101 = arith.extui %lt3A_100 : i1 to i32
      %cond3A_102 = arith.constant 0 : i32
      %cond3A_103 = arith.cmpi ne, %convert_element_type3A_101, %cond3A_102 : i32
      scf.if %cond3A_103 {
        %mul3A_104 = arith.constant 40 : i32
        %mul3A_105 = arith.muli %add3A_96, %mul3A_104 : i32
        %dma_wait3A_106 = tpu.memref_slice %arg8[%mul3A_105] : memref<10000xi32, #tpu.memory_space<vmem>> -> memref<40xi32, #tpu.memory_space<vmem>>
        %dma_wait3A_107 = arith.constant 0 : i32
        %dma_wait3A_108 = arith.constant 0 : i32
        %dma_wait3A_109 = tpu.memref_slice %arg13[%dma_wait3A_107, %dma_wait3A_108] : memref<10000x128xf32, #tpu.memory_space<vmem_shared>> -> memref<10000x128xf32, #tpu.memory_space<vmem_shared>>
        tpu.wait_indirect_dma semaphore(%arg17 : memref<!tpu.dma_semaphore, #tpu.memory_space<semaphore_mem>>) src(%arg11 : memref<40x128xf32, #tpu.memory_space<vmem>>) dst(%dma_wait3A_109 : memref<10000x128xf32, #tpu.memory_space<vmem_shared>>)
        %mul3A_110 = arith.constant 40 : i32
        %mul3A_111 = arith.muli %add3A_98, %mul3A_110 : i32
        %dma_start3A_112 = tpu.memref_slice %arg7[%mul3A_111] : memref<10000xi32, #tpu.memory_space<vmem>> -> memref<40xi32, #tpu.memory_space<vmem>>
        %dma_start3A_113 = arith.constant 0 : i32
        %dma_start3A_114 = arith.constant 0 : i32
        %dma_start3A_115 = tpu.memref_slice %arg2[%dma_start3A_113, %dma_start3A_114] : memref<10000x128xf32, #tpu.memory_space<hbm>> -> memref<10000x128xf32, #tpu.memory_space<hbm>>
        tpu.enqueue_indirect_dma source(%dma_start3A_115 : memref<10000x128xf32, #tpu.memory_space<hbm>>) target(%arg11 : memref<40x128xf32, #tpu.memory_space<vmem>>) offsets(%dma_start3A_112 : memref<40xi32, #tpu.memory_space<vmem>>) semaphore(%arg15 : memref<!tpu.dma_semaphore, #tpu.memory_space<semaphore_mem>>)
      } else {
      }
    }
    %scan3A_28 = arith.constant 125 : i32
    %dma_wait3A = arith.constant 9920 : i32
    %dma_wait3A_29 = tpu.memref_slice %arg8[%dma_wait3A] : memref<10000xi32, #tpu.memory_space<vmem>> -> memref<40xi32, #tpu.memory_space<vmem>>
    %dma_wait3A_30 = arith.constant 0 : i32
    %dma_wait3A_31 = arith.constant 0 : i32
    %dma_wait3A_32 = tpu.memref_slice %arg13[%dma_wait3A_30, %dma_wait3A_31] : memref<10000x128xf32, #tpu.memory_space<vmem_shared>> -> memref<10000x128xf32, #tpu.memory_space<vmem_shared>>
    tpu.wait_indirect_dma semaphore(%arg16 : memref<!tpu.dma_semaphore, #tpu.memory_space<semaphore_mem>>) src(%arg10 : memref<40x128xf32, #tpu.memory_space<vmem>>) dst(%dma_wait3A_32 : memref<10000x128xf32, #tpu.memory_space<vmem_shared>>)
    %dma_wait3A_33 = arith.constant 9960 : i32
    %dma_wait3A_34 = tpu.memref_slice %arg8[%dma_wait3A_33] : memref<10000xi32, #tpu.memory_space<vmem>> -> memref<40xi32, #tpu.memory_space<vmem>>
    %dma_wait3A_35 = arith.constant 0 : i32
    %dma_wait3A_36 = arith.constant 0 : i32
    %dma_wait3A_37 = tpu.memref_slice %arg13[%dma_wait3A_35, %dma_wait3A_36] : memref<10000x128xf32, #tpu.memory_space<vmem_shared>> -> memref<10000x128xf32, #tpu.memory_space<vmem_shared>>
    tpu.wait_indirect_dma semaphore(%arg17 : memref<!tpu.dma_semaphore, #tpu.memory_space<semaphore_mem>>) src(%arg11 : memref<40x128xf32, #tpu.memory_space<vmem>>) dst(%dma_wait3A_37 : memref<10000x128xf32, #tpu.memory_space<vmem_shared>>)
    %barrier3A_38 = arith.constant 0 : index
    tpu.barrier barrier_id(%barrier3A_38)
    %scan3A_39 = arith.constant 0 : i32
    %scan3A_40 = arith.constant 39 : i32
    %scan3A_41 = arith.addi %scan3A_39, %scan3A_40 : i32
    %scan3A_42 = arith.constant 1 : i32
    scf.for %scan3A_49 = %scan3A_39 to %scan3A_41 step %scan3A_42  : i32 {
      %mul3A_50 = arith.constant 1 : i32
      %mul3A_51 = arith.muli %scan3A_49, %mul3A_50 : i32
      %add3A_52 = arith.constant 0 : i32
      %add3A_53 = arith.addi %add3A_52, %mul3A_51 : i32
      %mul3A_54 = arith.constant 624 : i32
      %mul3A_55 = arith.muli %arg1, %mul3A_54 : i32
      %mul3A_56 = arith.constant 16 : i32
      %mul3A_57 = arith.muli %add3A_53, %mul3A_56 : i32
      %add3A_58 = arith.addi %mul3A_55, %mul3A_57 : i32
      "tpu.region"() ({
        %run_scoped3A = tpu.sem_alloc : memref<!tpu.dma_semaphore, #tpu.memory_space<semaphore_mem>>
        %dma_start3A_59 = arith.constant 0 : i32
        %dma_start3A_60 = tpu.memref_slice %arg6[%arg0, %add3A_58, %dma_start3A_59] : memref<2x10000x128xf32, #tpu.memory_space<hbm>> -> memref<1x16x128xf32, #tpu.memory_space<hbm>>
        %dma_start3A_61 = tpu.memref_squeeze %dma_start3A_60 : memref<1x16x128xf32, #tpu.memory_space<hbm>> -> memref<16x128xf32, #tpu.memory_space<hbm>>
        %dma_start3A_62 = arith.constant 0 : i32
        %dma_start3A_63 = tpu.memref_slice %arg13[%add3A_58, %dma_start3A_62] : memref<10000x128xf32, #tpu.memory_space<vmem_shared>> -> memref<16x128xf32, #tpu.memory_space<vmem_shared>>
        tpu.enqueue_dma source(%dma_start3A_63 : memref<16x128xf32, #tpu.memory_space<vmem_shared>>) target(%dma_start3A_61 : memref<16x128xf32, #tpu.memory_space<hbm>>) target_semaphore(%run_scoped3A : memref<!tpu.dma_semaphore, #tpu.memory_space<semaphore_mem>>)
        %dma_wait3A_64 = arith.constant 0 : i32
        %dma_wait3A_65 = tpu.memref_slice %arg6[%arg0, %add3A_58, %dma_wait3A_64] : memref<2x10000x128xf32, #tpu.memory_space<hbm>> -> memref<1x16x128xf32, #tpu.memory_space<hbm>>
        %dma_wait3A_66 = tpu.memref_squeeze %dma_wait3A_65 : memref<1x16x128xf32, #tpu.memory_space<hbm>> -> memref<16x128xf32, #tpu.memory_space<hbm>>
        %dma_wait3A_67 = arith.constant 0 : i32
        %dma_wait3A_68 = tpu.memref_slice %arg13[%add3A_58, %dma_wait3A_67] : memref<10000x128xf32, #tpu.memory_space<vmem_shared>> -> memref<16x128xf32, #tpu.memory_space<vmem_shared>>
        tpu.wait_dma2 semaphore(%run_scoped3A : memref<!tpu.dma_semaphore, #tpu.memory_space<semaphore_mem>>) src(%dma_wait3A_68 : memref<16x128xf32, #tpu.memory_space<vmem_shared>>) dst(%dma_wait3A_66 : memref<16x128xf32, #tpu.memory_space<hbm>>)
        tpu.yield
      }) : () -> ()
    }
    %scan3A_43 = arith.constant 39 : i32
    %eq3A_44 = arith.constant 15 : i32
    %eq3A_45 = arith.cmpi eq, %arg1, %eq3A_44 : i32
    %convert_element_type3A_46 = arith.extui %eq3A_45 : i1 to i32
    %cond3A_47 = arith.constant 0 : i32
    %cond3A_48 = arith.cmpi ne, %convert_element_type3A_46, %cond3A_47 : i32
    scf.if %cond3A_48 {
      %scan3A_49 = arith.constant 0 : i32
      %mul3A_50 = arith.constant 1 : i32
      %mul3A_51 = arith.muli %scan3A_49, %mul3A_50 : i32
      %add3A_52 = arith.constant 39 : i32
      %add3A_53 = arith.addi %add3A_52, %mul3A_51 : i32
      %mul3A_54 = arith.constant 16 : i32
      %mul3A_55 = arith.muli %add3A_53, %mul3A_54 : i32
      %add3A_56 = arith.constant 9360 : i32
      %add3A_57 = arith.addi %add3A_56, %mul3A_55 : i32
      "tpu.region"() ({
        %run_scoped3A = tpu.sem_alloc : memref<!tpu.dma_semaphore, #tpu.memory_space<semaphore_mem>>
        %dma_start3A_59 = arith.constant 0 : i32
        %dma_start3A_60 = tpu.memref_slice %arg6[%arg0, %add3A_57, %dma_start3A_59] : memref<2x10000x128xf32, #tpu.memory_space<hbm>> -> memref<1x16x128xf32, #tpu.memory_space<hbm>>
        %dma_start3A_61 = tpu.memref_squeeze %dma_start3A_60 : memref<1x16x128xf32, #tpu.memory_space<hbm>> -> memref<16x128xf32, #tpu.memory_space<hbm>>
        %dma_start3A_62 = arith.constant 0 : i32
        %dma_start3A_63 = tpu.memref_slice %arg13[%add3A_57, %dma_start3A_62] : memref<10000x128xf32, #tpu.memory_space<vmem_shared>> -> memref<16x128xf32, #tpu.memory_space<vmem_shared>>
        tpu.enqueue_dma source(%dma_start3A_63 : memref<16x128xf32, #tpu.memory_space<vmem_shared>>) target(%dma_start3A_61 : memref<16x128xf32, #tpu.memory_space<hbm>>) target_semaphore(%run_scoped3A : memref<!tpu.dma_semaphore, #tpu.memory_space<semaphore_mem>>)
        %dma_wait3A_64 = arith.constant 0 : i32
        %dma_wait3A_65 = tpu.memref_slice %arg6[%arg0, %add3A_57, %dma_wait3A_64] : memref<2x10000x128xf32, #tpu.memory_space<hbm>> -> memref<1x16x128xf32, #tpu.memory_space<hbm>>
        %dma_wait3A_66 = tpu.memref_squeeze %dma_wait3A_65 : memref<1x16x128xf32, #tpu.memory_space<hbm>> -> memref<16x128xf32, #tpu.memory_space<hbm>>
        %dma_wait3A_67 = arith.constant 0 : i32
        %dma_wait3A_68 = tpu.memref_slice %arg13[%add3A_57, %dma_wait3A_67] : memref<10000x128xf32, #tpu.memory_space<vmem_shared>> -> memref<16x128xf32, #tpu.memory_space<vmem_shared>>
        tpu.wait_dma2 semaphore(%run_scoped3A : memref<!tpu.dma_semaphore, #tpu.memory_space<semaphore_mem>>) src(%dma_wait3A_68 : memref<16x128xf32, #tpu.memory_space<vmem_shared>>) dst(%dma_wait3A_66 : memref<16x128xf32, #tpu.memory_space<hbm>>)
        tpu.yield
      }) : () -> ()
      %scan3A_58 = arith.constant 1 : i32
    } else {
    }
    return
  }
}

module attributes {stable_mosaic.version = 14 : i64} {
  func.func @_tc_pre_body(%arg0: i32, %arg1: memref<400x128xf32, #tpu.memory_space<vmem>>, %arg2: memref<128x128xf32, #tpu.memory_space<vmem>>, %arg3: memref<1x128xf32, #tpu.memory_space<vmem>>, %arg4: memref<400x128xf32, #tpu.memory_space<vmem>>) attributes {dimension_semantics = [#tpu.dimension_semantics<arbitrary>], iteration_bounds = array<i64: 25>, scalar_prefetch = 0 : i64, scratch_operands = 0 : i64, tpu.core_type = #tpu.core_type<tc>, window_params = [{transform_indices = @transform_0, window_bounds = array<i64: 400, 128>}, {pipeline_mode = #tpu.pipeline_mode<synchronous>, transform_indices = @transform_1, window_bounds = array<i64: 128, 128>}, {pipeline_mode = #tpu.pipeline_mode<synchronous>, transform_indices = @transform_2, window_bounds = array<i64: 1, 128>}, {transform_indices = @transform_3, window_bounds = array<i64: 400, 128>}]} {
    %get3A = arith.constant 0 : index
    %get3A_0 = arith.constant 0 : index
    %get3A_1 = vector.load %arg1[%get3A, %get3A_0] : memref<400x128xf32, #tpu.memory_space<vmem>>, vector<400x128xf32>
    %mul3A = arith.mulf %get3A_1, %get3A_1 : vector<400x128xf32>
    %reduce_sum3A = arith.constant dense<0.000000e+00> : vector<400xf32>
    %reduce_sum3A_2 = vector.multi_reduction <add>, %mul3A, %reduce_sum3A [1] : vector<400x128xf32> to vector<400xf32>
    %broadcast_in_dim3A = vector.shape_cast %reduce_sum3A_2 : vector<400xf32> to vector<400x1xf32>
    %sqrt3A = math.sqrt %broadcast_in_dim3A : vector<400x1xf32>
    %jit3A = arith.constant 1.000000e-15 : f32
    %max3A = vector.broadcast %jit3A : f32 to vector<400x1xf32>
    %max3A_3 = arith.maximumf %max3A, %sqrt3A : vector<400x1xf32>
    %tanh3A = math.tanh %max3A_3 : vector<400x1xf32>
    %mul3A_4 = vector.broadcast %tanh3A : vector<400x1xf32> to vector<400x128xf32>
    %mul3A_5 = arith.mulf %mul3A_4, %get3A_1 : vector<400x128xf32>
    %div3A = vector.broadcast %max3A_3 : vector<400x1xf32> to vector<400x128xf32>
    %div3A_6 = arith.divf %mul3A_5, %div3A : vector<400x128xf32>
    %mul3A_7 = arith.mulf %div3A_6, %div3A_6 : vector<400x128xf32>
    %reduce_sum3A_8 = arith.constant dense<0.000000e+00> : vector<400xf32>
    %reduce_sum3A_9 = vector.multi_reduction <add>, %mul3A_7, %reduce_sum3A_8 [1] : vector<400x128xf32> to vector<400xf32>
    %broadcast_in_dim3A_10 = vector.shape_cast %reduce_sum3A_9 : vector<400xf32> to vector<400x1xf32>
    %sqrt3A_11 = math.sqrt %broadcast_in_dim3A_10 : vector<400x1xf32>
    %jit3A_12 = arith.constant 1.000000e-15 : f32
    %max3A_13 = vector.broadcast %jit3A_12 : f32 to vector<400x1xf32>
    %max3A_14 = arith.maximumf %max3A_13, %sqrt3A_11 : vector<400x1xf32>
    %gt3A = arith.constant 0.995999991 : f32
    %gt3A_15 = vector.broadcast %gt3A : f32 to vector<400x1xf32>
    %gt3A_16 = arith.cmpf ogt, %max3A_14, %gt3A_15 : vector<400x1xf32>
    %div3A_17 = vector.broadcast %max3A_14 : vector<400x1xf32> to vector<400x128xf32>
    %div3A_18 = arith.divf %div3A_6, %div3A_17 : vector<400x128xf32>
    %mul3A_19 = arith.constant 0.995999991 : f32
    %mul3A_20 = vector.broadcast %mul3A_19 : f32 to vector<400x128xf32>
    %mul3A_21 = arith.mulf %div3A_18, %mul3A_20 : vector<400x128xf32>
    %broadcast_in_dim3A_22 = vector.shape_cast %gt3A_16 : vector<400x1xi1> to vector<400x1xi1>
    %broadcast_in_dim3A_23 = vector.broadcast %broadcast_in_dim3A_22 : vector<400x1xi1> to vector<400x128xi1>
    %select_n3A = arith.select %broadcast_in_dim3A_23, %mul3A_21, %div3A_6 : vector<400x128xi1>, vector<400x128xf32>
    %get3A_24 = arith.constant 0 : index
    %get3A_25 = arith.constant 0 : index
    %get3A_26 = vector.load %arg2[%get3A_24, %get3A_25] : memref<128x128xf32, #tpu.memory_space<vmem>>, vector<128x128xf32>
    %get3A_27 = arith.constant 0 : index
    %get3A_28 = arith.constant 0 : index
    %get3A_29 = vector.load %arg3[%get3A_27, %get3A_28] : memref<1x128xf32, #tpu.memory_space<vmem>>, vector<1x128xf32>
    %mul3A_30 = arith.mulf %select_n3A, %select_n3A : vector<400x128xf32>
    %reduce_sum3A_31 = arith.constant dense<0.000000e+00> : vector<400xf32>
    %reduce_sum3A_32 = vector.multi_reduction <add>, %mul3A_30, %reduce_sum3A_31 [1] : vector<400x128xf32> to vector<400xf32>
    %broadcast_in_dim3A_33 = vector.shape_cast %reduce_sum3A_32 : vector<400xf32> to vector<400x1xf32>
    %sqrt3A_34 = math.sqrt %broadcast_in_dim3A_33 : vector<400x1xf32>
    %jit3A_35 = arith.constant 1.000000e-15 : f32
    %max3A_36 = vector.broadcast %jit3A_35 : f32 to vector<400x1xf32>
    %max3A_37 = arith.maximumf %max3A_36, %sqrt3A_34 : vector<400x1xf32>
    %dot_general3A = arith.constant dense<0.000000e+00> : vector<400x128xf32>
    %dot_general3A_38 = tpu.matmul %select_n3A, %get3A_26, %dot_general3A {dimension_numbers = #tpu.dot_dimension_numbers<[1], [1], [0], [0], [0, 0, 1, 0], [], []>, transpose_lhs_hint = false} : vector<400x128xf32>, vector<128x128xf32>, vector<400x128xf32> -> vector<400x128xf32>
    %mul3A_39 = arith.mulf %dot_general3A_38, %dot_general3A_38 : vector<400x128xf32>
    %reduce_sum3A_40 = arith.constant dense<0.000000e+00> : vector<400xf32>
    %reduce_sum3A_41 = vector.multi_reduction <add>, %mul3A_39, %reduce_sum3A_40 [1] : vector<400x128xf32> to vector<400xf32>
    %broadcast_in_dim3A_42 = vector.shape_cast %reduce_sum3A_41 : vector<400xf32> to vector<400x1xf32>
    %sqrt3A_43 = math.sqrt %broadcast_in_dim3A_42 : vector<400x1xf32>
    %jit3A_44 = arith.constant 1.000000e-15 : f32
    %max3A_45 = vector.broadcast %jit3A_44 : f32 to vector<400x1xf32>
    %max3A_46 = arith.maximumf %max3A_45, %sqrt3A_43 : vector<400x1xf32>
    %div3A_47 = arith.divf %max3A_46, %max3A_37 : vector<400x1xf32>
    %jit3A_48 = arith.constant -0.99999988 : f32
    %jit3A_49 = arith.constant 0.99999988 : f32
    %max3A_50 = vector.broadcast %jit3A_48 : f32 to vector<400x1xf32>
    %max3A_51 = arith.maximumf %max3A_50, %max3A_37 : vector<400x1xf32>
    %min3A = vector.broadcast %jit3A_49 : f32 to vector<400x1xf32>
    %min3A_52 = arith.minimumf %min3A, %max3A_51 : vector<400x1xf32>
    %add3A = arith.constant 1.000000e+00 : f32
    %add3A_53 = vector.broadcast %add3A : f32 to vector<400x1xf32>
    %add3A_54 = arith.addf %add3A_53, %min3A_52 : vector<400x1xf32>
    %sub3A = arith.constant 1.000000e+00 : f32
    %sub3A_55 = vector.broadcast %sub3A : f32 to vector<400x1xf32>
    %sub3A_56 = arith.subf %sub3A_55, %min3A_52 : vector<400x1xf32>
    %div3A_57 = arith.divf %add3A_54, %sub3A_56 : vector<400x1xf32>
    %log3A = math.log %div3A_57 : vector<400x1xf32>
    %mul3A_58 = arith.constant 5.000000e-01 : f32
    %mul3A_59 = vector.broadcast %mul3A_58 : f32 to vector<400x1xf32>
    %mul3A_60 = arith.mulf %mul3A_59, %log3A : vector<400x1xf32>
    %mul3A_61 = arith.mulf %div3A_47, %mul3A_60 : vector<400x1xf32>
    %tanh3A_62 = math.tanh %mul3A_61 : vector<400x1xf32>
    %mul3A_63 = vector.broadcast %tanh3A_62 : vector<400x1xf32> to vector<400x128xf32>
    %mul3A_64 = arith.mulf %mul3A_63, %dot_general3A_38 : vector<400x128xf32>
    %div3A_65 = vector.broadcast %max3A_46 : vector<400x1xf32> to vector<400x128xf32>
    %div3A_66 = arith.divf %mul3A_64, %div3A_65 : vector<400x128xf32>
    %abs3A = math.absf %dot_general3A_38 : vector<400x128xf32>
    %reduce_sum3A_67 = arith.constant dense<0.000000e+00> : vector<400xf32>
    %reduce_sum3A_68 = vector.multi_reduction <add>, %abs3A, %reduce_sum3A_67 [1] : vector<400x128xf32> to vector<400xf32>
    %broadcast_in_dim3A_69 = vector.shape_cast %reduce_sum3A_68 : vector<400xf32> to vector<400x1xf32>
    %eq3A = arith.constant 0.000000e+00 : f32
    %eq3A_70 = vector.broadcast %eq3A : f32 to vector<400x1xf32>
    %eq3A_71 = arith.cmpf oeq, %broadcast_in_dim3A_69, %eq3A_70 : vector<400x1xf32>
    %broadcast_in_dim3A_72 = arith.constant 0.000000e+00 : f32
    %broadcast_in_dim3A_73 = vector.broadcast %broadcast_in_dim3A_72 : f32 to vector<400x128xf32>
    %broadcast_in_dim3A_74 = vector.shape_cast %eq3A_71 : vector<400x1xi1> to vector<400x1xi1>
    %broadcast_in_dim3A_75 = vector.broadcast %broadcast_in_dim3A_74 : vector<400x1xi1> to vector<400x128xi1>
    %select_n3A_76 = arith.select %broadcast_in_dim3A_75, %broadcast_in_dim3A_73, %div3A_66 : vector<400x128xi1>, vector<400x128xf32>
    %mul3A_77 = arith.mulf %select_n3A_76, %select_n3A_76 : vector<400x128xf32>
    %reduce_sum3A_78 = arith.constant dense<0.000000e+00> : vector<400xf32>
    %reduce_sum3A_79 = vector.multi_reduction <add>, %mul3A_77, %reduce_sum3A_78 [1] : vector<400x128xf32> to vector<400xf32>
    %broadcast_in_dim3A_80 = vector.shape_cast %reduce_sum3A_79 : vector<400xf32> to vector<400x1xf32>
    %sqrt3A_81 = math.sqrt %broadcast_in_dim3A_80 : vector<400x1xf32>
    %jit3A_82 = arith.constant 1.000000e-15 : f32
    %max3A_83 = vector.broadcast %jit3A_82 : f32 to vector<400x1xf32>
    %max3A_84 = arith.maximumf %max3A_83, %sqrt3A_81 : vector<400x1xf32>
    %gt3A_85 = arith.constant 0.995999991 : f32
    %gt3A_86 = vector.broadcast %gt3A_85 : f32 to vector<400x1xf32>
    %gt3A_87 = arith.cmpf ogt, %max3A_84, %gt3A_86 : vector<400x1xf32>
    %div3A_88 = vector.broadcast %max3A_84 : vector<400x1xf32> to vector<400x128xf32>
    %div3A_89 = arith.divf %select_n3A_76, %div3A_88 : vector<400x128xf32>
    %mul3A_90 = arith.constant 0.995999991 : f32
    %mul3A_91 = vector.broadcast %mul3A_90 : f32 to vector<400x128xf32>
    %mul3A_92 = arith.mulf %div3A_89, %mul3A_91 : vector<400x128xf32>
    %broadcast_in_dim3A_93 = vector.shape_cast %gt3A_87 : vector<400x1xi1> to vector<400x1xi1>
    %broadcast_in_dim3A_94 = vector.broadcast %broadcast_in_dim3A_93 : vector<400x1xi1> to vector<400x128xi1>
    %select_n3A_95 = arith.select %broadcast_in_dim3A_94, %mul3A_92, %select_n3A_76 : vector<400x128xi1>, vector<400x128xf32>
    %mul3A_96 = arith.mulf %get3A_29, %get3A_29 : vector<1x128xf32>
    %reduce_sum3A_97 = arith.constant dense<0.000000e+00> : vector<1xf32>
    %reduce_sum3A_98 = vector.multi_reduction <add>, %mul3A_96, %reduce_sum3A_97 [1] : vector<1x128xf32> to vector<1xf32>
    %broadcast_in_dim3A_99 = vector.shape_cast %reduce_sum3A_98 : vector<1xf32> to vector<1x1xf32>
    %sqrt3A_100 = math.sqrt %broadcast_in_dim3A_99 : vector<1x1xf32>
    %jit3A_101 = arith.constant 1.000000e-15 : f32
    %max3A_102 = vector.broadcast %jit3A_101 : f32 to vector<1x1xf32>
    %max3A_103 = arith.maximumf %max3A_102, %sqrt3A_100 : vector<1x1xf32>
    %tanh3A_104 = math.tanh %max3A_103 : vector<1x1xf32>
    %mul3A_105 = vector.broadcast %tanh3A_104 : vector<1x1xf32> to vector<1x128xf32>
    %mul3A_106 = arith.mulf %mul3A_105, %get3A_29 : vector<1x128xf32>
    %div3A_107 = vector.broadcast %max3A_103 : vector<1x1xf32> to vector<1x128xf32>
    %div3A_108 = arith.divf %mul3A_106, %div3A_107 : vector<1x128xf32>
    %mul3A_109 = arith.mulf %div3A_108, %div3A_108 : vector<1x128xf32>
    %reduce_sum3A_110 = arith.constant dense<0.000000e+00> : vector<1xf32>
    %reduce_sum3A_111 = vector.multi_reduction <add>, %mul3A_109, %reduce_sum3A_110 [1] : vector<1x128xf32> to vector<1xf32>
    %broadcast_in_dim3A_112 = vector.shape_cast %reduce_sum3A_111 : vector<1xf32> to vector<1x1xf32>
    %sqrt3A_113 = math.sqrt %broadcast_in_dim3A_112 : vector<1x1xf32>
    %jit3A_114 = arith.constant 1.000000e-15 : f32
    %max3A_115 = vector.broadcast %jit3A_114 : f32 to vector<1x1xf32>
    %max3A_116 = arith.maximumf %max3A_115, %sqrt3A_113 : vector<1x1xf32>
    %gt3A_117 = arith.constant 0.995999991 : f32
    %gt3A_118 = vector.broadcast %gt3A_117 : f32 to vector<1x1xf32>
    %gt3A_119 = arith.cmpf ogt, %max3A_116, %gt3A_118 : vector<1x1xf32>
    %div3A_120 = vector.broadcast %max3A_116 : vector<1x1xf32> to vector<1x128xf32>
    %div3A_121 = arith.divf %div3A_108, %div3A_120 : vector<1x128xf32>
    %mul3A_122 = arith.constant 0.995999991 : f32
    %mul3A_123 = vector.broadcast %mul3A_122 : f32 to vector<1x128xf32>
    %mul3A_124 = arith.mulf %div3A_121, %mul3A_123 : vector<1x128xf32>
    %broadcast_in_dim3A_125 = vector.shape_cast %gt3A_119 : vector<1x1xi1> to vector<1x1xi1>
    %broadcast_in_dim3A_126 = vector.broadcast %broadcast_in_dim3A_125 : vector<1x1xi1> to vector<1x128xi1>
    %select_n3A_127 = arith.select %broadcast_in_dim3A_126, %mul3A_124, %div3A_108 : vector<1x128xi1>, vector<1x128xf32>
    %mul3A_128 = arith.mulf %select_n3A_95, %select_n3A_95 : vector<400x128xf32>
    %reduce_sum3A_129 = arith.constant dense<0.000000e+00> : vector<400xf32>
    %reduce_sum3A_130 = vector.multi_reduction <add>, %mul3A_128, %reduce_sum3A_129 [1] : vector<400x128xf32> to vector<400xf32>
    %broadcast_in_dim3A_131 = vector.shape_cast %reduce_sum3A_130 : vector<400xf32> to vector<400x1xf32>
    %mul3A_132 = arith.mulf %select_n3A_127, %select_n3A_127 : vector<1x128xf32>
    %reduce_sum3A_133 = arith.constant dense<0.000000e+00> : vector<1xf32>
    %reduce_sum3A_134 = vector.multi_reduction <add>, %mul3A_132, %reduce_sum3A_133 [1] : vector<1x128xf32> to vector<1xf32>
    %broadcast_in_dim3A_135 = vector.shape_cast %reduce_sum3A_134 : vector<1xf32> to vector<1x1xf32>
    %mul3A_136 = vector.broadcast %select_n3A_127 : vector<1x128xf32> to vector<400x128xf32>
    %mul3A_137 = arith.mulf %select_n3A_95, %mul3A_136 : vector<400x128xf32>
    %reduce_sum3A_138 = arith.constant dense<0.000000e+00> : vector<400xf32>
    %reduce_sum3A_139 = vector.multi_reduction <add>, %mul3A_137, %reduce_sum3A_138 [1] : vector<400x128xf32> to vector<400xf32>
    %broadcast_in_dim3A_140 = vector.shape_cast %reduce_sum3A_139 : vector<400xf32> to vector<400x1xf32>
    %mul3A_141 = arith.constant 2.000000e+00 : f32
    %mul3A_142 = vector.broadcast %mul3A_141 : f32 to vector<400x1xf32>
    %mul3A_143 = arith.mulf %mul3A_142, %broadcast_in_dim3A_140 : vector<400x1xf32>
    %add3A_144 = arith.constant 1.000000e+00 : f32
    %add3A_145 = vector.broadcast %add3A_144 : f32 to vector<400x1xf32>
    %add3A_146 = arith.addf %add3A_145, %mul3A_143 : vector<400x1xf32>
    %add3A_147 = vector.broadcast %broadcast_in_dim3A_135 : vector<1x1xf32> to vector<400x1xf32>
    %add3A_148 = arith.addf %add3A_146, %add3A_147 : vector<400x1xf32>
    %mul3A_149 = vector.broadcast %add3A_148 : vector<400x1xf32> to vector<400x128xf32>
    %mul3A_150 = arith.mulf %mul3A_149, %select_n3A_95 : vector<400x128xf32>
    %sub3A_151 = arith.constant 1.000000e+00 : f32
    %sub3A_152 = vector.broadcast %sub3A_151 : f32 to vector<400x1xf32>
    %sub3A_153 = arith.subf %sub3A_152, %broadcast_in_dim3A_131 : vector<400x1xf32>
    %mul3A_154 = vector.broadcast %sub3A_153 : vector<400x1xf32> to vector<400x128xf32>
    %mul3A_155 = vector.broadcast %select_n3A_127 : vector<1x128xf32> to vector<400x128xf32>
    %mul3A_156 = arith.mulf %mul3A_154, %mul3A_155 : vector<400x128xf32>
    %add3A_157 = arith.addf %mul3A_150, %mul3A_156 : vector<400x128xf32>
    %mul3A_158 = arith.constant 2.000000e+00 : f32
    %mul3A_159 = vector.broadcast %mul3A_158 : f32 to vector<400x1xf32>
    %mul3A_160 = arith.mulf %mul3A_159, %broadcast_in_dim3A_140 : vector<400x1xf32>
    %add3A_161 = arith.constant 1.000000e+00 : f32
    %add3A_162 = vector.broadcast %add3A_161 : f32 to vector<400x1xf32>
    %add3A_163 = arith.addf %add3A_162, %mul3A_160 : vector<400x1xf32>
    %mul3A_164 = vector.broadcast %broadcast_in_dim3A_135 : vector<1x1xf32> to vector<400x1xf32>
    %mul3A_165 = arith.mulf %broadcast_in_dim3A_131, %mul3A_164 : vector<400x1xf32>
    %add3A_166 = arith.addf %add3A_163, %mul3A_165 : vector<400x1xf32>
    %jit3A_167 = arith.constant 1.000000e-15 : f32
    %max3A_168 = vector.broadcast %jit3A_167 : f32 to vector<400x1xf32>
    %max3A_169 = arith.maximumf %max3A_168, %add3A_166 : vector<400x1xf32>
    %div3A_170 = vector.broadcast %max3A_169 : vector<400x1xf32> to vector<400x128xf32>
    %div3A_171 = arith.divf %add3A_157, %div3A_170 : vector<400x128xf32>
    %mul3A_172 = arith.mulf %div3A_171, %div3A_171 : vector<400x128xf32>
    %reduce_sum3A_173 = arith.constant dense<0.000000e+00> : vector<400xf32>
    %reduce_sum3A_174 = vector.multi_reduction <add>, %mul3A_172, %reduce_sum3A_173 [1] : vector<400x128xf32> to vector<400xf32>
    %broadcast_in_dim3A_175 = vector.shape_cast %reduce_sum3A_174 : vector<400xf32> to vector<400x1xf32>
    %sqrt3A_176 = math.sqrt %broadcast_in_dim3A_175 : vector<400x1xf32>
    %jit3A_177 = arith.constant 1.000000e-15 : f32
    %max3A_178 = vector.broadcast %jit3A_177 : f32 to vector<400x1xf32>
    %max3A_179 = arith.maximumf %max3A_178, %sqrt3A_176 : vector<400x1xf32>
    %gt3A_180 = arith.constant 0.995999991 : f32
    %gt3A_181 = vector.broadcast %gt3A_180 : f32 to vector<400x1xf32>
    %gt3A_182 = arith.cmpf ogt, %max3A_179, %gt3A_181 : vector<400x1xf32>
    %div3A_183 = vector.broadcast %max3A_179 : vector<400x1xf32> to vector<400x128xf32>
    %div3A_184 = arith.divf %div3A_171, %div3A_183 : vector<400x128xf32>
    %mul3A_185 = arith.constant 0.995999991 : f32
    %mul3A_186 = vector.broadcast %mul3A_185 : f32 to vector<400x128xf32>
    %mul3A_187 = arith.mulf %div3A_184, %mul3A_186 : vector<400x128xf32>
    %broadcast_in_dim3A_188 = vector.shape_cast %gt3A_182 : vector<400x1xi1> to vector<400x1xi1>
    %broadcast_in_dim3A_189 = vector.broadcast %broadcast_in_dim3A_188 : vector<400x1xi1> to vector<400x128xi1>
    %select_n3A_190 = arith.select %broadcast_in_dim3A_189, %mul3A_187, %div3A_171 : vector<400x128xi1>, vector<400x128xf32>
    %mul3A_191 = arith.mulf %select_n3A_190, %select_n3A_190 : vector<400x128xf32>
    %reduce_sum3A_192 = arith.constant dense<0.000000e+00> : vector<400xf32>
    %reduce_sum3A_193 = vector.multi_reduction <add>, %mul3A_191, %reduce_sum3A_192 [1] : vector<400x128xf32> to vector<400xf32>
    %broadcast_in_dim3A_194 = vector.shape_cast %reduce_sum3A_193 : vector<400xf32> to vector<400x1xf32>
    %sqrt3A_195 = math.sqrt %broadcast_in_dim3A_194 : vector<400x1xf32>
    %jit3A_196 = arith.constant 1.000000e-15 : f32
    %max3A_197 = vector.broadcast %jit3A_196 : f32 to vector<400x1xf32>
    %max3A_198 = arith.maximumf %max3A_197, %sqrt3A_195 : vector<400x1xf32>
    %jit3A_199 = arith.constant -0.99999988 : f32
    %jit3A_200 = arith.constant 0.99999988 : f32
    %max3A_201 = vector.broadcast %jit3A_199 : f32 to vector<400x1xf32>
    %max3A_202 = arith.maximumf %max3A_201, %max3A_198 : vector<400x1xf32>
    %min3A_203 = vector.broadcast %jit3A_200 : f32 to vector<400x1xf32>
    %min3A_204 = arith.minimumf %min3A_203, %max3A_202 : vector<400x1xf32>
    %add3A_205 = arith.constant 1.000000e+00 : f32
    %add3A_206 = vector.broadcast %add3A_205 : f32 to vector<400x1xf32>
    %add3A_207 = arith.addf %add3A_206, %min3A_204 : vector<400x1xf32>
    %sub3A_208 = arith.constant 1.000000e+00 : f32
    %sub3A_209 = vector.broadcast %sub3A_208 : f32 to vector<400x1xf32>
    %sub3A_210 = arith.subf %sub3A_209, %min3A_204 : vector<400x1xf32>
    %div3A_211 = arith.divf %add3A_207, %sub3A_210 : vector<400x1xf32>
    %log3A_212 = math.log %div3A_211 : vector<400x1xf32>
    %mul3A_213 = arith.constant 5.000000e-01 : f32
    %mul3A_214 = vector.broadcast %mul3A_213 : f32 to vector<400x1xf32>
    %mul3A_215 = arith.mulf %mul3A_214, %log3A_212 : vector<400x1xf32>
    %mul3A_216 = vector.broadcast %mul3A_215 : vector<400x1xf32> to vector<400x128xf32>
    %mul3A_217 = arith.mulf %mul3A_216, %select_n3A_190 : vector<400x128xf32>
    %div3A_218 = vector.broadcast %max3A_198 : vector<400x1xf32> to vector<400x128xf32>
    %div3A_219 = arith.divf %mul3A_217, %div3A_218 : vector<400x128xf32>
    %swap3A = arith.constant 0 : index
    %swap3A_220 = arith.constant 0 : index
    %swap3A_221 = vector.load %arg4[%swap3A, %swap3A_220] : memref<400x128xf32, #tpu.memory_space<vmem>>, vector<400x128xf32>
    tpu.vector_store %arg4[%swap3A, %swap3A_220], %div3A_219 {strides = array<i32>} : memref<400x128xf32, #tpu.memory_space<vmem>>, vector<400x128xf32>,
    return
  }
  func.func @transform_0(%arg0: i32) -> (i32, i32) {
    %c0_i32 = arith.constant 0 : i32
    %c0_i32_0 = arith.constant 0 : i32
    return %arg0, %c0_i32 : i32, i32
  }
  func.func @transform_1(%arg0: i32) -> (i32, i32) {
    %c0_i32 = arith.constant 0 : i32
    %c0_i32_0 = arith.constant 0 : i32
    %c0_i32_1 = arith.constant 0 : i32
    return %c0_i32, %c0_i32_0 : i32, i32
  }
  func.func @transform_2(%arg0: i32) -> (i32, i32) {
    %c0_i32 = arith.constant 0 : i32
    %c0_i32_0 = arith.constant 0 : i32
    %c0_i32_1 = arith.constant 0 : i32
    return %c0_i32, %c0_i32_0 : i32, i32
  }
  func.func @transform_3(%arg0: i32) -> (i32, i32) {
    %c0_i32 = arith.constant 0 : i32
    %c0_i32_0 = arith.constant 0 : i32
    return %arg0, %c0_i32 : i32, i32
  }
}

module attributes {stable_mosaic.version = 14 : i64} {
  func.func @_tc_post_body(%arg0: i32, %arg1: memref<400x128xf32, #tpu.memory_space<vmem>>, %arg2: memref<400x128xf32, #tpu.memory_space<vmem>>, %arg3: memref<400x128xf32, #tpu.memory_space<vmem>>) attributes {dimension_semantics = [#tpu.dimension_semantics<arbitrary>], iteration_bounds = array<i64: 25>, scalar_prefetch = 0 : i64, scratch_operands = 0 : i64, tpu.core_type = #tpu.core_type<tc>, window_params = [{transform_indices = @transform_0, window_bounds = array<i64: 400, 128>}, {transform_indices = @transform_1, window_bounds = array<i64: 400, 128>}, {transform_indices = @transform_2, window_bounds = array<i64: 400, 128>}]} {
    %get3A = arith.constant 0 : index
    %get3A_0 = arith.constant 0 : index
    %get3A_1 = vector.load %arg1[%get3A, %get3A_0] : memref<400x128xf32, #tpu.memory_space<vmem>>, vector<400x128xf32>
    %get3A_2 = arith.constant 0 : index
    %get3A_3 = arith.constant 0 : index
    %get3A_4 = vector.load %arg2[%get3A_2, %get3A_3] : memref<400x128xf32, #tpu.memory_space<vmem>>, vector<400x128xf32>
    %add3A = arith.addf %get3A_1, %get3A_4 : vector<400x128xf32>
    %mul3A = arith.mulf %add3A, %add3A : vector<400x128xf32>
    %reduce_sum3A = arith.constant dense<0.000000e+00> : vector<400xf32>
    %reduce_sum3A_5 = vector.multi_reduction <add>, %mul3A, %reduce_sum3A [1] : vector<400x128xf32> to vector<400xf32>
    %broadcast_in_dim3A = vector.shape_cast %reduce_sum3A_5 : vector<400xf32> to vector<400x1xf32>
    %sqrt3A = math.sqrt %broadcast_in_dim3A : vector<400x1xf32>
    %jit3A = arith.constant 1.000000e-15 : f32
    %max3A = vector.broadcast %jit3A : f32 to vector<400x1xf32>
    %max3A_6 = arith.maximumf %max3A, %sqrt3A : vector<400x1xf32>
    %tanh3A = math.tanh %max3A_6 : vector<400x1xf32>
    %mul3A_7 = vector.broadcast %tanh3A : vector<400x1xf32> to vector<400x128xf32>
    %mul3A_8 = arith.mulf %mul3A_7, %add3A : vector<400x128xf32>
    %div3A = vector.broadcast %max3A_6 : vector<400x1xf32> to vector<400x128xf32>
    %div3A_9 = arith.divf %mul3A_8, %div3A : vector<400x128xf32>
    %mul3A_10 = arith.mulf %div3A_9, %div3A_9 : vector<400x128xf32>
    %reduce_sum3A_11 = arith.constant dense<0.000000e+00> : vector<400xf32>
    %reduce_sum3A_12 = vector.multi_reduction <add>, %mul3A_10, %reduce_sum3A_11 [1] : vector<400x128xf32> to vector<400xf32>
    %broadcast_in_dim3A_13 = vector.shape_cast %reduce_sum3A_12 : vector<400xf32> to vector<400x1xf32>
    %sqrt3A_14 = math.sqrt %broadcast_in_dim3A_13 : vector<400x1xf32>
    %jit3A_15 = arith.constant 1.000000e-15 : f32
    %max3A_16 = vector.broadcast %jit3A_15 : f32 to vector<400x1xf32>
    %max3A_17 = arith.maximumf %max3A_16, %sqrt3A_14 : vector<400x1xf32>
    %gt3A = arith.constant 0.995999991 : f32
    %gt3A_18 = vector.broadcast %gt3A : f32 to vector<400x1xf32>
    %gt3A_19 = arith.cmpf ogt, %max3A_17, %gt3A_18 : vector<400x1xf32>
    %div3A_20 = vector.broadcast %max3A_17 : vector<400x1xf32> to vector<400x128xf32>
    %div3A_21 = arith.divf %div3A_9, %div3A_20 : vector<400x128xf32>
    %mul3A_22 = arith.constant 0.995999991 : f32
    %mul3A_23 = vector.broadcast %mul3A_22 : f32 to vector<400x128xf32>
    %mul3A_24 = arith.mulf %div3A_21, %mul3A_23 : vector<400x128xf32>
    %broadcast_in_dim3A_25 = vector.shape_cast %gt3A_19 : vector<400x1xi1> to vector<400x1xi1>
    %broadcast_in_dim3A_26 = vector.broadcast %broadcast_in_dim3A_25 : vector<400x1xi1> to vector<400x128xi1>
    %select_n3A = arith.select %broadcast_in_dim3A_26, %mul3A_24, %div3A_9 : vector<400x128xi1>, vector<400x128xf32>
    %mul3A_27 = arith.mulf %select_n3A, %select_n3A : vector<400x128xf32>
    %reduce_sum3A_28 = arith.constant dense<0.000000e+00> : vector<400xf32>
    %reduce_sum3A_29 = vector.multi_reduction <add>, %mul3A_27, %reduce_sum3A_28 [1] : vector<400x128xf32> to vector<400xf32>
    %broadcast_in_dim3A_30 = vector.shape_cast %reduce_sum3A_29 : vector<400xf32> to vector<400x1xf32>
    %sqrt3A_31 = math.sqrt %broadcast_in_dim3A_30 : vector<400x1xf32>
    %jit3A_32 = arith.constant 1.000000e-15 : f32
    %max3A_33 = vector.broadcast %jit3A_32 : f32 to vector<400x1xf32>
    %max3A_34 = arith.maximumf %max3A_33, %sqrt3A_31 : vector<400x1xf32>
    %jit3A_35 = arith.constant -0.99999988 : f32
    %jit3A_36 = arith.constant 0.99999988 : f32
    %max3A_37 = vector.broadcast %jit3A_35 : f32 to vector<400x1xf32>
    %max3A_38 = arith.maximumf %max3A_37, %max3A_34 : vector<400x1xf32>
    %min3A = vector.broadcast %jit3A_36 : f32 to vector<400x1xf32>
    %min3A_39 = arith.minimumf %min3A, %max3A_38 : vector<400x1xf32>
    %add3A_40 = arith.constant 1.000000e+00 : f32
    %add3A_41 = vector.broadcast %add3A_40 : f32 to vector<400x1xf32>
    %add3A_42 = arith.addf %add3A_41, %min3A_39 : vector<400x1xf32>
    %sub3A = arith.constant 1.000000e+00 : f32
    %sub3A_43 = vector.broadcast %sub3A : f32 to vector<400x1xf32>
    %sub3A_44 = arith.subf %sub3A_43, %min3A_39 : vector<400x1xf32>
    %div3A_45 = arith.divf %add3A_42, %sub3A_44 : vector<400x1xf32>
    %log3A = math.log %div3A_45 : vector<400x1xf32>
    %mul3A_46 = arith.constant 5.000000e-01 : f32
    %mul3A_47 = vector.broadcast %mul3A_46 : f32 to vector<400x1xf32>
    %mul3A_48 = arith.mulf %mul3A_47, %log3A : vector<400x1xf32>
    %mul3A_49 = vector.broadcast %mul3A_48 : vector<400x1xf32> to vector<400x128xf32>
    %mul3A_50 = arith.mulf %mul3A_49, %select_n3A : vector<400x128xf32>
    %div3A_51 = vector.broadcast %max3A_34 : vector<400x1xf32> to vector<400x128xf32>
    %div3A_52 = arith.divf %mul3A_50, %div3A_51 : vector<400x128xf32>
    %max3A_53 = arith.constant 0.000000e+00 : f32
    %max3A_54 = vector.broadcast %max3A_53 : f32 to vector<400x128xf32>
    %max3A_55 = arith.maximumf %div3A_52, %max3A_54 : vector<400x128xf32>
    %mul3A_56 = arith.mulf %max3A_55, %max3A_55 : vector<400x128xf32>
    %reduce_sum3A_57 = arith.constant dense<0.000000e+00> : vector<400xf32>
    %reduce_sum3A_58 = vector.multi_reduction <add>, %mul3A_56, %reduce_sum3A_57 [1] : vector<400x128xf32> to vector<400xf32>
    %broadcast_in_dim3A_59 = vector.shape_cast %reduce_sum3A_58 : vector<400xf32> to vector<400x1xf32>
    %sqrt3A_60 = math.sqrt %broadcast_in_dim3A_59 : vector<400x1xf32>
    %jit3A_61 = arith.constant 1.000000e-15 : f32
    %max3A_62 = vector.broadcast %jit3A_61 : f32 to vector<400x1xf32>
    %max3A_63 = arith.maximumf %max3A_62, %sqrt3A_60 : vector<400x1xf32>
    %tanh3A_64 = math.tanh %max3A_63 : vector<400x1xf32>
    %mul3A_65 = vector.broadcast %tanh3A_64 : vector<400x1xf32> to vector<400x128xf32>
    %mul3A_66 = arith.mulf %mul3A_65, %max3A_55 : vector<400x128xf32>
    %div3A_67 = vector.broadcast %max3A_63 : vector<400x1xf32> to vector<400x128xf32>
    %div3A_68 = arith.divf %mul3A_66, %div3A_67 : vector<400x128xf32>
    %mul3A_69 = arith.mulf %div3A_68, %div3A_68 : vector<400x128xf32>
    %reduce_sum3A_70 = arith.constant dense<0.000000e+00> : vector<400xf32>
    %reduce_sum3A_71 = vector.multi_reduction <add>, %mul3A_69, %reduce_sum3A_70 [1] : vector<400x128xf32> to vector<400xf32>
    %broadcast_in_dim3A_72 = vector.shape_cast %reduce_sum3A_71 : vector<400xf32> to vector<400x1xf32>
    %sqrt3A_73 = math.sqrt %broadcast_in_dim3A_72 : vector<400x1xf32>
    %jit3A_74 = arith.constant 1.000000e-15 : f32
    %max3A_75 = vector.broadcast %jit3A_74 : f32 to vector<400x1xf32>
    %max3A_76 = arith.maximumf %max3A_75, %sqrt3A_73 : vector<400x1xf32>
    %gt3A_77 = arith.constant 0.995999991 : f32
    %gt3A_78 = vector.broadcast %gt3A_77 : f32 to vector<400x1xf32>
    %gt3A_79 = arith.cmpf ogt, %max3A_76, %gt3A_78 : vector<400x1xf32>
    %div3A_80 = vector.broadcast %max3A_76 : vector<400x1xf32> to vector<400x128xf32>
    %div3A_81 = arith.divf %div3A_68, %div3A_80 : vector<400x128xf32>
    %mul3A_82 = arith.constant 0.995999991 : f32
    %mul3A_83 = vector.broadcast %mul3A_82 : f32 to vector<400x128xf32>
    %mul3A_84 = arith.mulf %div3A_81, %mul3A_83 : vector<400x128xf32>
    %broadcast_in_dim3A_85 = vector.shape_cast %gt3A_79 : vector<400x1xi1> to vector<400x1xi1>
    %broadcast_in_dim3A_86 = vector.broadcast %broadcast_in_dim3A_85 : vector<400x1xi1> to vector<400x128xi1>
    %select_n3A_87 = arith.select %broadcast_in_dim3A_86, %mul3A_84, %div3A_68 : vector<400x128xi1>, vector<400x128xf32>
    %swap3A = arith.constant 0 : index
    %swap3A_88 = arith.constant 0 : index
    %swap3A_89 = vector.load %arg3[%swap3A, %swap3A_88] : memref<400x128xf32, #tpu.memory_space<vmem>>, vector<400x128xf32>
    tpu.vector_store %arg3[%swap3A, %swap3A_88], %select_n3A_87 {strides = array<i32>} : memref<400x128xf32, #tpu.memory_space<vmem>>, vector<400x128xf32>,
    return
  }
  func.func @transform_0(%arg0: i32) -> (i32, i32) {
    %c0_i32 = arith.constant 0 : i32
    %c0_i32_0 = arith.constant 0 : i32
    return %arg0, %c0_i32 : i32, i32
  }
  func.func @transform_1(%arg0: i32) -> (i32, i32) {
    %c0_i32 = arith.constant 0 : i32
    %c0_i32_0 = arith.constant 0 : i32
    return %arg0, %c0_i32 : i32, i32
  }
  func.func @transform_2(%arg0: i32) -> (i32, i32) {
    %c0_i32 = arith.constant 0 : i32
    %c0_i32_0 = arith.constant 0 : i32
    return %arg0, %c0_i32 : i32, i32
  }
}

module attributes {stable_mosaic.version = 14 : i64} {
  func.func @_tc_mid_body(%arg0: i32, %arg1: memref<400x128xf32, #tpu.memory_space<vmem>>, %arg2: memref<400x128xf32, #tpu.memory_space<vmem>>, %arg3: memref<128x128xf32, #tpu.memory_space<vmem>>, %arg4: memref<1x128xf32, #tpu.memory_space<vmem>>, %arg5: memref<400x128xf32, #tpu.memory_space<vmem>>, %arg6: memref<400x128xf32, #tpu.memory_space<vmem>>) attributes {dimension_semantics = [#tpu.dimension_semantics<arbitrary>], iteration_bounds = array<i64: 25>, scalar_prefetch = 0 : i64, scratch_operands = 0 : i64, tpu.core_type = #tpu.core_type<tc>, window_params = [{transform_indices = @transform_0, window_bounds = array<i64: 400, 128>}, {transform_indices = @transform_1, window_bounds = array<i64: 400, 128>}, {pipeline_mode = #tpu.pipeline_mode<synchronous>, transform_indices = @transform_2, window_bounds = array<i64: 128, 128>}, {pipeline_mode = #tpu.pipeline_mode<synchronous>, transform_indices = @transform_3, window_bounds = array<i64: 1, 128>}, {transform_indices = @transform_4, window_bounds = array<i64: 400, 128>}, {transform_indices = @transform_5, window_bounds = array<i64: 400, 128>}]} {
    %get3A = arith.constant 0 : index
    %get3A_0 = arith.constant 0 : index
    %get3A_1 = vector.load %arg1[%get3A, %get3A_0] : memref<400x128xf32, #tpu.memory_space<vmem>>, vector<400x128xf32>
    %get3A_2 = arith.constant 0 : index
    %get3A_3 = arith.constant 0 : index
    %get3A_4 = vector.load %arg2[%get3A_2, %get3A_3] : memref<400x128xf32, #tpu.memory_space<vmem>>, vector<400x128xf32>
    %add3A = arith.addf %get3A_1, %get3A_4 : vector<400x128xf32>
    %mul3A = arith.mulf %add3A, %add3A : vector<400x128xf32>
    %reduce_sum3A = arith.constant dense<0.000000e+00> : vector<400xf32>
    %reduce_sum3A_5 = vector.multi_reduction <add>, %mul3A, %reduce_sum3A [1] : vector<400x128xf32> to vector<400xf32>
    %broadcast_in_dim3A = vector.shape_cast %reduce_sum3A_5 : vector<400xf32> to vector<400x1xf32>
    %sqrt3A = math.sqrt %broadcast_in_dim3A : vector<400x1xf32>
    %jit3A = arith.constant 1.000000e-15 : f32
    %max3A = vector.broadcast %jit3A : f32 to vector<400x1xf32>
    %max3A_6 = arith.maximumf %max3A, %sqrt3A : vector<400x1xf32>
    %tanh3A = math.tanh %max3A_6 : vector<400x1xf32>
    %mul3A_7 = vector.broadcast %tanh3A : vector<400x1xf32> to vector<400x128xf32>
    %mul3A_8 = arith.mulf %mul3A_7, %add3A : vector<400x128xf32>
    %div3A = vector.broadcast %max3A_6 : vector<400x1xf32> to vector<400x128xf32>
    %div3A_9 = arith.divf %mul3A_8, %div3A : vector<400x128xf32>
    %mul3A_10 = arith.mulf %div3A_9, %div3A_9 : vector<400x128xf32>
    %reduce_sum3A_11 = arith.constant dense<0.000000e+00> : vector<400xf32>
    %reduce_sum3A_12 = vector.multi_reduction <add>, %mul3A_10, %reduce_sum3A_11 [1] : vector<400x128xf32> to vector<400xf32>
    %broadcast_in_dim3A_13 = vector.shape_cast %reduce_sum3A_12 : vector<400xf32> to vector<400x1xf32>
    %sqrt3A_14 = math.sqrt %broadcast_in_dim3A_13 : vector<400x1xf32>
    %jit3A_15 = arith.constant 1.000000e-15 : f32
    %max3A_16 = vector.broadcast %jit3A_15 : f32 to vector<400x1xf32>
    %max3A_17 = arith.maximumf %max3A_16, %sqrt3A_14 : vector<400x1xf32>
    %gt3A = arith.constant 0.995999991 : f32
    %gt3A_18 = vector.broadcast %gt3A : f32 to vector<400x1xf32>
    %gt3A_19 = arith.cmpf ogt, %max3A_17, %gt3A_18 : vector<400x1xf32>
    %div3A_20 = vector.broadcast %max3A_17 : vector<400x1xf32> to vector<400x128xf32>
    %div3A_21 = arith.divf %div3A_9, %div3A_20 : vector<400x128xf32>
    %mul3A_22 = arith.constant 0.995999991 : f32
    %mul3A_23 = vector.broadcast %mul3A_22 : f32 to vector<400x128xf32>
    %mul3A_24 = arith.mulf %div3A_21, %mul3A_23 : vector<400x128xf32>
    %broadcast_in_dim3A_25 = vector.shape_cast %gt3A_19 : vector<400x1xi1> to vector<400x1xi1>
    %broadcast_in_dim3A_26 = vector.broadcast %broadcast_in_dim3A_25 : vector<400x1xi1> to vector<400x128xi1>
    %select_n3A = arith.select %broadcast_in_dim3A_26, %mul3A_24, %div3A_9 : vector<400x128xi1>, vector<400x128xf32>
    %mul3A_27 = arith.mulf %select_n3A, %select_n3A : vector<400x128xf32>
    %reduce_sum3A_28 = arith.constant dense<0.000000e+00> : vector<400xf32>
    %reduce_sum3A_29 = vector.multi_reduction <add>, %mul3A_27, %reduce_sum3A_28 [1] : vector<400x128xf32> to vector<400xf32>
    %broadcast_in_dim3A_30 = vector.shape_cast %reduce_sum3A_29 : vector<400xf32> to vector<400x1xf32>
    %sqrt3A_31 = math.sqrt %broadcast_in_dim3A_30 : vector<400x1xf32>
    %jit3A_32 = arith.constant 1.000000e-15 : f32
    %max3A_33 = vector.broadcast %jit3A_32 : f32 to vector<400x1xf32>
    %max3A_34 = arith.maximumf %max3A_33, %sqrt3A_31 : vector<400x1xf32>
    %jit3A_35 = arith.constant -0.99999988 : f32
    %jit3A_36 = arith.constant 0.99999988 : f32
    %max3A_37 = vector.broadcast %jit3A_35 : f32 to vector<400x1xf32>
    %max3A_38 = arith.maximumf %max3A_37, %max3A_34 : vector<400x1xf32>
    %min3A = vector.broadcast %jit3A_36 : f32 to vector<400x1xf32>
    %min3A_39 = arith.minimumf %min3A, %max3A_38 : vector<400x1xf32>
    %add3A_40 = arith.constant 1.000000e+00 : f32
    %add3A_41 = vector.broadcast %add3A_40 : f32 to vector<400x1xf32>
    %add3A_42 = arith.addf %add3A_41, %min3A_39 : vector<400x1xf32>
    %sub3A = arith.constant 1.000000e+00 : f32
    %sub3A_43 = vector.broadcast %sub3A : f32 to vector<400x1xf32>
    %sub3A_44 = arith.subf %sub3A_43, %min3A_39 : vector<400x1xf32>
    %div3A_45 = arith.divf %add3A_42, %sub3A_44 : vector<400x1xf32>
    %log3A = math.log %div3A_45 : vector<400x1xf32>
    %mul3A_46 = arith.constant 5.000000e-01 : f32
    %mul3A_47 = vector.broadcast %mul3A_46 : f32 to vector<400x1xf32>
    %mul3A_48 = arith.mulf %mul3A_47, %log3A : vector<400x1xf32>
    %mul3A_49 = vector.broadcast %mul3A_48 : vector<400x1xf32> to vector<400x128xf32>
    %mul3A_50 = arith.mulf %mul3A_49, %select_n3A : vector<400x128xf32>
    %div3A_51 = vector.broadcast %max3A_34 : vector<400x1xf32> to vector<400x128xf32>
    %div3A_52 = arith.divf %mul3A_50, %div3A_51 : vector<400x128xf32>
    %max3A_53 = arith.constant 0.000000e+00 : f32
    %max3A_54 = vector.broadcast %max3A_53 : f32 to vector<400x128xf32>
    %max3A_55 = arith.maximumf %div3A_52, %max3A_54 : vector<400x128xf32>
    %mul3A_56 = arith.mulf %max3A_55, %max3A_55 : vector<400x128xf32>
    %reduce_sum3A_57 = arith.constant dense<0.000000e+00> : vector<400xf32>
    %reduce_sum3A_58 = vector.multi_reduction <add>, %mul3A_56, %reduce_sum3A_57 [1] : vector<400x128xf32> to vector<400xf32>
    %broadcast_in_dim3A_59 = vector.shape_cast %reduce_sum3A_58 : vector<400xf32> to vector<400x1xf32>
    %sqrt3A_60 = math.sqrt %broadcast_in_dim3A_59 : vector<400x1xf32>
    %jit3A_61 = arith.constant 1.000000e-15 : f32
    %max3A_62 = vector.broadcast %jit3A_61 : f32 to vector<400x1xf32>
    %max3A_63 = arith.maximumf %max3A_62, %sqrt3A_60 : vector<400x1xf32>
    %tanh3A_64 = math.tanh %max3A_63 : vector<400x1xf32>
    %mul3A_65 = vector.broadcast %tanh3A_64 : vector<400x1xf32> to vector<400x128xf32>
    %mul3A_66 = arith.mulf %mul3A_65, %max3A_55 : vector<400x128xf32>
    %div3A_67 = vector.broadcast %max3A_63 : vector<400x1xf32> to vector<400x128xf32>
    %div3A_68 = arith.divf %mul3A_66, %div3A_67 : vector<400x128xf32>
    %mul3A_69 = arith.mulf %div3A_68, %div3A_68 : vector<400x128xf32>
    %reduce_sum3A_70 = arith.constant dense<0.000000e+00> : vector<400xf32>
    %reduce_sum3A_71 = vector.multi_reduction <add>, %mul3A_69, %reduce_sum3A_70 [1] : vector<400x128xf32> to vector<400xf32>
    %broadcast_in_dim3A_72 = vector.shape_cast %reduce_sum3A_71 : vector<400xf32> to vector<400x1xf32>
    %sqrt3A_73 = math.sqrt %broadcast_in_dim3A_72 : vector<400x1xf32>
    %jit3A_74 = arith.constant 1.000000e-15 : f32
    %max3A_75 = vector.broadcast %jit3A_74 : f32 to vector<400x1xf32>
    %max3A_76 = arith.maximumf %max3A_75, %sqrt3A_73 : vector<400x1xf32>
    %gt3A_77 = arith.constant 0.995999991 : f32
    %gt3A_78 = vector.broadcast %gt3A_77 : f32 to vector<400x1xf32>
    %gt3A_79 = arith.cmpf ogt, %max3A_76, %gt3A_78 : vector<400x1xf32>
    %div3A_80 = vector.broadcast %max3A_76 : vector<400x1xf32> to vector<400x128xf32>
    %div3A_81 = arith.divf %div3A_68, %div3A_80 : vector<400x128xf32>
    %mul3A_82 = arith.constant 0.995999991 : f32
    %mul3A_83 = vector.broadcast %mul3A_82 : f32 to vector<400x128xf32>
    %mul3A_84 = arith.mulf %div3A_81, %mul3A_83 : vector<400x128xf32>
    %broadcast_in_dim3A_85 = vector.shape_cast %gt3A_79 : vector<400x1xi1> to vector<400x1xi1>
    %broadcast_in_dim3A_86 = vector.broadcast %broadcast_in_dim3A_85 : vector<400x1xi1> to vector<400x128xi1>
    %select_n3A_87 = arith.select %broadcast_in_dim3A_86, %mul3A_84, %div3A_68 : vector<400x128xi1>, vector<400x128xf32>
    %swap3A = arith.constant 0 : index
    %swap3A_88 = arith.constant 0 : index
    %swap3A_89 = vector.load %arg5[%swap3A, %swap3A_88] : memref<400x128xf32, #tpu.memory_space<vmem>>, vector<400x128xf32>
    tpu.vector_store %arg5[%swap3A, %swap3A_88], %select_n3A_87 {strides = array<i32>} : memref<400x128xf32, #tpu.memory_space<vmem>>, vector<400x128xf32>,
    %get3A_90 = arith.constant 0 : index
    %get3A_91 = arith.constant 0 : index
    %get3A_92 = vector.load %arg3[%get3A_90, %get3A_91] : memref<128x128xf32, #tpu.memory_space<vmem>>, vector<128x128xf32>
    %get3A_93 = arith.constant 0 : index
    %get3A_94 = arith.constant 0 : index
    %get3A_95 = vector.load %arg4[%get3A_93, %get3A_94] : memref<1x128xf32, #tpu.memory_space<vmem>>, vector<1x128xf32>
    %mul3A_96 = arith.mulf %select_n3A_87, %select_n3A_87 : vector<400x128xf32>
    %reduce_sum3A_97 = arith.constant dense<0.000000e+00> : vector<400xf32>
    %reduce_sum3A_98 = vector.multi_reduction <add>, %mul3A_96, %reduce_sum3A_97 [1] : vector<400x128xf32> to vector<400xf32>
    %broadcast_in_dim3A_99 = vector.shape_cast %reduce_sum3A_98 : vector<400xf32> to vector<400x1xf32>
    %sqrt3A_100 = math.sqrt %broadcast_in_dim3A_99 : vector<400x1xf32>
    %jit3A_101 = arith.constant 1.000000e-15 : f32
    %max3A_102 = vector.broadcast %jit3A_101 : f32 to vector<400x1xf32>
    %max3A_103 = arith.maximumf %max3A_102, %sqrt3A_100 : vector<400x1xf32>
    %dot_general3A = arith.constant dense<0.000000e+00> : vector<400x128xf32>
    %dot_general3A_104 = tpu.matmul %select_n3A_87, %get3A_92, %dot_general3A {dimension_numbers = #tpu.dot_dimension_numbers<[1], [1], [0], [0], [0, 0, 1, 0], [], []>, transpose_lhs_hint = false} : vector<400x128xf32>, vector<128x128xf32>, vector<400x128xf32> -> vector<400x128xf32>
    %mul3A_105 = arith.mulf %dot_general3A_104, %dot_general3A_104 : vector<400x128xf32>
    %reduce_sum3A_106 = arith.constant dense<0.000000e+00> : vector<400xf32>
    %reduce_sum3A_107 = vector.multi_reduction <add>, %mul3A_105, %reduce_sum3A_106 [1] : vector<400x128xf32> to vector<400xf32>
    %broadcast_in_dim3A_108 = vector.shape_cast %reduce_sum3A_107 : vector<400xf32> to vector<400x1xf32>
    %sqrt3A_109 = math.sqrt %broadcast_in_dim3A_108 : vector<400x1xf32>
    %jit3A_110 = arith.constant 1.000000e-15 : f32
    %max3A_111 = vector.broadcast %jit3A_110 : f32 to vector<400x1xf32>
    %max3A_112 = arith.maximumf %max3A_111, %sqrt3A_109 : vector<400x1xf32>
    %div3A_113 = arith.divf %max3A_112, %max3A_103 : vector<400x1xf32>
    %jit3A_114 = arith.constant -0.99999988 : f32
    %jit3A_115 = arith.constant 0.99999988 : f32
    %max3A_116 = vector.broadcast %jit3A_114 : f32 to vector<400x1xf32>
    %max3A_117 = arith.maximumf %max3A_116, %max3A_103 : vector<400x1xf32>
    %min3A_118 = vector.broadcast %jit3A_115 : f32 to vector<400x1xf32>
    %min3A_119 = arith.minimumf %min3A_118, %max3A_117 : vector<400x1xf32>
    %add3A_120 = arith.constant 1.000000e+00 : f32
    %add3A_121 = vector.broadcast %add3A_120 : f32 to vector<400x1xf32>
    %add3A_122 = arith.addf %add3A_121, %min3A_119 : vector<400x1xf32>
    %sub3A_123 = arith.constant 1.000000e+00 : f32
    %sub3A_124 = vector.broadcast %sub3A_123 : f32 to vector<400x1xf32>
    %sub3A_125 = arith.subf %sub3A_124, %min3A_119 : vector<400x1xf32>
    %div3A_126 = arith.divf %add3A_122, %sub3A_125 : vector<400x1xf32>
    %log3A_127 = math.log %div3A_126 : vector<400x1xf32>
    %mul3A_128 = arith.constant 5.000000e-01 : f32
    %mul3A_129 = vector.broadcast %mul3A_128 : f32 to vector<400x1xf32>
    %mul3A_130 = arith.mulf %mul3A_129, %log3A_127 : vector<400x1xf32>
    %mul3A_131 = arith.mulf %div3A_113, %mul3A_130 : vector<400x1xf32>
    %tanh3A_132 = math.tanh %mul3A_131 : vector<400x1xf32>
    %mul3A_133 = vector.broadcast %tanh3A_132 : vector<400x1xf32> to vector<400x128xf32>
    %mul3A_134 = arith.mulf %mul3A_133, %dot_general3A_104 : vector<400x128xf32>
    %div3A_135 = vector.broadcast %max3A_112 : vector<400x1xf32> to vector<400x128xf32>
    %div3A_136 = arith.divf %mul3A_134, %div3A_135 : vector<400x128xf32>
    %abs3A = math.absf %dot_general3A_104 : vector<400x128xf32>
    %reduce_sum3A_137 = arith.constant dense<0.000000e+00> : vector<400xf32>
    %reduce_sum3A_138 = vector.multi_reduction <add>, %abs3A, %reduce_sum3A_137 [1] : vector<400x128xf32> to vector<400xf32>
    %broadcast_in_dim3A_139 = vector.shape_cast %reduce_sum3A_138 : vector<400xf32> to vector<400x1xf32>
    %eq3A = arith.constant 0.000000e+00 : f32
    %eq3A_140 = vector.broadcast %eq3A : f32 to vector<400x1xf32>
    %eq3A_141 = arith.cmpf oeq, %broadcast_in_dim3A_139, %eq3A_140 : vector<400x1xf32>
    %broadcast_in_dim3A_142 = arith.constant 0.000000e+00 : f32
    %broadcast_in_dim3A_143 = vector.broadcast %broadcast_in_dim3A_142 : f32 to vector<400x128xf32>
    %broadcast_in_dim3A_144 = vector.shape_cast %eq3A_141 : vector<400x1xi1> to vector<400x1xi1>
    %broadcast_in_dim3A_145 = vector.broadcast %broadcast_in_dim3A_144 : vector<400x1xi1> to vector<400x128xi1>
    %select_n3A_146 = arith.select %broadcast_in_dim3A_145, %broadcast_in_dim3A_143, %div3A_136 : vector<400x128xi1>, vector<400x128xf32>
    %mul3A_147 = arith.mulf %select_n3A_146, %select_n3A_146 : vector<400x128xf32>
    %reduce_sum3A_148 = arith.constant dense<0.000000e+00> : vector<400xf32>
    %reduce_sum3A_149 = vector.multi_reduction <add>, %mul3A_147, %reduce_sum3A_148 [1] : vector<400x128xf32> to vector<400xf32>
    %broadcast_in_dim3A_150 = vector.shape_cast %reduce_sum3A_149 : vector<400xf32> to vector<400x1xf32>
    %sqrt3A_151 = math.sqrt %broadcast_in_dim3A_150 : vector<400x1xf32>
    %jit3A_152 = arith.constant 1.000000e-15 : f32
    %max3A_153 = vector.broadcast %jit3A_152 : f32 to vector<400x1xf32>
    %max3A_154 = arith.maximumf %max3A_153, %sqrt3A_151 : vector<400x1xf32>
    %gt3A_155 = arith.constant 0.995999991 : f32
    %gt3A_156 = vector.broadcast %gt3A_155 : f32 to vector<400x1xf32>
    %gt3A_157 = arith.cmpf ogt, %max3A_154, %gt3A_156 : vector<400x1xf32>
    %div3A_158 = vector.broadcast %max3A_154 : vector<400x1xf32> to vector<400x128xf32>
    %div3A_159 = arith.divf %select_n3A_146, %div3A_158 : vector<400x128xf32>
    %mul3A_160 = arith.constant 0.995999991 : f32
    %mul3A_161 = vector.broadcast %mul3A_160 : f32 to vector<400x128xf32>
    %mul3A_162 = arith.mulf %div3A_159, %mul3A_161 : vector<400x128xf32>
    %broadcast_in_dim3A_163 = vector.shape_cast %gt3A_157 : vector<400x1xi1> to vector<400x1xi1>
    %broadcast_in_dim3A_164 = vector.broadcast %broadcast_in_dim3A_163 : vector<400x1xi1> to vector<400x128xi1>
    %select_n3A_165 = arith.select %broadcast_in_dim3A_164, %mul3A_162, %select_n3A_146 : vector<400x128xi1>, vector<400x128xf32>
    %mul3A_166 = arith.mulf %get3A_95, %get3A_95 : vector<1x128xf32>
    %reduce_sum3A_167 = arith.constant dense<0.000000e+00> : vector<1xf32>
    %reduce_sum3A_168 = vector.multi_reduction <add>, %mul3A_166, %reduce_sum3A_167 [1] : vector<1x128xf32> to vector<1xf32>
    %broadcast_in_dim3A_169 = vector.shape_cast %reduce_sum3A_168 : vector<1xf32> to vector<1x1xf32>
    %sqrt3A_170 = math.sqrt %broadcast_in_dim3A_169 : vector<1x1xf32>
    %jit3A_171 = arith.constant 1.000000e-15 : f32
    %max3A_172 = vector.broadcast %jit3A_171 : f32 to vector<1x1xf32>
    %max3A_173 = arith.maximumf %max3A_172, %sqrt3A_170 : vector<1x1xf32>
    %tanh3A_174 = math.tanh %max3A_173 : vector<1x1xf32>
    %mul3A_175 = vector.broadcast %tanh3A_174 : vector<1x1xf32> to vector<1x128xf32>
    %mul3A_176 = arith.mulf %mul3A_175, %get3A_95 : vector<1x128xf32>
    %div3A_177 = vector.broadcast %max3A_173 : vector<1x1xf32> to vector<1x128xf32>
    %div3A_178 = arith.divf %mul3A_176, %div3A_177 : vector<1x128xf32>
    %mul3A_179 = arith.mulf %div3A_178, %div3A_178 : vector<1x128xf32>
    %reduce_sum3A_180 = arith.constant dense<0.000000e+00> : vector<1xf32>
    %reduce_sum3A_181 = vector.multi_reduction <add>, %mul3A_179, %reduce_sum3A_180 [1] : vector<1x128xf32> to vector<1xf32>
    %broadcast_in_dim3A_182 = vector.shape_cast %reduce_sum3A_181 : vector<1xf32> to vector<1x1xf32>
    %sqrt3A_183 = math.sqrt %broadcast_in_dim3A_182 : vector<1x1xf32>
    %jit3A_184 = arith.constant 1.000000e-15 : f32
    %max3A_185 = vector.broadcast %jit3A_184 : f32 to vector<1x1xf32>
    %max3A_186 = arith.maximumf %max3A_185, %sqrt3A_183 : vector<1x1xf32>
    %gt3A_187 = arith.constant 0.995999991 : f32
    %gt3A_188 = vector.broadcast %gt3A_187 : f32 to vector<1x1xf32>
    %gt3A_189 = arith.cmpf ogt, %max3A_186, %gt3A_188 : vector<1x1xf32>
    %div3A_190 = vector.broadcast %max3A_186 : vector<1x1xf32> to vector<1x128xf32>
    %div3A_191 = arith.divf %div3A_178, %div3A_190 : vector<1x128xf32>
    %mul3A_192 = arith.constant 0.995999991 : f32
    %mul3A_193 = vector.broadcast %mul3A_192 : f32 to vector<1x128xf32>
    %mul3A_194 = arith.mulf %div3A_191, %mul3A_193 : vector<1x128xf32>
    %broadcast_in_dim3A_195 = vector.shape_cast %gt3A_189 : vector<1x1xi1> to vector<1x1xi1>
    %broadcast_in_dim3A_196 = vector.broadcast %broadcast_in_dim3A_195 : vector<1x1xi1> to vector<1x128xi1>
    %select_n3A_197 = arith.select %broadcast_in_dim3A_196, %mul3A_194, %div3A_178 : vector<1x128xi1>, vector<1x128xf32>
    %mul3A_198 = arith.mulf %select_n3A_165, %select_n3A_165 : vector<400x128xf32>
    %reduce_sum3A_199 = arith.constant dense<0.000000e+00> : vector<400xf32>
    %reduce_sum3A_200 = vector.multi_reduction <add>, %mul3A_198, %reduce_sum3A_199 [1] : vector<400x128xf32> to vector<400xf32>
    %broadcast_in_dim3A_201 = vector.shape_cast %reduce_sum3A_200 : vector<400xf32> to vector<400x1xf32>
    %mul3A_202 = arith.mulf %select_n3A_197, %select_n3A_197 : vector<1x128xf32>
    %reduce_sum3A_203 = arith.constant dense<0.000000e+00> : vector<1xf32>
    %reduce_sum3A_204 = vector.multi_reduction <add>, %mul3A_202, %reduce_sum3A_203 [1] : vector<1x128xf32> to vector<1xf32>
    %broadcast_in_dim3A_205 = vector.shape_cast %reduce_sum3A_204 : vector<1xf32> to vector<1x1xf32>
    %mul3A_206 = vector.broadcast %select_n3A_197 : vector<1x128xf32> to vector<400x128xf32>
    %mul3A_207 = arith.mulf %select_n3A_165, %mul3A_206 : vector<400x128xf32>
    %reduce_sum3A_208 = arith.constant dense<0.000000e+00> : vector<400xf32>
    %reduce_sum3A_209 = vector.multi_reduction <add>, %mul3A_207, %reduce_sum3A_208 [1] : vector<400x128xf32> to vector<400xf32>
    %broadcast_in_dim3A_210 = vector.shape_cast %reduce_sum3A_209 : vector<400xf32> to vector<400x1xf32>
    %mul3A_211 = arith.constant 2.000000e+00 : f32
    %mul3A_212 = vector.broadcast %mul3A_211 : f32 to vector<400x1xf32>
    %mul3A_213 = arith.mulf %mul3A_212, %broadcast_in_dim3A_210 : vector<400x1xf32>
    %add3A_214 = arith.constant 1.000000e+00 : f32
    %add3A_215 = vector.broadcast %add3A_214 : f32 to vector<400x1xf32>
    %add3A_216 = arith.addf %add3A_215, %mul3A_213 : vector<400x1xf32>
    %add3A_217 = vector.broadcast %broadcast_in_dim3A_205 : vector<1x1xf32> to vector<400x1xf32>
    %add3A_218 = arith.addf %add3A_216, %add3A_217 : vector<400x1xf32>
    %mul3A_219 = vector.broadcast %add3A_218 : vector<400x1xf32> to vector<400x128xf32>
    %mul3A_220 = arith.mulf %mul3A_219, %select_n3A_165 : vector<400x128xf32>
    %sub3A_221 = arith.constant 1.000000e+00 : f32
    %sub3A_222 = vector.broadcast %sub3A_221 : f32 to vector<400x1xf32>
    %sub3A_223 = arith.subf %sub3A_222, %broadcast_in_dim3A_201 : vector<400x1xf32>
    %mul3A_224 = vector.broadcast %sub3A_223 : vector<400x1xf32> to vector<400x128xf32>
    %mul3A_225 = vector.broadcast %select_n3A_197 : vector<1x128xf32> to vector<400x128xf32>
    %mul3A_226 = arith.mulf %mul3A_224, %mul3A_225 : vector<400x128xf32>
    %add3A_227 = arith.addf %mul3A_220, %mul3A_226 : vector<400x128xf32>
    %mul3A_228 = arith.constant 2.000000e+00 : f32
    %mul3A_229 = vector.broadcast %mul3A_228 : f32 to vector<400x1xf32>
    %mul3A_230 = arith.mulf %mul3A_229, %broadcast_in_dim3A_210 : vector<400x1xf32>
    %add3A_231 = arith.constant 1.000000e+00 : f32
    %add3A_232 = vector.broadcast %add3A_231 : f32 to vector<400x1xf32>
    %add3A_233 = arith.addf %add3A_232, %mul3A_230 : vector<400x1xf32>
    %mul3A_234 = vector.broadcast %broadcast_in_dim3A_205 : vector<1x1xf32> to vector<400x1xf32>
    %mul3A_235 = arith.mulf %broadcast_in_dim3A_201, %mul3A_234 : vector<400x1xf32>
    %add3A_236 = arith.addf %add3A_233, %mul3A_235 : vector<400x1xf32>
    %jit3A_237 = arith.constant 1.000000e-15 : f32
    %max3A_238 = vector.broadcast %jit3A_237 : f32 to vector<400x1xf32>
    %max3A_239 = arith.maximumf %max3A_238, %add3A_236 : vector<400x1xf32>
    %div3A_240 = vector.broadcast %max3A_239 : vector<400x1xf32> to vector<400x128xf32>
    %div3A_241 = arith.divf %add3A_227, %div3A_240 : vector<400x128xf32>
    %mul3A_242 = arith.mulf %div3A_241, %div3A_241 : vector<400x128xf32>
    %reduce_sum3A_243 = arith.constant dense<0.000000e+00> : vector<400xf32>
    %reduce_sum3A_244 = vector.multi_reduction <add>, %mul3A_242, %reduce_sum3A_243 [1] : vector<400x128xf32> to vector<400xf32>
    %broadcast_in_dim3A_245 = vector.shape_cast %reduce_sum3A_244 : vector<400xf32> to vector<400x1xf32>
    %sqrt3A_246 = math.sqrt %broadcast_in_dim3A_245 : vector<400x1xf32>
    %jit3A_247 = arith.constant 1.000000e-15 : f32
    %max3A_248 = vector.broadcast %jit3A_247 : f32 to vector<400x1xf32>
    %max3A_249 = arith.maximumf %max3A_248, %sqrt3A_246 : vector<400x1xf32>
    %gt3A_250 = arith.constant 0.995999991 : f32
    %gt3A_251 = vector.broadcast %gt3A_250 : f32 to vector<400x1xf32>
    %gt3A_252 = arith.cmpf ogt, %max3A_249, %gt3A_251 : vector<400x1xf32>
    %div3A_253 = vector.broadcast %max3A_249 : vector<400x1xf32> to vector<400x128xf32>
    %div3A_254 = arith.divf %div3A_241, %div3A_253 : vector<400x128xf32>
    %mul3A_255 = arith.constant 0.995999991 : f32
    %mul3A_256 = vector.broadcast %mul3A_255 : f32 to vector<400x128xf32>
    %mul3A_257 = arith.mulf %div3A_254, %mul3A_256 : vector<400x128xf32>
    %broadcast_in_dim3A_258 = vector.shape_cast %gt3A_252 : vector<400x1xi1> to vector<400x1xi1>
    %broadcast_in_dim3A_259 = vector.broadcast %broadcast_in_dim3A_258 : vector<400x1xi1> to vector<400x128xi1>
    %select_n3A_260 = arith.select %broadcast_in_dim3A_259, %mul3A_257, %div3A_241 : vector<400x128xi1>, vector<400x128xf32>
    %mul3A_261 = arith.mulf %select_n3A_260, %select_n3A_260 : vector<400x128xf32>
    %reduce_sum3A_262 = arith.constant dense<0.000000e+00> : vector<400xf32>
    %reduce_sum3A_263 = vector.multi_reduction <add>, %mul3A_261, %reduce_sum3A_262 [1] : vector<400x128xf32> to vector<400xf32>
    %broadcast_in_dim3A_264 = vector.shape_cast %reduce_sum3A_263 : vector<400xf32> to vector<400x1xf32>
    %sqrt3A_265 = math.sqrt %broadcast_in_dim3A_264 : vector<400x1xf32>
    %jit3A_266 = arith.constant 1.000000e-15 : f32
    %max3A_267 = vector.broadcast %jit3A_266 : f32 to vector<400x1xf32>
    %max3A_268 = arith.maximumf %max3A_267, %sqrt3A_265 : vector<400x1xf32>
    %jit3A_269 = arith.constant -0.99999988 : f32
    %jit3A_270 = arith.constant 0.99999988 : f32
    %max3A_271 = vector.broadcast %jit3A_269 : f32 to vector<400x1xf32>
    %max3A_272 = arith.maximumf %max3A_271, %max3A_268 : vector<400x1xf32>
    %min3A_273 = vector.broadcast %jit3A_270 : f32 to vector<400x1xf32>
    %min3A_274 = arith.minimumf %min3A_273, %max3A_272 : vector<400x1xf32>
    %add3A_275 = arith.constant 1.000000e+00 : f32
    %add3A_276 = vector.broadcast %add3A_275 : f32 to vector<400x1xf32>
    %add3A_277 = arith.addf %add3A_276, %min3A_274 : vector<400x1xf32>
    %sub3A_278 = arith.constant 1.000000e+00 : f32
    %sub3A_279 = vector.broadcast %sub3A_278 : f32 to vector<400x1xf32>
    %sub3A_280 = arith.subf %sub3A_279, %min3A_274 : vector<400x1xf32>
    %div3A_281 = arith.divf %add3A_277, %sub3A_280 : vector<400x1xf32>
    %log3A_282 = math.log %div3A_281 : vector<400x1xf32>
    %mul3A_283 = arith.constant 5.000000e-01 : f32
    %mul3A_284 = vector.broadcast %mul3A_283 : f32 to vector<400x1xf32>
    %mul3A_285 = arith.mulf %mul3A_284, %log3A_282 : vector<400x1xf32>
    %mul3A_286 = vector.broadcast %mul3A_285 : vector<400x1xf32> to vector<400x128xf32>
    %mul3A_287 = arith.mulf %mul3A_286, %select_n3A_260 : vector<400x128xf32>
    %div3A_288 = vector.broadcast %max3A_268 : vector<400x1xf32> to vector<400x128xf32>
    %div3A_289 = arith.divf %mul3A_287, %div3A_288 : vector<400x128xf32>
    %swap3A_290 = arith.constant 0 : index
    %swap3A_291 = arith.constant 0 : index
    %swap3A_292 = vector.load %arg6[%swap3A_290, %swap3A_291] : memref<400x128xf32, #tpu.memory_space<vmem>>, vector<400x128xf32>
    tpu.vector_store %arg6[%swap3A_290, %swap3A_291], %div3A_289 {strides = array<i32>} : memref<400x128xf32, #tpu.memory_space<vmem>>, vector<400x128xf32>,
    return
  }
  func.func @transform_0(%arg0: i32) -> (i32, i32) {
    %c0_i32 = arith.constant 0 : i32
    %c0_i32_0 = arith.constant 0 : i32
    return %arg0, %c0_i32 : i32, i32
  }
  func.func @transform_1(%arg0: i32) -> (i32, i32) {
    %c0_i32 = arith.constant 0 : i32
    %c0_i32_0 = arith.constant 0 : i32
    return %arg0, %c0_i32 : i32, i32
  }
  func.func @transform_2(%arg0: i32) -> (i32, i32) {
    %c0_i32 = arith.constant 0 : i32
    %c0_i32_0 = arith.constant 0 : i32
    %c0_i32_1 = arith.constant 0 : i32
    return %c0_i32, %c0_i32_0 : i32, i32
  }
  func.func @transform_3(%arg0: i32) -> (i32, i32) {
    %c0_i32 = arith.constant 0 : i32
    %c0_i32_0 = arith.constant 0 : i32
    %c0_i32_1 = arith.constant 0 : i32
    return %c0_i32, %c0_i32_0 : i32, i32
  }
  func.func @transform_4(%arg0: i32) -> (i32, i32) {
    %c0_i32 = arith.constant 0 : i32
    %c0_i32_0 = arith.constant 0 : i32
    return %arg0, %c0_i32 : i32, i32
  }
  func.func @transform_5(%arg0: i32) -> (i32, i32) {
    %c0_i32 = arith.constant 0 : i32
    %c0_i32_0 = arith.constant 0 : i32
    return %arg0, %c0_i32 : i32, i32
  }
}

</mosaic_0001>

<sc_bundles>
// kernel: kernel.10.cloned.1.call-start
scs
__scs_entry_jumppad:
0x0: {  	(pc) =	sbr.rel $0x88, $3  }
0x1: {  	(tag) =	ssettag $0x0;
	lr =	simm.s32 $0x1  }
0x2: {  	[smem:$0x3F9A] =	sst lr;
	_ =	strace $0xD0000000  }
0x3: {  	_ = 	snop  }
0x4: {  	_ = 	snop  }
0x5: {  	_ = 	snop  }
0x6: {  	_ = 	snop  }
0x7: {  	_ = 	snop  }
__scs_overlays_trampoline_lowered:
0x8: {  	[smem:$0x3FA9] =	sst s0  }
0x9: {  	[smem:$0x3FAA] =	sst s1  }
0xa: {  	[smem:$0x3FAB] =	sst s2  }
0xb: {  	[smem:$0x3FAC] =	sst s3  }
0xc: {  	[smem:$0x3FAD] =	sst s4  }
0xd: {  	[smem:$0x3FAE] =	sst s5  }
0xe: {  	[smem:$0x3FAF] =	sst s6  }
0xf: {  	[smem:$0x3FB0] =	sst s7  }
0x10: {  	[smem:$0x3FB1] =	sst s8  }
0x11: {  	[smem:$0x3FB2] =	sst s9;
	s0 =	simm.s32 @!p0 $0x0  }
0x12: {  	s1 =	sld [smem:$0x3F98];
	s0 =	simm.s32 @p0 $0x1  }
0x13: {  	[smem:$0x3FB3] =	sst s0;
	s0 =	simm.s32 @!p1 $0x0  }
0x14: {  	s2 =	sld [smem:$0x3F97];
	s0 =	simm.s32 @p1 $0x1  }
0x15: {  	[smem:$0x3FB4] =	sst s0;
	s0 =	simm.s32 @!p2 $0x0  }
0x16: {  	s3 =	sld [smem:$0x3FDB];
	s0 =	simm.s32 @p2 $0x1  }
0x17: {  	s4 =	simm.s32 $0x1BF5;
	[smem:$0x3FB6] =	sst s0  }
0x18: {  	s0 =	sld [smem:$0x3F99];
	_ =	swait.ge [sflag:s4], $0x0  }
0x19: {  	s7 =	sld [smem:$0x3F9A]  }
0x1a: {  	s8 =	sadd.s32 $0xFFFFE003, lr  }
0x1b: {  	s9 =	sadd.s32 $0xFFFFFEF7, lr;
	s5 =	simm.s32 $0xFFFFFFFF;
	p2 =	slt.u32 s8, $0xFFFFF086  }
0x1c: {  	p1 =	slt.u32 s9, $0xF7A;
	s5 =	simm.s32 @!p2 $0x0  }
0x1d: {  	s5 =	simm.s32 @p1 $0x1;
	p0 =	seq.s32 s7, s2  }
0x1e: {  	s7 =	smul.u32 @!p0 $0xF7A, s2;
	p2 =	seq.s32 @!p0 s5, $0x0  }
0x1f: {  	s9 =	smul.u32 $0xF7A, s1;
	s8 =	simm.s32 @!p0 $0x1BF5;
	p2 =	por !p2, p0  }
0x20: {  	[sflag:s8] =	ssyncset.s32 @!p0 $0xFFFFF086;
	s6 =	sadd.s32 @!p0 s3, s7;
	s7 =	simm.s32 @!p0 $0x108  }
0x21: {  	s3 =	sadd.s32 s3, s9;
	s6 =	sadd.s32 @!p0 $0x88, s6;
	s7 =	simm.s32 @p2 $0x1082  }
0x22: {  	[simem:s7], [sflag:s8] =	dma.local @!p0 [hbm:s6], $0xF7A  }
0x23: {  	s9 =	sor.u32 $0xD0000000, s2;
	s6 =	simm.s32 $0x108;
	_ =	swait.ge @!p0 [sflag:s8], $0x0  }
0x24: {  	s3 =	sadd.s32 $0x88, s3;
	s6 =	simm.s32 @!p1 $0x1082;
	[sflag:s4] =	ssyncset.s32 $0xFFFFF086  }
0x25: {  	[simem:s6], [sflag:s4] =	dma.local [hbm:s3], $0xF7A  }
0x26: {  	[smem:$0x3F9A] =	sst s1;
	(tag) =	ssettag s2;
	_ =	strace s9  }
0x27: {  	s1 =	sld [smem:$0x3FAA]  }
0x28: {  	s2 =	sld [smem:$0x3FAB]  }
0x29: {  	s4 =	sld [smem:$0x3FAD]  }
0x2a: {  	p0 =	seq.s32 s5, $0x0;
	s5 =	sld [smem:$0x3FAE]  }
0x2b: {  	s6 =	sld [smem:$0x3FAF]  }
0x2c: {  	s7 =	sld [smem:$0x3FB0]  }
0x2d: {  	s3 =	simm.s32 $0x108;
	s8 =	sld [smem:$0x3FB1]  }
0x2e: {  	s3 =	simm.s32 @!p0 $0x1082;
	s9 =	sld [smem:$0x3FB2]  }
0x2f: {  	lr =	sadd.s32 s0, s3;
	s0 =	sld [smem:$0x3FA9]  }
0x30: {  	s3 =	sld [smem:$0x3FAC]  }
0x31: {  	[smem:$0x3FB5] =	sst s10  }
0x32: {  	s10 =	sld [smem:$0x3FB3];
	_ =	sdelay $0x3  }
0x33: {  	p0 =	seq.s32 s10, $0x1;
	s10 =	sld [smem:$0x3FB5];
	_ =	sdelay $0x3  }
0x34: {  	[smem:$0x3FB5] =	sst s10  }
0x35: {  	s10 =	sld [smem:$0x3FB4];
	_ =	sdelay $0x3  }
0x36: {  	p1 =	seq.s32 s10, $0x1;
	s10 =	sld [smem:$0x3FB5];
	_ =	sdelay $0x3  }
0x37: {  	[smem:$0x3FB5] =	sst s10  }
0x38: {  	s10 =	sld [smem:$0x3FB6]  }
0x39: {  	_ = 	snop;
	(pc) =	sbr.ind lr, $3  }
0x3a: {  	_ = 	snop  }
0x3b: {  	_ = 	snop  }
0x3c: {  	p2 =	seq.s32 s10, $0x1;
	s10 =	sld [smem:$0x3FB5]  }
0x3d: {  	_ =	shalt  }
0x3e: {  	_ =	shalt  }
0x3f: {  	_ =	shalt  }
0x40: {  	_ =	shalt  }
0x41: {  	_ =	shalt  }
0x42: {  	_ =	shalt  }
0x43: {  	_ =	shalt  }
0x44: {  	_ =	shalt  }
0x45: {  	_ =	shalt  }
0x46: {  	_ =	shalt  }
0x47: {  	_ =	shalt  }
0x48: {  	_ =	shalt  }
0x49: {  	_ =	shalt  }
0x4a: {  	_ =	shalt  }
0x4b: {  	_ =	shalt  }
0x4c: {  	_ =	shalt  }
0x4d: {  	_ =	shalt  }
0x4e: {  	_ =	shalt  }
0x4f: {  	_ =	shalt  }
0x50: {  	_ =	shalt  }
0x51: {  	_ =	shalt  }
0x52: {  	_ =	shalt  }
0x53: {  	_ =	shalt  }
0x54: {  	_ =	shalt  }
0x55: {  	_ =	shalt  }
0x56: {  	_ =	shalt  }
0x57: {  	_ =	shalt  }
0x58: {  	_ =	shalt  }
0x59: {  	_ =	shalt  }
0x5a: {  	_ =	shalt  }
0x5b: {  	_ =	shalt  }
0x5c: {  	_ =	shalt  }
0x5d: {  	_ =	shalt  }
0x5e: {  	_ =	shalt  }
0x5f: {  	_ =	shalt  }
0x60: {  	_ =	shalt  }
0x61: {  	_ =	shalt  }
0x62: {  	_ =	shalt  }
0x63: {  	_ =	shalt  }
0x64: {  	_ =	shalt  }
0x65: {  	_ =	shalt  }
0x66: {  	_ =	shalt  }
0x67: {  	_ =	shalt  }
0x68: {  	_ =	shalt  }
0x69: {  	_ =	shalt  }
0x6a: {  	_ =	shalt  }
0x6b: {  	_ =	shalt  }
0x6c: {  	_ =	shalt  }
0x6d: {  	_ =	shalt  }
0x6e: {  	_ =	shalt  }
0x6f: {  	_ =	shalt  }
0x70: {  	_ =	shalt  }
0x71: {  	_ =	shalt  }
0x72: {  	_ =	shalt  }
0x73: {  	_ =	shalt  }
0x74: {  	_ =	shalt  }
0x75: {  	_ =	shalt  }
0x76: {  	_ =	shalt  }
0x77: {  	_ =	shalt  }
0x78: {  	_ =	shalt  }
0x79: {  	_ =	shalt  }
0x7a: {  	_ =	shalt  }
0x7b: {  	_ =	shalt  }
0x7c: {  	_ =	shalt  }
0x7d: {  	_ =	shalt  }
0x7e: {  	_ =	shalt  }
0x7f: {  	_ =	shalt  }
0x80: {  	_ =	shalt  }
0x81: {  	_ =	shalt  }
0x82: {  	_ =	shalt  }
0x83: {  	_ =	shalt  }
0x84: {  	_ =	shalt  }
0x85: {  	_ =	shalt  }
0x86: {  	_ =	shalt  }
0x87: {  	_ =	shalt  }
.Lfunc_end0:
.L_simem_size_0:
called_computation.1_lowered:
.L_overlay_start_0:
0x88: {  	s2 =	sld [smem:$0x3FD9]  }
0x89: {  	s3 =	sld [smem:$0x3FFE];
	_ =	sdelay $0x1  }
0x8a: {  	s1 =	srdreg.scid  }
0x8b: {  	s0 =	sand.u32 $0x1, s1  }
0x8c: {  	s17 =	sshll.u32 s0, $0xA;
	s2 =	sadd.s32 s3, s2  }
0x8d: {  	s2 =	sadd.s32 s2, s17  }
0x8e: {  	[smem:$0x3FC1] =	sst s2  }
0x8f: {  	_ = 	snop  }
0x90: {  	s2 =	sld [smem:$0x3FC7]  }
0x91: {  	s18 =	sld [smem:$0x3FD0];
	(tm) =	ssettm $0x1  }
0x92: {  	s4 =	sld [smem:$0x3FFB];
	_ =	sdelay $0x3  }
0x93: {  	_ =	strace s4  }
0x94: {  	s4 =	sld [smem:$0x3FFC];
	_ =	sdelay $0x3  }
0x95: {  	_ =	strace s4  }
0x96: {  	s4 =	sld [smem:$0x3FFD];
	_ =	sdelay $0x3  }
0x97: {  	_ =	strace s4  }
0x98: {  	_ =	strace $0x8FFFFFFF  }
0x99: {  	s19 =	sld [smem:$0x3FDB];
	_ =	sdelay $0x1  }
0x9a: {  	s5 =	simm.s32 $_scs_section_size  }
0x9b: {  	s6 =	simm.s32 $_size__tile_overlayer_lowered;
	s7 =	simm.s32 $_tile_overlayer_lowered  }
0x9c: {  	s22 =	simm.s32 $0x1BFF;
	s21 =	sshll.u32 s7, $0x1;
	s4 =	sadd.s32 s5, s19  }
0x9d: {  	s8 =	simm.s32 $0x0;
	s20 =	sshll.u32 s6, $0x1;
	s6 =	sadd.s32 s21, s4  }
0x9e: {  	[timem:s8], [sflag:s22] =	dma.local [hbm:s6], s20  }
0x9f: {  	_ =	swait.ge [sflag:s22], s20  }
0xa0: {  	s5 =	ssub.s32 $0x0, s20;
	[sflag:s22] =	ssyncset.done $0x0  }
0xa1: {  	[sflag:s22] =	ssyncadd.s32 s5;
	_ =	sdelay $0x1  }
0xa2: {  	s23 =	simm.s32 $0x1B8B  }
0xa3: {  	_ =	swait.ge [sflag:s23], $0x1  }
0xa4: {  	[sflag:s23] =	ssyncset.done $0x0  }
0xa5: {  	s25 =	simm.s32 $0x1B8E;
	s24 =	sld [smem:$0x3FFE];
	[sflag:s23] =	ssyncadd.s32 $0xFFFFFFFF  }
0xa6: {  	s26 =	simm.s32 $execute0_lowered;
	[smem:$0x3FD2] =	sst s25  }
0xa7: {  	s6 =	sshll.u32 s26, $0x1;
	_ =	strace $0x80000049;
	[dreg:$0x1] =	wrdreg $0xFFFFFFFF  }
0xa8: {  	s28 =	simm.s32 $_size_execute0_lowered;
	s4 =	sadd.s32 s4, s6;
	[dreg:$0x0] =	wrdreg $0x0  }
0xa9: {  	s6 =	sshll.u32 s28, $0x1;
	[dreg:$0x2] =	wrdreg s4  }
0xaa: {  	[dreg:$0x3] =	wrdreg s6  }
0xab: {  	[dreg:$0x4] =	wrdreg $0xC0  }
0xac: {  	_ =	task [dreg:s8], $0x5FFFF  }
0xad: {  	[dreg:$0x1] =	wrdreg $0xFFFFFFFF  }
0xae: {  	[dreg:$0x0] =	wrdreg $0x60  }
0xaf: {  	[dreg:$0x2] =	wrdreg s24  }
0xb0: {  	[dreg:$0x3] =	wrdreg s2  }
0xb1: {  	[dreg:$0x4] =	wrdreg s18  }
0xb2: {  	[dreg:$0x5] =	wrdreg $0xA6800  }
0xb3: {  	[dreg:$0x6] =	wrdreg $0x9  }
0xb4: {  	_ =	task.clear_ibuf [dreg:s8], $0x7FFFF;
	_ =	strace $0x90000049  }
0xb5: {  	s29 =	simm.s32 $0x9;
	_ =	strace $0x8000004B  }
0xb6: {  	_ =	swait.ge [sflag:s29], $0x1  }
0xb7: {  	[sflag:s29] =	ssyncadd.s32 $0xFFFFFFFF  }
0xb8: {  	_ =	strace $0x9000004B  }
0xb9: {  	_ =	sfence  }
0xba: {  	s30 =	sld [smem:$0x0];
	_ =	sdelay $0x2  }
0xbb: {  	s31 =	sshll.u32 s1, $0xD;
	s1 =	sshrl.u32 s1, $0x2  }
0xbc: {  	s3 =	sand.u32 $0x4000, s31;
	s1 =	sadd.s32 s1, s30  }
0xbd: {  	s0 =	sor.u32 s3, s0;
	s1 =	sshll.u32 s1, $0x11  }
0xbe: {  	s0 =	sor.u32 s1, s0  }
0xbf: {  	s0 =	sadd.s32 $0x8F2B, s0  }
0xc0: {  	[sflag:s0] =	ssyncadd.remote.s32 $0x1  }
0xc1: {  	_ =	sfence.sel $0xFFFF  }
0xc2: {  	[dreg:$0x0] =	wrdreg $0xFFFFFFFF;
	(pc) =	sbr.abs _section_cstart, $3  }
0xc3: {  	[dreg:$0x1] =	wrdreg $0xFFFFFFFF  }
0xc4: {  	_ =	task.clear_ibuf [dreg:s8], $0x2FFFF;
	_ =	strace $0x9FFFFFFF  }
0xc5: {  	(tm) =	ssettm $0x7FFFFFFF  }
tec
execute0_lowered:
.L_overlay_start_1:
0x0: {  	(tag) =	ssettag $0x1  }
0x1: {  	s1 =	rddreg [dreg:$0x0]  }
0x2: {  	s0 =	srdreg.scid;
	s7 =	rddreg [dreg:$0x1]  }
0x3: {  	s12 =	rddreg [dreg:$0x2];
	s21 =	stileid.u32  }
0x4: {  	s2 =	rddreg [dreg:$0x3];
	s15 =	simm.s32 $0x4F00;
	s19 =	simm.s32 $0x28  }
0x5: {  	s20 =	simm.s32 $0x7680;
	s5 =	sand.u32 $0x1, s0;
	s10 =	smul.u32 $0x4E000, s21  }
0x6: {  	s22 =	sshll.u32 s21, $0x7;
	s14 =	smul.u32 $0x13800, s21;
	p0 =	sne.s32 s21, $0xF  }
0x7: {  	s3 =	sshll.u32 s5, $0x4;
	s9 =	sand.u32 $0x380, s22;
	s23 =	ssub.s32 $0x2, s5  }
0x8: {  	s26 =	smul.u32 $0x138800, s5;
	s22 =	simm.s32 $0x1;
	s6 =	sor.u32 s21, s3  }
0x9: {  	s3 =	simm.s32 $0x0;
	s24 =	sshrl.u32 s23, $0x1;
	s25 =	sshrl.u32 s10, $0x2  }
0xa: {  	s21 =	simm.s32 $0x8A80;
	s4 =	sshrl.u32 s6, $0x3;
	[smem:$0x7FF] =	sst s3  }
0xb: {  	s11 =	smul.u32 $0x4E2, s6;
	s13 =	ssub.s32 s23, s24;
	s5 =	sadd.s32 s25, s2  }
0xc: {  	s6 =	sadd.s32 $0x138000, s2;
	s29 =	sshrl.u32 s26, $0x3;
	s14 =	sadd.s32 s14, s26  }
0xd: {  	s23 =	simm.s32 $0x2;
	s24 =	simm.s32 $0x3;
	s8 =	smul.u32 $0x13C00, s4  }
0xe: {  	s25 =	simm.s32 $0x4;
	_ =	strace $0x8000004A;
	s4 =	sadd.s32 $0x15000, s1  }
0xf: {  	s30 =	sadd.s32 s12, s29;
	s31 =	sshrl.u32 s14, $0x3;
	s8 =	sor.u32 s9, s8  }
0x10: {  	s14 =	simm.s32 $0x5;
	s7 =	sadd.s32 s7, s11;
	s8 =	sshrl.u32 s8, $0x3  }
0x11: {  	s10 =	sadd.s32 $0x27000, s30;
	s11 =	smax.u32 s13, $0x1;
	s1 =	sadd.s32 s8, s1  }
0x12: {  	s12 =	sadd.s32 s31, s12;
	[dreg:$0x5] =	wrdreg s7;
	s28 =	sadd.s32 $0xB200, s1  }
0x13: {  	v0 =	vimm.f32 $0.0e+00;
	s13 =	simm.s32 $0x9E80;
	s9 =	sadd.s32 $0x1400, s1;
	[dreg:$0x6] =	wrdreg s28  }
.LBB2_1:
0x14: {  	s1 =	simm.s32 $0x0;
	s18 =	simm.s32 $0x200  }
.LBB2_2:
0x15: {  	p1 =	sne.s32 s18, $0x1E00;
	[tilespmem:s1+$0x9EF0] =	vst v0  }
0x16: {  	[tilespmem:s1+$0x9E80] =	vst v0  }
0x17: {  	[tilespmem:s1+$0x9E90] =	vst v0  }
.Ltmp0:
0x18: {  	[tilespmem:s1+$0x9EA0] =	vst v0;
	(pc) =	sbr.rel @p1 .LBB2_2-.Ltmp0, $4  }
0x19: {  	[tilespmem:s1+$0x9EB0] =	vst v0  }
0x1a: {  	[tilespmem:s1+$0x9EC0] =	vst v0  }
0x1b: {  	[tilespmem:s1+$0x9ED0] =	vst v0  }
0x1c: {  	[tilespmem:s1+$0x9EE0] =	vst v0;
	s1 =	sshra.s32 s18, $0x2;
	s18 =	sadd.s32 $0x200, s18  }
0x1d: {  	[tilespmem:s1+$0x9EF0] =	vst v0  }
0x1e: {  	[tilespmem:s1+$0x9E80] =	vst v0  }
0x1f: {  	[tilespmem:s1+$0x9E90] =	vst v0  }
0x20: {  	[tilespmem:s1+$0x9EA0] =	vst v0  }
0x21: {  	[tilespmem:s1+$0x9EB0] =	vst v0  }
0x22: {  	[tilespmem:s1+$0x9EC0] =	vst v0  }
0x23: {  	[tilespmem:s1+$0x9ED0] =	vst v0  }
0x24: {  	[tilespmem:s1+$0x9EE0] =	vst v0;
	s31 =	sadd.s32 $0x0, s5  }
0x25: {  	[spmem:s31] =	stream.linear.scatter [tilespmem:s13], [sflag:$0x5], $0x800, $0x38;
	[tilespmem:$0x1DF00] =	vst v63  }
0x26: {  	s1 =	simm.s32 $0x2000;
	_ =	swait.ge [sflag:s14], $0x800  }
.LBB2_4:
0x27: {  	s18 =	sshra.s32 s1, $0x2;
	[sflag:s14] =	ssyncset.done $0x0;
	p1 =	sne.s32 s1, $0x4C000  }
.Ltmp1:
0x28: {  	s18 =	sadd.s32 s18, s5;
	[sflag:s14] =	ssyncadd.s32 $0xFFFFF800;
	(pc) =	sbr.rel @p1 .LBB2_4-.Ltmp1, $3  }
0x29: {  	[spmem:s18] =	stream.linear.scatter [tilespmem:s13], [sflag:$0x5], $0x800, $0x38;
	[tilespmem:$0x1DF00] =	vst v63  }
0x2a: {  	s1 =	sadd.s32 $0x2000, s1;
	_ =	sdelay $0x1  }
0x2b: {  	_ =	swait.ge [sflag:s14], $0x800  }
0x2c: {  	[sflag:s14] =	ssyncset.done $0x0  }
0x2d: {  	s1 =	simm.s32 @!p0 $0x9E80;
	[sflag:s14] =	ssyncadd.s32 $0xFFFFF800  }
0x2e: {  	[spmem:s6] =	stream.linear.scatter @!p0 [tilespmem:s1], [sflag:$0x5], $0x800, $0x38;
	[tilespmem:$0x1DF00] =	vst v63  }
0x2f: {  	s1 =	simm.s32 @!p0 $0x5  }
0x30: {  	_ =	swait.ge @!p0 [sflag:s1], $0x800  }
0x31: {  	[sflag:s1] =	ssyncset.done @!p0 $0x0  }
0x32: {  	s26 =	simm.s32 $0x0;
	s0 =	rddreg [dreg:$0x5];
	[sflag:s1] =	ssyncadd.s32 @!p0 $0xFFFFF800  }
0x33: {  	[tilespmem:s15], [sflag:$0x5] =	stream.linear.gather [hbm4b:s0+s26], $0x2710, $0x38;
	[tilespmem:$0x1DF00] =	vst v63  }
0x34: {  	_ =	swait.ge [sflag:s14], $0x2710  }
0x35: {  	s30 =	simm.s32 $0x80;
	[sflag:s14] =	ssyncset.done $0x0  }
0x36: {  	s7 =	simm.s32 $0x400;
	s29 =	rddreg [dreg:$0x6];
	[sflag:s14] =	ssyncadd.s32 $0xFFFFD8F0  }
0x37: {  	[tilespmem:s26], [sflag:$0x5] =	stream.strided.gather [hbm4b:s29+s30], $0x2780, s7, s30, $0x38;
	[tilespmem:$0x1DF00] =	vst v63  }
0x38: {  	_ =	swait.ge [sflag:s14], $0x2780  }
0x39: {  	[sflag:s14] =	ssyncset.done $0x0  }
0x3a: {  	s31 =	simm.s32 $0x2780;
	[sflag:s14] =	ssyncadd.s32 $0xFFFFD880  }
0x3b: {  	[tilespmem:s31], [sflag:$0x5] =	stream.strided.gather [hbm4b:s9+s30], $0x2780, s7, s30, $0x38;
	[tilespmem:$0x1DF00] =	vst v63  }
0x3c: {  	_ =	swait.ge [sflag:s14], $0x2780  }
0x3d: {  	[sflag:s14] =	ssyncset.done $0x0  }
0x3e: {  	[sflag:s14] =	ssyncadd.s32 $0xFFFFD880  }
0x3f: {  	[bflag:$0x0] =	sbarrier.arrive $0xFFFF  }
0x40: {  	[tilespmem:s20], [sflag:$0x1] =	stream.indirect.gather [hbm4b:s4+s19], $0x80, s26, s19, $0xb8;
	[tilespmem:$0x1DF00] =	vst v63  }
0x41: {  	s28 =	simm.s32 $0x0  }
0x42: {  	[tilespmem:s21], [sflag:$0x2] =	stream.indirect.gather [hbm4b:s4+s19], $0x80, s19, s19, $0xb8;
	[tilespmem:$0x1DF00] =	vst v63  }
.LBB2_6:
0x43: {  	s1 =	sadd.s32 $0xFFFFFFF8, s26;
	_ =	swait.ge [sflag:s22], $0x1400  }
0x44: {  	s18 =	sadd.s32 $0x8, s1;
	[sflag:s22] =	ssyncset.done $0x0  }
0x45: {  	s29 =	simm.s32 $0x7880;
	s0 =	sadd.s32 $0xE, s1;
	v1 =	vmov s18;
	[sflag:s22] =	ssyncadd.s32 $0xFFFFEC00  }
0x46: {  	v2 =	vmov s0;
	v1 =	vand.u32 $0xFFFFFFF8, v1;
	v4 =	vld [tilespmem:s29+$0xFFFFFE00]  }
0x47: {  	v2 =	vand.u32 $0xFFFFFFFE, v2;
	v6 =	vld [tilespmem:s29+$0xFFFFFE10];
	v1 =	vbroadcast v1, $0x0  }
0x48: {  	v7 =	vld [tilespmem:s29+$0xFFFFFE30];
	v2 =	vbroadcast v2, $0x0  }
0x49: {  	v8 =	vld [tilespmem:s29+$0xFFFFFE40]  }
0x4a: {  	v9 =	vld [tilespmem:s29+$0xFFFFFE50]  }
0x4b: {  	s7 =	sadd.s32 $0x9, s1;
	v10 =	vld [tilespmem:s29+$0xFFFFFE60]  }
0x4c: {  	v3 =	vmov s7;
	v12 =	vld [tilespmem:s29+$0xFFFFFE70]  }
0x4d: {  	v3 =	vand.u32 $0xFFFFFFF9, v3;
	v5 =	vld.idx.msk [tilespmem:v1+s15+$0x0], $0xffff  }
0x4e: {  	v3 =	vbroadcast v3, $0x0;
	v1 =	vld.idx.msk [tilespmem:v2+s15+$0x0], $0xffff  }
0x4f: {  	v2 =	vld [tilespmem:s29+$0x170]  }
0x50: {  	v13 =	vld [tilespmem:s29+$0xFFFFFE80]  }
0x51: {  	v14 =	vld [tilespmem:s29+$0xFFFFFE90]  }
0x52: {  	s8 =	sadd.s32 $0xA, s1;
	v15 =	vld [tilespmem:s29+$0xFFFFFEA0]  }
0x53: {  	v11 =	vmov s8;
	v16 =	vld [tilespmem:s29+$0xFFFFFEB0];
	v4 =	vmul.f32 v4, v5  }
0x54: {  	v11 =	vand.u32 $0xFFFFFFFA, v11;
	v3 =	vld.idx.msk [tilespmem:v3+s15+$0x0], $0xffff;
	v2 =	vmul.f32 v2, v1  }
0x55: {  	v51 =	vld [tilespmem:s29+$0xFFFFFED0];
	v11 =	vbroadcast v11, $0x0;
	v8 =	vmul.f32 v8, v5;
	[tilespmem:s29+$0xFFFFFE00] =	vst v4  }
0x56: {  	v52 =	vld [tilespmem:s29+$0xFFFFFF20];
	v6 =	vmul.f32 v6, v5;
	[tilespmem:s29+$0x170] =	vst v2  }
0x57: {  	v4 =	vld [tilespmem:s29+$0xFFFFFE20];
	[tilespmem:s29+$0xFFFFFE40] =	vst v8;
	v8 =	vmul.f32 v10, v5  }
0x58: {  	v53 =	vld [tilespmem:s29+$0xFFFFFF30];
	v7 =	vmul.f32 v7, v5;
	[tilespmem:s29+$0xFFFFFE10] =	vst v6  }
0x59: {  	v54 =	vld [tilespmem:s29+$0xFFFFFF40];
	[tilespmem:s29+$0xFFFFFE60] =	vst v8;
	v8 =	vmul.f32 v14, v3  }
0x5a: {  	v55 =	vld [tilespmem:s29+$0xFFFFFFA0];
	v6 =	vmul.f32 v13, v3;
	[tilespmem:s29+$0xFFFFFE30] =	vst v7  }
0x5b: {  	s16 =	sadd.s32 $0xB, s1;
	v11 =	vld.idx.msk [tilespmem:v11+s15+$0x0], $0xffff;
	[tilespmem:s29+$0xFFFFFE90] =	vst v8;
	v8 =	vmul.f32 v16, v3  }
0x5c: {  	v10 =	vld [tilespmem:s29+$0xFFFFFF00];
	[tilespmem:s29+$0xFFFFFE80] =	vst v6;
	v6 =	vmov s16;
	v2 =	vmul.f32 v4, v5  }
0x5d: {  	v7 =	vmul.f32 v9, v5;
	v6 =	vand.u32 $0xFFFFFFFB, v6;
	v4 =	vld [tilespmem:s29+$0xFFFFFEC0];
	v5 =	vmul.f32 v12, v5;
	[tilespmem:s29+$0xFFFFFEB0] =	vst v8  }
0x5e: {  	v6 =	vbroadcast v6, $0x0;
	v8 =	vld [tilespmem:s29+$0xFFFFFF60];
	[tilespmem:s29+$0xFFFFFE20] =	vst v2  }
0x5f: {  	v2 =	vld [tilespmem:s29+$0xFFFFFEE0];
	[tilespmem:s29+$0xFFFFFE70] =	vst v5;
	v5 =	vmul.f32 v15, v3  }
0x60: {  	v9 =	vld [tilespmem:s29+$0xFFFFFEF0];
	v13 =	vmul.f32 v51, v3;
	[tilespmem:s29+$0xFFFFFE50] =	vst v7  }
0x61: {  	v7 =	vld [tilespmem:s29+$0xFFFFFF10];
	[tilespmem:s29+$0xFFFFFEA0] =	vst v5;
	v5 =	vmul.f32 v10, v11  }
0x62: {  	v56 =	vld [tilespmem:s29+$0xFFFFFFB0];
	[tilespmem:s29+$0xFFFFFED0] =	vst v13;
	v4 =	vmul.f32 v4, v3  }
0x63: {  	v10 =	vld [tilespmem:s29+$0xFFFFFF50];
	[tilespmem:s29+$0xFFFFFF00] =	vst v5;
	v8 =	vmul.f32 v8, v11  }
0x64: {  	s17 =	sadd.s32 $0xC, s1;
	v6 =	vld.idx.msk [tilespmem:v6+s15+$0x0], $0xffff;
	[tilespmem:s29+$0xFFFFFEC0] =	vst v4;
	v2 =	vmul.f32 v2, v3  }
0x65: {  	v5 =	vmov s17;
	v4 =	vld [tilespmem:s29+$0xFFFFFF70];
	v3 =	vmul.f32 v9, v3;
	[tilespmem:s29+$0xFFFFFF60] =	vst v8  }
0x66: {  	v5 =	vand.u32 $0xFFFFFFFC, v5;
	v9 =	vld [tilespmem:s29+$0xFFFFFF80];
	[tilespmem:s29+$0xFFFFFEE0] =	vst v2;
	v2 =	vmul.f32 v7, v11  }
0x67: {  	v57 =	vld [tilespmem:s29+$0xFFFFFFC0];
	v5 =	vbroadcast v5, $0x0;
	[tilespmem:s29+$0xFFFFFEF0] =	vst v3;
	v3 =	vmul.f32 v52, v11  }
0x68: {  	v7 =	vld [tilespmem:s29+$0xFFFFFF90];
	v10 =	vmul.f32 v10, v11;
	[tilespmem:s29+$0xFFFFFF10] =	vst v2  }
0x69: {  	v58 =	vld [tilespmem:s29+$0x20];
	v2 =	vmul.f32 v53, v11;
	[tilespmem:s29+$0xFFFFFF20] =	vst v3  }
0x6a: {  	v8 =	vld [tilespmem:s29+$0x0];
	v3 =	vmul.f32 v54, v11;
	[tilespmem:s29+$0xFFFFFF50] =	vst v10  }
0x6b: {  	v4 =	vmul.f32 v4, v11;
	v11 =	vld [tilespmem:s29+$0x10];
	[tilespmem:s29+$0xFFFFFF30] =	vst v2;
	v2 =	vmul.f32 v9, v6  }
0x6c: {  	s31 =	sadd.s32 $0xD, s1;
	[tilespmem:s29+$0xFFFFFF40] =	vst v3;
	v3 =	vld [tilespmem:s29+$0xFFFFFFE0]  }
0x6d: {  	v5 =	vld.idx.msk [tilespmem:v5+s15+$0x0], $0xffff;
	v7 =	vmul.f32 v7, v6;
	[tilespmem:s29+$0xFFFFFF80] =	vst v2;
	v2 =	vmov s31  }
0x6e: {  	v9 =	vld [tilespmem:s29+$0xFFFFFFD0];
	[tilespmem:s29+$0xFFFFFF70] =	vst v4;
	v4 =	vmul.f32 v55, v6;
	v2 =	vand.u32 $0xFFFFFFFD, v2  }
0x6f: {  	v59 =	vld [tilespmem:s29+$0x30];
	[tilespmem:s29+$0xFFFFFF90] =	vst v7;
	v7 =	vmul.f32 v56, v6;
	v2 =	vbroadcast v2, $0x0  }
0x70: {  	v61 =	vld [tilespmem:s29+$0xC0];
	[tilespmem:s29+$0xFFFFFFA0] =	vst v4;
	v4 =	vmul.f32 v57, v6  }
0x71: {  	v10 =	vld [tilespmem:s29+$0xFFFFFFF0];
	[tilespmem:s29+$0xFFFFFFB0] =	vst v7;
	v3 =	vmul.f32 v3, v6  }
0x72: {  	[tilespmem:s29+$0xFFFFFFC0] =	vst v4;
	v4 =	vmul.f32 v8, v5;
	v8 =	vld [tilespmem:s29+$0x50]  }
0x73: {  	v7 =	vmul.f32 v9, v6;
	v9 =	vld [tilespmem:s29+$0x40];
	[tilespmem:s29+$0xFFFFFFE0] =	vst v3;
	v3 =	vmul.f32 v11, v5  }
0x74: {  	[tilespmem:s29+$0x0] =	vst v4;
	v4 =	vld [tilespmem:s29+$0x70]  }
0x75: {  	[tilespmem:s29+$0x10] =	vst v3;
	v3 =	vmul.f32 v59, v5;
	v60 =	vld.idx.msk [tilespmem:v2+s15+$0x0], $0xffff  }
0x76: {  	[tilespmem:s29+$0xFFFFFFD0] =	vst v7;
	v2 =	vmul.f32 v10, v6;
	v6 =	vld [tilespmem:s29+$0x80]  }
0x77: {  	v7 =	vld [tilespmem:s29+$0x60];
	[tilespmem:s29+$0x30] =	vst v3;
	v3 =	vmul.f32 v8, v5  }
0x78: {  	v10 =	vld [tilespmem:s29+$0x90];
	[tilespmem:s29+$0xFFFFFFF0] =	vst v2;
	v2 =	vmul.f32 v58, v5  }
0x79: {  	v8 =	vld [tilespmem:s29+$0xB0];
	[tilespmem:s29+$0x50] =	vst v3;
	v4 =	vmul.f32 v4, v5  }
0x7a: {  	s1 =	sadd.s32 $0xF, s1;
	[tilespmem:s29+$0x20] =	vst v2;
	v2 =	vmul.f32 v9, v5;
	v9 =	vld [tilespmem:s29+$0xA0]  }
0x7b: {  	v62 =	vld [tilespmem:s29+$0xD0];
	v11 =	vmov s1;
	v3 =	vmul.f32 v6, v60;
	[tilespmem:s29+$0x70] =	vst v4  }
0x7c: {  	v63 =	vld [tilespmem:s29+$0xE0];
	[tilespmem:s29+$0x40] =	vst v2;
	v2 =	vmul.f32 v7, v5  }
0x7d: {  	v6 =	vld [tilespmem:s29+$0x110];
	v5 =	vmul.f32 v10, v60;
	[tilespmem:s29+$0x80] =	vst v3  }
0x7e: {  	v10 =	vld [tilespmem:s29+$0xF0];
	v4 =	vmul.f32 v8, v60;
	[tilespmem:s29+$0x60] =	vst v2  }
0x7f: {  	v7 =	vld [tilespmem:s29+$0x100];
	[tilespmem:s29+$0x90] =	vst v5;
	v3 =	vmul.f32 v9, v60  }
0x80: {  	v8 =	vmul.f32 v62, v60;
	v2 =	vld.idx.msk [tilespmem:v11+s15+$0x0], $0xffff;
	[tilespmem:s29+$0xB0] =	vst v4  }
0x81: {  	v5 =	vld [tilespmem:s29+$0x120];
	[tilespmem:s29+$0xA0] =	vst v3;
	v3 =	vmul.f32 v61, v60  }
0x82: {  	v4 =	vld [tilespmem:s29+$0x130];
	[tilespmem:s29+$0xD0] =	vst v8;
	v9 =	vmul.f32 v63, v60  }
0x83: {  	s30 =	simm.s32 $0x7880;
	s1 =	simm.s32 $0x0;
	v8 =	vmul.f32 v10, v60;
	[tilespmem:s29+$0xC0] =	vst v3;
	v3 =	vld [tilespmem:s29+$0x140]  }
.LBB2_7:
0x84: {  	s18 =	sadd.s32 s1, s26;
	s1 =	sadd.s32 $0x8, s1;
	[tilespmem:s29+$0xE0] =	vst v9;
	v7 =	vmul.f32 v7, v1;
	v9 =	vld [tilespmem:s29+$0x150]  }
0x85: {  	s31 =	sadd.s32 $0x8, s18;
	s0 =	sadd.s32 $0xE, s18;
	p1 =	slt.u32 s1, $0x20;
	[tilespmem:s29+$0xF0] =	vst v8;
	v6 =	vmul.f32 v6, v1;
	v8 =	vld [tilespmem:s29+$0x160]  }
0x86: {  	s16 =	sadd.s32 $0xA, s18;
	s17 =	sadd.s32 $0xB, s18;
	v10 =	vmov s31;
	s31 =	sadd.s32 $0x9, s18;
	v11 =	vmov s0;
	[tilespmem:s29+$0x100] =	vst v7;
	v5 =	vmul.f32 v5, v1;
	v7 =	vld [tilespmem:s29+$0x180]  }
0x87: {  	v13 =	vmov s16;
	s0 =	sadd.s32 $0xC, s18;
	s16 =	sadd.s32 $0xD, s18;
	s18 =	sadd.s32 $0xF, s18;
	v12 =	vmov s31;
	v11 =	vand.u32 $0xFFFFFFFE, v11;
	[tilespmem:s29+$0x110] =	vst v6;
	v6 =	vld [tilespmem:s29+$0x190]  }
0x88: {  	v14 =	vmov s17;
	v15 =	vmov s0;
	v11 =	vbroadcast v11, $0x0;
	[tilespmem:s29+$0x120] =	vst v5;
	v5 =	vld [tilespmem:s29+$0x1A0]  }
0x89: {  	v10 =	vand.u32 $0xFFFFFFF8, v10;
	v16 =	vmov s16;
	v12 =	vand.u32 $0xFFFFFFF9, v12;
	v17 =	vld [tilespmem:s29+$0x1B0]  }
0x8a: {  	v13 =	vand.u32 $0xFFFFFFFA, v13;
	v14 =	vand.u32 $0xFFFFFFFB, v14;
	v15 =	vand.u32 $0xFFFFFFFC, v15;
	v18 =	vld [tilespmem:s29+$0x1C0]  }
0x8b: {  	v10 =	vbroadcast v10, $0x0;
	v16 =	vand.u32 $0xFFFFFFFD, v16;
	v12 =	vbroadcast v12, $0x0;
	v19 =	vld [tilespmem:s29+$0x1D0]  }
0x8c: {  	v20 =	vmov s18;
	v13 =	vbroadcast v13, $0x0;
	v14 =	vbroadcast v14, $0x0;
	v21 =	vld [tilespmem:s29+$0x1E0]  }
0x8d: {  	v15 =	vbroadcast v15, $0x0;
	v16 =	vbroadcast v16, $0x0;
	v22 =	vld [tilespmem:s29+$0x1F0]  }
0x8e: {  	v4 =	vmul.f32 v4, v1;
	v3 =	vmul.f32 v3, v1;
	s29 =	sadd.s32 $0x400, s29;
	v11 =	vld.idx.msk [tilespmem:v11+s15+$0x0], $0xffff  }
0x8f: {  	v9 =	vmul.f32 v9, v1;
	v1 =	vmul.f32 v8, v1;
	v23 =	vld [tilespmem:s29+$0x170]  }
0x90: {  	v6 =	vmul.f32 v6, v2;
	v8 =	vld [tilespmem:s29+$0xFFFFFE00];
	[tilespmem:s30+$0x130] =	vst v4;
	v4 =	vmul.f32 v7, v2  }
0x91: {  	v17 =	vmul.f32 v17, v2;
	v7 =	vld.idx.msk [tilespmem:v10+s15+$0x0], $0xffff;
	[tilespmem:s30+$0x140] =	vst v3;
	v10 =	vmul.f32 v5, v2  }
0x92: {  	v12 =	vld.idx.msk [tilespmem:v12+s15+$0x0], $0xffff;
	[tilespmem:s30+$0x150] =	vst v9;
	v9 =	vmul.f32 v18, v2;
	v18 =	vmul.f32 v19, v2  }
0x93: {  	v19 =	vmul.f32 v21, v2;
	v21 =	vmul.f32 v22, v2;
	v13 =	vld.idx.msk [tilespmem:v13+s15+$0x0], $0xffff;
	[tilespmem:s30+$0x160] =	vst v1  }
0x94: {  	v1 =	vmov v11;
	v5 =	vld.idx.msk [tilespmem:v14+s15+$0x0], $0xffff;
	v2 =	vmul.f32 v23, v11;
	[tilespmem:s30+$0x180] =	vst v4  }
0x95: {  	v4 =	vld.idx.msk [tilespmem:v15+s15+$0x0], $0xffff;
	[tilespmem:s30+$0x190] =	vst v6  }
0x96: {  	v3 =	vld.idx.msk [tilespmem:v16+s15+$0x0], $0xffff;
	[tilespmem:s29+$0x170] =	vst v2  }
0x97: {  	v6 =	vmul.f32 v8, v7;
	v2 =	vld.idx.msk [tilespmem:v20+s15+$0x0], $0xffff;
	[tilespmem:s30+$0x1A0] =	vst v10  }
0x98: {  	v8 =	vld [tilespmem:s29+$0xFFFFFE10];
	[tilespmem:s30+$0x1B0] =	vst v17  }
0x99: {  	[tilespmem:s29+$0xFFFFFE00] =	vst v6;
	v6 =	vld [tilespmem:s29+$0xFFFFFE20]  }
0x9a: {  	v10 =	vld [tilespmem:s29+$0xFFFFFE30];
	[tilespmem:s30+$0x1C0] =	vst v9  }
0x9b: {  	v9 =	vld [tilespmem:s29+$0xFFFFFE40];
	[tilespmem:s30+$0x1D0] =	vst v18  }
0x9c: {  	v11 =	vld [tilespmem:s29+$0xFFFFFE50];
	[tilespmem:s30+$0x1E0] =	vst v19  }
0x9d: {  	v8 =	vmul.f32 v8, v7;
	v14 =	vld [tilespmem:s29+$0xFFFFFE60];
	[tilespmem:s30+$0x1F0] =	vst v21;
	s30 =	smov.u32 s29  }
0x9e: {  	v6 =	vmul.f32 v6, v7;
	v15 =	vld [tilespmem:s29+$0xFFFFFE70]  }
0x9f: {  	[tilespmem:s29+$0xFFFFFE10] =	vst v8;
	v8 =	vmul.f32 v10, v7;
	v10 =	vld [tilespmem:s29+$0xFFFFFE80]  }
0xa0: {  	[tilespmem:s29+$0xFFFFFE20] =	vst v6;
	v6 =	vmul.f32 v9, v7;
	v9 =	vld [tilespmem:s29+$0xFFFFFE90]  }
0xa1: {  	[tilespmem:s29+$0xFFFFFE30] =	vst v8;
	v8 =	vmul.f32 v11, v7;
	v11 =	vld [tilespmem:s29+$0xFFFFFEA0]  }
0xa2: {  	[tilespmem:s29+$0xFFFFFE40] =	vst v6;
	v6 =	vmul.f32 v14, v7;
	v14 =	vld [tilespmem:s29+$0xFFFFFEB0]  }
0xa3: {  	[tilespmem:s29+$0xFFFFFE50] =	vst v8;
	v7 =	vmul.f32 v15, v7;
	v8 =	vld [tilespmem:s29+$0xFFFFFEC0]  }
0xa4: {  	[tilespmem:s29+$0xFFFFFE60] =	vst v6;
	v6 =	vmul.f32 v10, v12;
	v10 =	vld [tilespmem:s29+$0xFFFFFED0]  }
0xa5: {  	[tilespmem:s29+$0xFFFFFE70] =	vst v7;
	v7 =	vmul.f32 v9, v12;
	v9 =	vld [tilespmem:s29+$0xFFFFFEE0]  }
0xa6: {  	[tilespmem:s29+$0xFFFFFE80] =	vst v6;
	v6 =	vmul.f32 v11, v12;
	v11 =	vld [tilespmem:s29+$0xFFFFFEF0]  }
0xa7: {  	[tilespmem:s29+$0xFFFFFE90] =	vst v7;
	v7 =	vmul.f32 v14, v12;
	v14 =	vld [tilespmem:s29+$0xFFFFFF00]  }
0xa8: {  	[tilespmem:s29+$0xFFFFFEA0] =	vst v6;
	v6 =	vmul.f32 v8, v12;
	v8 =	vld [tilespmem:s29+$0xFFFFFF10]  }
0xa9: {  	[tilespmem:s29+$0xFFFFFEB0] =	vst v7;
	v7 =	vmul.f32 v10, v12;
	v10 =	vld [tilespmem:s29+$0xFFFFFF20]  }
0xaa: {  	[tilespmem:s29+$0xFFFFFEC0] =	vst v6;
	v6 =	vmul.f32 v9, v12;
	v9 =	vld [tilespmem:s29+$0xFFFFFF30]  }
0xab: {  	[tilespmem:s29+$0xFFFFFED0] =	vst v7;
	v7 =	vmul.f32 v11, v12;
	v11 =	vld [tilespmem:s29+$0xFFFFFF40]  }
0xac: {  	[tilespmem:s29+$0xFFFFFEE0] =	vst v6;
	v6 =	vmul.f32 v14, v13;
	v12 =	vld [tilespmem:s29+$0xFFFFFF50]  }
0xad: {  	[tilespmem:s29+$0xFFFFFEF0] =	vst v7;
	v7 =	vmul.f32 v8, v13;
	v8 =	vld [tilespmem:s29+$0xFFFFFF60]  }
0xae: {  	[tilespmem:s29+$0xFFFFFF00] =	vst v6;
	v6 =	vmul.f32 v10, v13;
	v10 =	vld [tilespmem:s29+$0xFFFFFF70]  }
0xaf: {  	[tilespmem:s29+$0xFFFFFF10] =	vst v7;
	v7 =	vmul.f32 v9, v13;
	v9 =	vld [tilespmem:s29+$0xFFFFFF80]  }
0xb0: {  	[tilespmem:s29+$0xFFFFFF20] =	vst v6;
	v6 =	vmul.f32 v11, v13;
	v11 =	vld [tilespmem:s29+$0xFFFFFF90]  }
0xb1: {  	[tilespmem:s29+$0xFFFFFF30] =	vst v7;
	v7 =	vmul.f32 v12, v13;
	v12 =	vld [tilespmem:s29+$0xFFFFFFA0]  }
0xb2: {  	[tilespmem:s29+$0xFFFFFF40] =	vst v6;
	v6 =	vmul.f32 v8, v13;
	v8 =	vld [tilespmem:s29+$0xFFFFFFB0]  }
0xb3: {  	[tilespmem:s29+$0xFFFFFF50] =	vst v7;
	v7 =	vmul.f32 v10, v13;
	v10 =	vld [tilespmem:s29+$0xFFFFFFC0]  }
0xb4: {  	[tilespmem:s29+$0xFFFFFF60] =	vst v6;
	v6 =	vmul.f32 v9, v5;
	v9 =	vld [tilespmem:s29+$0xFFFFFFD0]  }
0xb5: {  	[tilespmem:s29+$0xFFFFFF70] =	vst v7;
	v7 =	vmul.f32 v11, v5;
	v11 =	vld [tilespmem:s29+$0xFFFFFFE0]  }
0xb6: {  	[tilespmem:s29+$0xFFFFFF80] =	vst v6;
	v6 =	vmul.f32 v12, v5;
	v12 =	vld [tilespmem:s29+$0xFFFFFFF0]  }
0xb7: {  	[tilespmem:s29+$0xFFFFFF90] =	vst v7;
	v7 =	vmul.f32 v8, v5;
	v8 =	vld [tilespmem:s29+$0x0]  }
0xb8: {  	[tilespmem:s29+$0xFFFFFFA0] =	vst v6;
	v6 =	vmul.f32 v10, v5;
	v10 =	vld [tilespmem:s29+$0x10]  }
0xb9: {  	[tilespmem:s29+$0xFFFFFFB0] =	vst v7;
	v7 =	vmul.f32 v9, v5;
	v9 =	vld [tilespmem:s29+$0x20]  }
0xba: {  	[tilespmem:s29+$0xFFFFFFC0] =	vst v6;
	v6 =	vmul.f32 v11, v5;
	v11 =	vld [tilespmem:s29+$0x30]  }
0xbb: {  	[tilespmem:s29+$0xFFFFFFD0] =	vst v7;
	v5 =	vmul.f32 v12, v5;
	v7 =	vld [tilespmem:s29+$0x40]  }
0xbc: {  	[tilespmem:s29+$0xFFFFFFE0] =	vst v6;
	v6 =	vmul.f32 v8, v4;
	v8 =	vld [tilespmem:s29+$0x50]  }
0xbd: {  	[tilespmem:s29+$0xFFFFFFF0] =	vst v5;
	v5 =	vmul.f32 v10, v4;
	v10 =	vld [tilespmem:s29+$0x60]  }
0xbe: {  	[tilespmem:s29+$0x0] =	vst v6;
	v6 =	vmul.f32 v9, v4;
	v9 =	vld [tilespmem:s29+$0x70]  }
0xbf: {  	[tilespmem:s29+$0x10] =	vst v5;
	v5 =	vmul.f32 v11, v4;
	v11 =	vld [tilespmem:s29+$0x80]  }
0xc0: {  	[tilespmem:s29+$0x20] =	vst v6;
	v6 =	vmul.f32 v7, v4;
	v7 =	vld [tilespmem:s29+$0x90]  }
0xc1: {  	[tilespmem:s29+$0x30] =	vst v5;
	v5 =	vmul.f32 v8, v4;
	v8 =	vld [tilespmem:s29+$0xA0]  }
0xc2: {  	[tilespmem:s29+$0x40] =	vst v6;
	v6 =	vmul.f32 v10, v4;
	v10 =	vld [tilespmem:s29+$0xB0]  }
0xc3: {  	[tilespmem:s29+$0x50] =	vst v5;
	v4 =	vmul.f32 v9, v4;
	v5 =	vld [tilespmem:s29+$0xC0]  }
0xc4: {  	[tilespmem:s29+$0x60] =	vst v6;
	v6 =	vmul.f32 v11, v3;
	v9 =	vld [tilespmem:s29+$0xD0]  }
0xc5: {  	[tilespmem:s29+$0x70] =	vst v4;
	v4 =	vmul.f32 v7, v3;
	v11 =	vld [tilespmem:s29+$0xE0]  }
0xc6: {  	[tilespmem:s29+$0x80] =	vst v6;
	v6 =	vmul.f32 v8, v3;
	v8 =	vld [tilespmem:s29+$0xF0]  }
.Ltmp2:
0xc7: {  	[tilespmem:s29+$0x90] =	vst v4;
	v4 =	vmul.f32 v10, v3;
	v7 =	vld [tilespmem:s29+$0x100];
	(pc) =	sbr.rel @p1 .LBB2_7-.Ltmp2, $4  }
0xc8: {  	[tilespmem:s29+$0xA0] =	vst v6;
	v10 =	vmul.f32 v5, v3;
	v6 =	vld [tilespmem:s29+$0x110]  }
0xc9: {  	[tilespmem:s29+$0xB0] =	vst v4;
	v12 =	vmul.f32 v9, v3;
	v5 =	vld [tilespmem:s29+$0x120]  }
0xca: {  	[tilespmem:s29+$0xC0] =	vst v10;
	v9 =	vmul.f32 v11, v3;
	v4 =	vld [tilespmem:s29+$0x130]  }
0xcb: {  	[tilespmem:s29+$0xD0] =	vst v12;
	v8 =	vmul.f32 v8, v3;
	v3 =	vld [tilespmem:s29+$0x140]  }
0xcc: {  	v10 =	vld [tilespmem:s29+$0x150];
	[tilespmem:s29+$0xE0] =	vst v9;
	v7 =	vmul.f32 v7, v1  }
0xcd: {  	v9 =	vld [tilespmem:s29+$0x160];
	[tilespmem:s29+$0xF0] =	vst v8;
	v6 =	vmul.f32 v6, v1  }
0xce: {  	v8 =	vld [tilespmem:s29+$0x180];
	[tilespmem:s29+$0x100] =	vst v7;
	v5 =	vmul.f32 v5, v1  }
0xcf: {  	v7 =	vld [tilespmem:s29+$0x190];
	[tilespmem:s29+$0x110] =	vst v6;
	v4 =	vmul.f32 v4, v1  }
0xd0: {  	v6 =	vld [tilespmem:s29+$0x1A0];
	[tilespmem:s29+$0x120] =	vst v5;
	v3 =	vmul.f32 v3, v1  }
0xd1: {  	v11 =	vld [tilespmem:s29+$0x1C0];
	v10 =	vmul.f32 v10, v1;
	[tilespmem:s30+$0x130] =	vst v4  }
0xd2: {  	v5 =	vld [tilespmem:s29+$0x1B0];
	v1 =	vmul.f32 v9, v1;
	[tilespmem:s30+$0x140] =	vst v3  }
0xd3: {  	v4 =	vld [tilespmem:s29+$0x1D0];
	v8 =	vmul.f32 v8, v2;
	[tilespmem:s30+$0x150] =	vst v10  }
0xd4: {  	v3 =	vld [tilespmem:s29+$0x1E0];
	v7 =	vmul.f32 v7, v2;
	[tilespmem:s30+$0x160] =	vst v1  }
0xd5: {  	v9 =	vld [tilespmem:s29+$0x1F0];
	v1 =	vmul.f32 v6, v2;
	[tilespmem:s30+$0x180] =	vst v8  }
0xd6: {  	v6 =	vmul.f32 v11, v2;
	[tilespmem:s30+$0x190] =	vst v7  }
0xd7: {  	v5 =	vmul.f32 v5, v2;
	[tilespmem:s30+$0x1A0] =	vst v1  }
0xd8: {  	v1 =	vmul.f32 v4, v2;
	[tilespmem:s30+$0x1C0] =	vst v6  }
0xd9: {  	s0 =	smul.u32 $0x140, s28;
	[tilespmem:s30+$0x1B0] =	vst v5;
	v3 =	vmul.f32 v3, v2  }
0xda: {  	v2 =	vmul.f32 v9, v2;
	[tilespmem:s30+$0x1D0] =	vst v1  }
0xdb: {  	s29 =	sshra.s32 s0, $0x2;
	[tilespmem:s30+$0x1E0] =	vst v3  }
0xdc: {  	s0 =	sadd.s32 $0x2780, s29;
	[tilespmem:s30+$0x1F0] =	vst v2  }
0xdd: {  	[spmem:s2] =	stream.indirect.scatter.add.f32 [tilespmem:s20], [sflag:$0x3], $0x80, s0, s19, $0xb8;
	[tilespmem:$0x1DF00] =	vst v63  }
0xde: {  	_ =	swait.ge [sflag:s23], $0x1400  }
0xdf: {  	s1 =	sadd.s32 $0xFFFFFFF8, s26;
	[sflag:s23] =	ssyncset.done $0x0  }
0xe0: {  	s16 =	sadd.s32 $0x30, s1;
	s30 =	simm.s32 $0x8C80;
	[sflag:s23] =	ssyncadd.s32 $0xFFFFEC00  }
0xe1: {  	v1 =	vmov s16;
	v4 =	vld [tilespmem:s30+$0xFFFFFE00]  }
0xe2: {  	v1 =	vand.u32 $0xFFFFFFF8, v1;
	v6 =	vld [tilespmem:s30+$0xFFFFFE10]  }
0xe3: {  	v1 =	vbroadcast v1, $0x0;
	v7 =	vld [tilespmem:s30+$0xFFFFFE30]  }
0xe4: {  	s17 =	sadd.s32 $0x36, s1;
	v8 =	vld [tilespmem:s30+$0xFFFFFE40]  }
0xe5: {  	v2 =	vmov s17;
	v9 =	vld [tilespmem:s30+$0xFFFFFE50]  }
0xe6: {  	s18 =	sadd.s32 $0x31, s1;
	v2 =	vand.u32 $0xFFFFFFFE, v2;
	v10 =	vld [tilespmem:s30+$0xFFFFFE60]  }
0xe7: {  	v3 =	vmov s18;
	v2 =	vbroadcast v2, $0x0;
	v12 =	vld [tilespmem:s30+$0xFFFFFE70]  }
0xe8: {  	s7 =	sadd.s32 $0x32, s1;
	v3 =	vand.u32 $0xFFFFFFF9, v3;
	v13 =	vld [tilespmem:s30+$0xFFFFFE80]  }
0xe9: {  	v11 =	vmov s7;
	v3 =	vbroadcast v3, $0x0;
	v5 =	vld.idx.msk [tilespmem:v1+s15+$0x0], $0xffff  }
0xea: {  	v11 =	vand.u32 $0xFFFFFFFA, v11;
	v14 =	vld [tilespmem:s30+$0xFFFFFE90]  }
0xeb: {  	v11 =	vbroadcast v11, $0x0;
	v15 =	vld [tilespmem:s30+$0xFFFFFEA0]  }
0xec: {  	v16 =	vld [tilespmem:s30+$0xFFFFFEB0]  }
0xed: {  	v1 =	vld.idx.msk [tilespmem:v2+s15+$0x0], $0xffff  }
0xee: {  	v2 =	vld [tilespmem:s30+$0x170];
	v4 =	vmul.f32 v4, v5  }
0xef: {  	v3 =	vld.idx.msk [tilespmem:v3+s15+$0x0], $0xffff;
	v6 =	vmul.f32 v6, v5  }
0xf0: {  	v51 =	vld [tilespmem:s30+$0xFFFFFED0];
	v8 =	vmul.f32 v8, v5;
	[tilespmem:s30+$0xFFFFFE00] =	vst v4  }
0xf1: {  	v11 =	vld.idx.msk [tilespmem:v11+s15+$0x0], $0xffff;
	v7 =	vmul.f32 v7, v5;
	[tilespmem:s30+$0xFFFFFE10] =	vst v6  }
0xf2: {  	v4 =	vld [tilespmem:s30+$0xFFFFFE20];
	[tilespmem:s30+$0xFFFFFE40] =	vst v8;
	v8 =	vmul.f32 v10, v5  }
0xf3: {  	v52 =	vld [tilespmem:s30+$0xFFFFFF20];
	v2 =	vmul.f32 v2, v1;
	[tilespmem:s30+$0xFFFFFE30] =	vst v7  }
0xf4: {  	v53 =	vld [tilespmem:s30+$0xFFFFFF30];
	[tilespmem:s30+$0xFFFFFE60] =	vst v8;
	v8 =	vmul.f32 v14, v3  }
0xf5: {  	v54 =	vld [tilespmem:s30+$0xFFFFFF40];
	v6 =	vmul.f32 v13, v3;
	[tilespmem:s30+$0x170] =	vst v2  }
0xf6: {  	s8 =	sadd.s32 $0x33, s1;
	v55 =	vld [tilespmem:s30+$0xFFFFFFA0];
	[tilespmem:s30+$0xFFFFFE90] =	vst v8;
	v8 =	vmul.f32 v16, v3  }
0xf7: {  	v10 =	vld [tilespmem:s30+$0xFFFFFF00];
	[tilespmem:s30+$0xFFFFFE80] =	vst v6;
	v6 =	vmov s8;
	v2 =	vmul.f32 v4, v5  }
0xf8: {  	v7 =	vmul.f32 v9, v5;
	v6 =	vand.u32 $0xFFFFFFFB, v6;
	v4 =	vld [tilespmem:s30+$0xFFFFFEC0];
	v5 =	vmul.f32 v12, v5;
	[tilespmem:s30+$0xFFFFFEB0] =	vst v8  }
0xf9: {  	v6 =	vbroadcast v6, $0x0;
	v8 =	vld [tilespmem:s30+$0xFFFFFF60];
	[tilespmem:s30+$0xFFFFFE20] =	vst v2  }
0xfa: {  	v2 =	vld [tilespmem:s30+$0xFFFFFEE0];
	[tilespmem:s30+$0xFFFFFE70] =	vst v5;
	v5 =	vmul.f32 v15, v3  }
0xfb: {  	v9 =	vld [tilespmem:s30+$0xFFFFFEF0];
	v13 =	vmul.f32 v51, v3;
	[tilespmem:s30+$0xFFFFFE50] =	vst v7  }
0xfc: {  	v7 =	vld [tilespmem:s30+$0xFFFFFF10];
	[tilespmem:s30+$0xFFFFFEA0] =	vst v5;
	v5 =	vmul.f32 v10, v11  }
0xfd: {  	v56 =	vld [tilespmem:s30+$0xFFFFFFB0];
	[tilespmem:s30+$0xFFFFFED0] =	vst v13;
	v4 =	vmul.f32 v4, v3  }
0xfe: {  	v10 =	vld [tilespmem:s30+$0xFFFFFF50];
	[tilespmem:s30+$0xFFFFFF00] =	vst v5;
	v8 =	vmul.f32 v8, v11  }
0xff: {  	s16 =	sadd.s32 $0x34, s1;
	v6 =	vld.idx.msk [tilespmem:v6+s15+$0x0], $0xffff;
	[tilespmem:s30+$0xFFFFFEC0] =	vst v4;
	v2 =	vmul.f32 v2, v3  }
0x100: {  	v5 =	vmov s16;
	v4 =	vld [tilespmem:s30+$0xFFFFFF70];
	v3 =	vmul.f32 v9, v3;
	[tilespmem:s30+$0xFFFFFF60] =	vst v8  }
0x101: {  	v5 =	vand.u32 $0xFFFFFFFC, v5;
	v9 =	vld [tilespmem:s30+$0xFFFFFF80];
	[tilespmem:s30+$0xFFFFFEE0] =	vst v2;
	v2 =	vmul.f32 v7, v11  }
0x102: {  	v57 =	vld [tilespmem:s30+$0xFFFFFFC0];
	v5 =	vbroadcast v5, $0x0;
	[tilespmem:s30+$0xFFFFFEF0] =	vst v3;
	v3 =	vmul.f32 v52, v11  }
0x103: {  	v7 =	vld [tilespmem:s30+$0xFFFFFF90];
	v10 =	vmul.f32 v10, v11;
	[tilespmem:s30+$0xFFFFFF10] =	vst v2  }
0x104: {  	v58 =	vld [tilespmem:s30+$0x20];
	v2 =	vmul.f32 v53, v11;
	[tilespmem:s30+$0xFFFFFF20] =	vst v3  }
0x105: {  	v8 =	vld [tilespmem:s30+$0x0];
	v3 =	vmul.f32 v54, v11;
	[tilespmem:s30+$0xFFFFFF50] =	vst v10  }
0x106: {  	v4 =	vmul.f32 v4, v11;
	v11 =	vld [tilespmem:s30+$0x10];
	[tilespmem:s30+$0xFFFFFF30] =	vst v2;
	v2 =	vmul.f32 v9, v6  }
0x107: {  	s17 =	sadd.s32 $0x35, s1;
	[tilespmem:s30+$0xFFFFFF40] =	vst v3;
	v3 =	vld [tilespmem:s30+$0xFFFFFFE0]  }
0x108: {  	v5 =	vld.idx.msk [tilespmem:v5+s15+$0x0], $0xffff;
	v7 =	vmul.f32 v7, v6;
	[tilespmem:s30+$0xFFFFFF80] =	vst v2;
	v2 =	vmov s17  }
0x109: {  	v9 =	vld [tilespmem:s30+$0xFFFFFFD0];
	[tilespmem:s30+$0xFFFFFF70] =	vst v4;
	v4 =	vmul.f32 v55, v6;
	v2 =	vand.u32 $0xFFFFFFFD, v2  }
0x10a: {  	v59 =	vld [tilespmem:s30+$0x30];
	[tilespmem:s30+$0xFFFFFF90] =	vst v7;
	v7 =	vmul.f32 v56, v6;
	v2 =	vbroadcast v2, $0x0  }
0x10b: {  	v61 =	vld [tilespmem:s30+$0xC0];
	[tilespmem:s30+$0xFFFFFFA0] =	vst v4;
	v4 =	vmul.f32 v57, v6  }
0x10c: {  	v10 =	vld [tilespmem:s30+$0xFFFFFFF0];
	[tilespmem:s30+$0xFFFFFFB0] =	vst v7;
	v3 =	vmul.f32 v3, v6  }
0x10d: {  	[tilespmem:s30+$0xFFFFFFC0] =	vst v4;
	v4 =	vmul.f32 v8, v5;
	v8 =	vld [tilespmem:s30+$0x50]  }
0x10e: {  	v7 =	vmul.f32 v9, v6;
	v9 =	vld [tilespmem:s30+$0x40];
	[tilespmem:s30+$0xFFFFFFE0] =	vst v3;
	v3 =	vmul.f32 v11, v5  }
0x10f: {  	[tilespmem:s30+$0x0] =	vst v4;
	v4 =	vld [tilespmem:s30+$0x70]  }
0x110: {  	[tilespmem:s30+$0x10] =	vst v3;
	v3 =	vmul.f32 v59, v5;
	v60 =	vld.idx.msk [tilespmem:v2+s15+$0x0], $0xffff  }
0x111: {  	[tilespmem:s30+$0xFFFFFFD0] =	vst v7;
	v2 =	vmul.f32 v10, v6;
	v6 =	vld [tilespmem:s30+$0x80]  }
0x112: {  	v7 =	vld [tilespmem:s30+$0x60];
	[tilespmem:s30+$0x30] =	vst v3;
	v3 =	vmul.f32 v8, v5  }
0x113: {  	v10 =	vld [tilespmem:s30+$0x90];
	[tilespmem:s30+$0xFFFFFFF0] =	vst v2;
	v2 =	vmul.f32 v58, v5  }
0x114: {  	v8 =	vld [tilespmem:s30+$0xB0];
	[tilespmem:s30+$0x50] =	vst v3;
	v4 =	vmul.f32 v4, v5  }
0x115: {  	s18 =	sadd.s32 $0x37, s1;
	[tilespmem:s30+$0x20] =	vst v2;
	v2 =	vmul.f32 v9, v5;
	v9 =	vld [tilespmem:s30+$0xA0]  }
0x116: {  	v62 =	vld [tilespmem:s30+$0xD0];
	v11 =	vmov s18;
	v3 =	vmul.f32 v6, v60;
	[tilespmem:s30+$0x70] =	vst v4  }
0x117: {  	v63 =	vld [tilespmem:s30+$0xE0];
	[tilespmem:s30+$0x40] =	vst v2;
	v2 =	vmul.f32 v7, v5  }
0x118: {  	v6 =	vld [tilespmem:s30+$0x110];
	v5 =	vmul.f32 v10, v60;
	[tilespmem:s30+$0x80] =	vst v3  }
0x119: {  	v10 =	vld [tilespmem:s30+$0xF0];
	v4 =	vmul.f32 v8, v60;
	[tilespmem:s30+$0x60] =	vst v2  }
0x11a: {  	v7 =	vld [tilespmem:s30+$0x100];
	[tilespmem:s30+$0x90] =	vst v5;
	v3 =	vmul.f32 v9, v60  }
0x11b: {  	v8 =	vmul.f32 v62, v60;
	v2 =	vld.idx.msk [tilespmem:v11+s15+$0x0], $0xffff;
	[tilespmem:s30+$0xB0] =	vst v4  }
0x11c: {  	v5 =	vld [tilespmem:s30+$0x120];
	[tilespmem:s30+$0xA0] =	vst v3;
	v3 =	vmul.f32 v61, v60  }
0x11d: {  	v4 =	vld [tilespmem:s30+$0x130];
	[tilespmem:s30+$0xD0] =	vst v8;
	v9 =	vmul.f32 v63, v60  }
0x11e: {  	s31 =	sshllo.u32 s28, $0x1;
	s1 =	simm.s32 $0x8C80;
	s18 =	simm.s32 $0x0;
	v8 =	vmul.f32 v10, v60;
	[tilespmem:s30+$0xC0] =	vst v3;
	v3 =	vld [tilespmem:s30+$0x140]  }
.LBB2_9:
0x11f: {  	s0 =	sadd.s32 s18, s26;
	s18 =	sadd.s32 $0x8, s18;
	[tilespmem:s30+$0xE0] =	vst v9;
	v7 =	vmul.f32 v7, v1;
	v9 =	vld [tilespmem:s30+$0x150]  }
0x120: {  	s16 =	sadd.s32 $0x30, s0;
	s17 =	sadd.s32 $0x36, s0;
	p1 =	slt.u32 s18, $0x20;
	[tilespmem:s30+$0xF0] =	vst v8;
	v6 =	vmul.f32 v6, v1;
	v8 =	vld [tilespmem:s30+$0x160]  }
0x121: {  	s7 =	sadd.s32 $0x32, s0;
	s8 =	sadd.s32 $0x33, s0;
	v10 =	vmov s16;
	s16 =	sadd.s32 $0x31, s0;
	v11 =	vmov s17;
	[tilespmem:s30+$0x100] =	vst v7;
	v5 =	vmul.f32 v5, v1;
	v7 =	vld [tilespmem:s30+$0x180]  }
0x122: {  	v13 =	vmov s7;
	s7 =	sadd.s32 $0x34, s0;
	v12 =	vmov s16;
	s16 =	sadd.s32 $0x35, s0;
	v11 =	vand.u32 $0xFFFFFFFE, v11;
	s0 =	sadd.s32 $0x37, s0;
	[tilespmem:s30+$0x110] =	vst v6;
	v6 =	vld [tilespmem:s30+$0x190]  }
0x123: {  	v14 =	vmov s8;
	v15 =	vmov s7;
	v11 =	vbroadcast v11, $0x0;
	[tilespmem:s30+$0x120] =	vst v5;
	v5 =	vld [tilespmem:s30+$0x1A0]  }
0x124: {  	v10 =	vand.u32 $0xFFFFFFF8, v10;
	v12 =	vand.u32 $0xFFFFFFF9, v12;
	v16 =	vmov s16;
	v17 =	vld [tilespmem:s30+$0x1B0]  }
0x125: {  	v13 =	vand.u32 $0xFFFFFFFA, v13;
	v14 =	vand.u32 $0xFFFFFFFB, v14;
	v15 =	vand.u32 $0xFFFFFFFC, v15;
	v18 =	vld [tilespmem:s30+$0x1C0]  }
0x126: {  	v10 =	vbroadcast v10, $0x0;
	v12 =	vbroadcast v12, $0x0;
	v16 =	vand.u32 $0xFFFFFFFD, v16;
	v19 =	vld [tilespmem:s30+$0x1D0]  }
0x127: {  	v13 =	vbroadcast v13, $0x0;
	v14 =	vbroadcast v14, $0x0;
	v20 =	vmov s0;
	v21 =	vld [tilespmem:s30+$0x1E0]  }
0x128: {  	v15 =	vbroadcast v15, $0x0;
	v16 =	vbroadcast v16, $0x0;
	v22 =	vld [tilespmem:s30+$0x1F0]  }
0x129: {  	v4 =	vmul.f32 v4, v1;
	v3 =	vmul.f32 v3, v1;
	s30 =	sadd.s32 $0x400, s30;
	v11 =	vld.idx.msk [tilespmem:v11+s15+$0x0], $0xffff  }
0x12a: {  	v9 =	vmul.f32 v9, v1;
	v1 =	vmul.f32 v8, v1;
	v23 =	vld [tilespmem:s30+$0x170]  }
0x12b: {  	v6 =	vmul.f32 v6, v2;
	v8 =	vld [tilespmem:s30+$0xFFFFFE00];
	[tilespmem:s1+$0x130] =	vst v4;
	v4 =	vmul.f32 v7, v2  }
0x12c: {  	v17 =	vmul.f32 v17, v2;
	v7 =	vld.idx.msk [tilespmem:v10+s15+$0x0], $0xffff;
	[tilespmem:s1+$0x140] =	vst v3;
	v10 =	vmul.f32 v5, v2  }
0x12d: {  	v12 =	vld.idx.msk [tilespmem:v12+s15+$0x0], $0xffff;
	[tilespmem:s1+$0x150] =	vst v9;
	v9 =	vmul.f32 v18, v2;
	v18 =	vmul.f32 v19, v2  }
0x12e: {  	v19 =	vmul.f32 v21, v2;
	v21 =	vmul.f32 v22, v2;
	v13 =	vld.idx.msk [tilespmem:v13+s15+$0x0], $0xffff;
	[tilespmem:s1+$0x160] =	vst v1  }
0x12f: {  	v1 =	vmov v11;
	v5 =	vld.idx.msk [tilespmem:v14+s15+$0x0], $0xffff;
	v2 =	vmul.f32 v23, v11;
	[tilespmem:s1+$0x180] =	vst v4  }
0x130: {  	v4 =	vld.idx.msk [tilespmem:v15+s15+$0x0], $0xffff;
	[tilespmem:s1+$0x190] =	vst v6  }
0x131: {  	v3 =	vld.idx.msk [tilespmem:v16+s15+$0x0], $0xffff;
	[tilespmem:s30+$0x170] =	vst v2  }
0x132: {  	v6 =	vmul.f32 v8, v7;
	v2 =	vld.idx.msk [tilespmem:v20+s15+$0x0], $0xffff;
	[tilespmem:s1+$0x1A0] =	vst v10  }
0x133: {  	v8 =	vld [tilespmem:s30+$0xFFFFFE10];
	[tilespmem:s1+$0x1B0] =	vst v17  }
0x134: {  	[tilespmem:s30+$0xFFFFFE00] =	vst v6;
	v6 =	vld [tilespmem:s30+$0xFFFFFE20]  }
0x135: {  	v10 =	vld [tilespmem:s30+$0xFFFFFE30];
	[tilespmem:s1+$0x1C0] =	vst v9  }
0x136: {  	v9 =	vld [tilespmem:s30+$0xFFFFFE40];
	[tilespmem:s1+$0x1D0] =	vst v18  }
0x137: {  	v11 =	vld [tilespmem:s30+$0xFFFFFE50];
	[tilespmem:s1+$0x1E0] =	vst v19  }
0x138: {  	v8 =	vmul.f32 v8, v7;
	v14 =	vld [tilespmem:s30+$0xFFFFFE60];
	[tilespmem:s1+$0x1F0] =	vst v21;
	s1 =	smov.u32 s30  }
0x139: {  	v6 =	vmul.f32 v6, v7;
	v15 =	vld [tilespmem:s30+$0xFFFFFE70]  }
0x13a: {  	[tilespmem:s30+$0xFFFFFE10] =	vst v8;
	v8 =	vmul.f32 v10, v7;
	v10 =	vld [tilespmem:s30+$0xFFFFFE80]  }
0x13b: {  	[tilespmem:s30+$0xFFFFFE20] =	vst v6;
	v6 =	vmul.f32 v9, v7;
	v9 =	vld [tilespmem:s30+$0xFFFFFE90]  }
0x13c: {  	[tilespmem:s30+$0xFFFFFE30] =	vst v8;
	v8 =	vmul.f32 v11, v7;
	v11 =	vld [tilespmem:s30+$0xFFFFFEA0]  }
0x13d: {  	[tilespmem:s30+$0xFFFFFE40] =	vst v6;
	v6 =	vmul.f32 v14, v7;
	v14 =	vld [tilespmem:s30+$0xFFFFFEB0]  }
0x13e: {  	[tilespmem:s30+$0xFFFFFE50] =	vst v8;
	v7 =	vmul.f32 v15, v7;
	v8 =	vld [tilespmem:s30+$0xFFFFFEC0]  }
0x13f: {  	[tilespmem:s30+$0xFFFFFE60] =	vst v6;
	v6 =	vmul.f32 v10, v12;
	v10 =	vld [tilespmem:s30+$0xFFFFFED0]  }
0x140: {  	[tilespmem:s30+$0xFFFFFE70] =	vst v7;
	v7 =	vmul.f32 v9, v12;
	v9 =	vld [tilespmem:s30+$0xFFFFFEE0]  }
0x141: {  	[tilespmem:s30+$0xFFFFFE80] =	vst v6;
	v6 =	vmul.f32 v11, v12;
	v11 =	vld [tilespmem:s30+$0xFFFFFEF0]  }
0x142: {  	[tilespmem:s30+$0xFFFFFE90] =	vst v7;
	v7 =	vmul.f32 v14, v12;
	v14 =	vld [tilespmem:s30+$0xFFFFFF00]  }
0x143: {  	[tilespmem:s30+$0xFFFFFEA0] =	vst v6;
	v6 =	vmul.f32 v8, v12;
	v8 =	vld [tilespmem:s30+$0xFFFFFF10]  }
0x144: {  	[tilespmem:s30+$0xFFFFFEB0] =	vst v7;
	v7 =	vmul.f32 v10, v12;
	v10 =	vld [tilespmem:s30+$0xFFFFFF20]  }
0x145: {  	[tilespmem:s30+$0xFFFFFEC0] =	vst v6;
	v6 =	vmul.f32 v9, v12;
	v9 =	vld [tilespmem:s30+$0xFFFFFF30]  }
0x146: {  	[tilespmem:s30+$0xFFFFFED0] =	vst v7;
	v7 =	vmul.f32 v11, v12;
	v11 =	vld [tilespmem:s30+$0xFFFFFF40]  }
0x147: {  	[tilespmem:s30+$0xFFFFFEE0] =	vst v6;
	v6 =	vmul.f32 v14, v13;
	v12 =	vld [tilespmem:s30+$0xFFFFFF50]  }
0x148: {  	[tilespmem:s30+$0xFFFFFEF0] =	vst v7;
	v7 =	vmul.f32 v8, v13;
	v8 =	vld [tilespmem:s30+$0xFFFFFF60]  }
0x149: {  	[tilespmem:s30+$0xFFFFFF00] =	vst v6;
	v6 =	vmul.f32 v10, v13;
	v10 =	vld [tilespmem:s30+$0xFFFFFF70]  }
0x14a: {  	[tilespmem:s30+$0xFFFFFF10] =	vst v7;
	v7 =	vmul.f32 v9, v13;
	v9 =	vld [tilespmem:s30+$0xFFFFFF80]  }
0x14b: {  	[tilespmem:s30+$0xFFFFFF20] =	vst v6;
	v6 =	vmul.f32 v11, v13;
	v11 =	vld [tilespmem:s30+$0xFFFFFF90]  }
0x14c: {  	[tilespmem:s30+$0xFFFFFF30] =	vst v7;
	v7 =	vmul.f32 v12, v13;
	v12 =	vld [tilespmem:s30+$0xFFFFFFA0]  }
0x14d: {  	[tilespmem:s30+$0xFFFFFF40] =	vst v6;
	v6 =	vmul.f32 v8, v13;
	v8 =	vld [tilespmem:s30+$0xFFFFFFB0]  }
0x14e: {  	[tilespmem:s30+$0xFFFFFF50] =	vst v7;
	v7 =	vmul.f32 v10, v13;
	v10 =	vld [tilespmem:s30+$0xFFFFFFC0]  }
0x14f: {  	[tilespmem:s30+$0xFFFFFF60] =	vst v6;
	v6 =	vmul.f32 v9, v5;
	v9 =	vld [tilespmem:s30+$0xFFFFFFD0]  }
0x150: {  	[tilespmem:s30+$0xFFFFFF70] =	vst v7;
	v7 =	vmul.f32 v11, v5;
	v11 =	vld [tilespmem:s30+$0xFFFFFFE0]  }
0x151: {  	[tilespmem:s30+$0xFFFFFF80] =	vst v6;
	v6 =	vmul.f32 v12, v5;
	v12 =	vld [tilespmem:s30+$0xFFFFFFF0]  }
0x152: {  	[tilespmem:s30+$0xFFFFFF90] =	vst v7;
	v7 =	vmul.f32 v8, v5;
	v8 =	vld [tilespmem:s30+$0x0]  }
0x153: {  	[tilespmem:s30+$0xFFFFFFA0] =	vst v6;
	v6 =	vmul.f32 v10, v5;
	v10 =	vld [tilespmem:s30+$0x10]  }
0x154: {  	[tilespmem:s30+$0xFFFFFFB0] =	vst v7;
	v7 =	vmul.f32 v9, v5;
	v9 =	vld [tilespmem:s30+$0x20]  }
0x155: {  	[tilespmem:s30+$0xFFFFFFC0] =	vst v6;
	v6 =	vmul.f32 v11, v5;
	v11 =	vld [tilespmem:s30+$0x30]  }
0x156: {  	[tilespmem:s30+$0xFFFFFFD0] =	vst v7;
	v5 =	vmul.f32 v12, v5;
	v7 =	vld [tilespmem:s30+$0x40]  }
0x157: {  	[tilespmem:s30+$0xFFFFFFE0] =	vst v6;
	v6 =	vmul.f32 v8, v4;
	v8 =	vld [tilespmem:s30+$0x50]  }
0x158: {  	[tilespmem:s30+$0xFFFFFFF0] =	vst v5;
	v5 =	vmul.f32 v10, v4;
	v10 =	vld [tilespmem:s30+$0x60]  }
0x159: {  	[tilespmem:s30+$0x0] =	vst v6;
	v6 =	vmul.f32 v9, v4;
	v9 =	vld [tilespmem:s30+$0x70]  }
0x15a: {  	[tilespmem:s30+$0x10] =	vst v5;
	v5 =	vmul.f32 v11, v4;
	v11 =	vld [tilespmem:s30+$0x80]  }
0x15b: {  	[tilespmem:s30+$0x20] =	vst v6;
	v6 =	vmul.f32 v7, v4;
	v7 =	vld [tilespmem:s30+$0x90]  }
0x15c: {  	[tilespmem:s30+$0x30] =	vst v5;
	v5 =	vmul.f32 v8, v4;
	v8 =	vld [tilespmem:s30+$0xA0]  }
0x15d: {  	[tilespmem:s30+$0x40] =	vst v6;
	v6 =	vmul.f32 v10, v4;
	v10 =	vld [tilespmem:s30+$0xB0]  }
0x15e: {  	[tilespmem:s30+$0x50] =	vst v5;
	v4 =	vmul.f32 v9, v4;
	v5 =	vld [tilespmem:s30+$0xC0]  }
0x15f: {  	[tilespmem:s30+$0x60] =	vst v6;
	v6 =	vmul.f32 v11, v3;
	v9 =	vld [tilespmem:s30+$0xD0]  }
0x160: {  	[tilespmem:s30+$0x70] =	vst v4;
	v4 =	vmul.f32 v7, v3;
	v11 =	vld [tilespmem:s30+$0xE0]  }
0x161: {  	[tilespmem:s30+$0x80] =	vst v6;
	v6 =	vmul.f32 v8, v3;
	v8 =	vld [tilespmem:s30+$0xF0]  }
.Ltmp3:
0x162: {  	[tilespmem:s30+$0x90] =	vst v4;
	v4 =	vmul.f32 v10, v3;
	v7 =	vld [tilespmem:s30+$0x100];
	(pc) =	sbr.rel @p1 .LBB2_9-.Ltmp3, $4  }
0x163: {  	[tilespmem:s30+$0xA0] =	vst v6;
	v10 =	vmul.f32 v5, v3;
	v6 =	vld [tilespmem:s30+$0x110]  }
0x164: {  	[tilespmem:s30+$0xB0] =	vst v4;
	v12 =	vmul.f32 v9, v3;
	v5 =	vld [tilespmem:s30+$0x120]  }
0x165: {  	[tilespmem:s30+$0xC0] =	vst v10;
	v9 =	vmul.f32 v11, v3;
	v4 =	vld [tilespmem:s30+$0x130]  }
0x166: {  	[tilespmem:s30+$0xD0] =	vst v12;
	v8 =	vmul.f32 v8, v3;
	v3 =	vld [tilespmem:s30+$0x140]  }
0x167: {  	v10 =	vld [tilespmem:s30+$0x150];
	[tilespmem:s30+$0xE0] =	vst v9;
	v7 =	vmul.f32 v7, v1  }
0x168: {  	v56 =	vld [tilespmem:s30+$0x160];
	[tilespmem:s30+$0xF0] =	vst v8;
	v6 =	vmul.f32 v6, v1  }
0x169: {  	v57 =	vld [tilespmem:s30+$0x180];
	[tilespmem:s30+$0x100] =	vst v7;
	v5 =	vmul.f32 v5, v1  }
0x16a: {  	v58 =	vld [tilespmem:s30+$0x190];
	[tilespmem:s30+$0x110] =	vst v6;
	v4 =	vmul.f32 v4, v1  }
0x16b: {  	v60 =	vld [tilespmem:s30+$0x1B0];
	[tilespmem:s30+$0x120] =	vst v5;
	v3 =	vmul.f32 v3, v1  }
0x16c: {  	v59 =	vld [tilespmem:s30+$0x1A0];
	v10 =	vmul.f32 v10, v1;
	[tilespmem:s1+$0x130] =	vst v4  }
0x16d: {  	v11 =	vld [tilespmem:s30+$0x1C0];
	v1 =	vmul.f32 v56, v1;
	[tilespmem:s1+$0x140] =	vst v3  }
0x16e: {  	v61 =	vld [tilespmem:s30+$0x1D0];
	v8 =	vmul.f32 v57, v2;
	[tilespmem:s1+$0x150] =	vst v10  }
0x16f: {  	v7 =	vmul.f32 v58, v2;
	v3 =	vld [tilespmem:s30+$0x1E0];
	[tilespmem:s1+$0x160] =	vst v1  }
0x170: {  	v62 =	vld [tilespmem:s30+$0x1F0];
	v5 =	vmul.f32 v60, v2;
	[tilespmem:s1+$0x180] =	vst v8  }
0x171: {  	v1 =	vmul.f32 v59, v2;
	[tilespmem:s1+$0x190] =	vst v7  }
0x172: {  	v63 =	vmul.f32 v11, v2;
	[tilespmem:s1+$0x1B0] =	vst v5  }
0x173: {  	[tilespmem:s1+$0x1A0] =	vst v1;
	v1 =	vmul.f32 v61, v2  }
0x174: {  	s0 =	smul.u32 $0xA0, s31;
	[tilespmem:s1+$0x1C0] =	vst v63;
	v3 =	vmul.f32 v3, v2  }
0x175: {  	v2 =	vmul.f32 v62, v2;
	[tilespmem:s1+$0x1D0] =	vst v1  }
0x176: {  	p1 =	seq.s32 s28, $0x7C;
	s0 =	sshra.s32 s0, $0x2;
	[tilespmem:s1+$0x1E0] =	vst v3  }
.Ltmp4:
0x177: {  	s0 =	sadd.s32 $0x2780, s0;
	[tilespmem:s1+$0x1F0] =	vst v2;
	(pc) =	sbr.rel @p1 .LBB2_12-.Ltmp4, $4  }
0x178: {  	[spmem:s2] =	stream.indirect.scatter.add.f32 [tilespmem:s21], [sflag:$0x4], $0x80, s0, s19, $0xb8;
	[tilespmem:$0x1DF00] =	vst v63  }
0x179: {  	_ =	swait.ge [sflag:s24], $0x1400  }
0x17a: {  	[sflag:s24] =	ssyncset.done $0x0  }
0x17b: {  	[sflag:s24] =	ssyncadd.s32 $0xFFFFEC00  }
0x17c: {  	s0 =	sadd.s32 $0x50, s29  }
0x17d: {  	[tilespmem:s20], [sflag:$0x1] =	stream.indirect.gather [hbm4b:s4+s19], $0x80, s0, s19, $0xb8;
	[tilespmem:$0x1DF00] =	vst v63  }
.Ltmp5:
0x17e: {  	_ = 	snop;
	(pc) =	sbr.rel .LBB2_6-.Ltmp5, $4  }
0x17f: {  	_ =	swait.ge [sflag:s25], $0x1400  }
0x180: {  	s31 =	sadd.s32 $0x78, s29;
	[sflag:s25] =	ssyncset.done $0x0  }
0x181: {  	s28 =	sadd.s32 $0x1, s28;
	s26 =	sadd.s32 $0x50, s26;
	[sflag:s25] =	ssyncadd.s32 $0xFFFFEC00  }
0x182: {  	[tilespmem:s21], [sflag:$0x2] =	stream.indirect.gather [hbm4b:s4+s19], $0x80, s31, s19, $0xb8;
	[tilespmem:$0x1DF00] =	vst v63  }
.LBB2_12:
0x183: {  	_ =	swait.ge [sflag:s25], $0x1400  }
0x184: {  	s0 =	stileid.u32;
	[sflag:s25] =	ssyncset.done $0x0  }
0x185: {  	s7 =	sadd.s32 $0x0, s12;
	s0 =	sshll.u32 s0, $0x6;
	[sflag:s25] =	ssyncadd.s32 $0xFFFFEC00  }
0x186: {  	s31 =	sshrl.u32 s5, $0x3;
	s1 =	sor.u32 $0x1C05, s0;
	[bflag:$0x0] =	sbarrier.arrive $0xFFFF  }
0x187: {  	[hbm:s7], [sflag:s1] =	dma.local [spmem:s31], $0x100  }
0x188: {  	s18 =	simm.s32 $0x100;
	s26 =	sadd.s32 $0x800, s5;
	_ =	swait.ge [sflag:s14], $0x100  }
.LBB2_13:
0x189: {  	s0 =	sadd.s32 s18, s12;
	[sflag:s14] =	ssyncset.done $0x0;
	p1 =	sne.s32 s18, $0x2600  }
.Ltmp6:
0x18a: {  	s7 =	sshrl.u32 s26, $0x3;
	[sflag:s14] =	ssyncadd.s32 $0xFFFFFF00;
	(pc) =	sbr.rel @p1 .LBB2_13-.Ltmp6, $3  }
0x18b: {  	[hbm:s0], [sflag:s1] =	dma.local [spmem:s7], $0x100  }
0x18c: {  	s18 =	sadd.s32 $0x100, s18;
	_ =	sdelay $0x1  }
0x18d: {  	s26 =	sadd.s32 $0x800, s26;
	_ =	swait.ge [sflag:s14], $0x100  }
0x18e: {  	[sflag:s14] =	ssyncset.done $0x0;
	s0 =	sshrl.u32 @!p0 s6, $0x3;
	s3 =	sadd.s32 $0x1, s3  }
0x18f: {  	s1 =	simm.s32 @!p0 $0x1FC5;
	[sflag:s14] =	ssyncadd.s32 $0xFFFFFF00;
	p1 =	sne.s32 s3, s11  }
0x190: {  	[hbm:s10], [sflag:s1] =	dma.local @!p0 [spmem:s0], $0x100  }
.Ltmp7:
0x191: {  	_ = 	snop;
	(pc) =	sbr.rel @p1 .LBB2_1-.Ltmp7, $4  }
0x192: {  	s0 =	simm.s32 @!p0 $0x5  }
0x193: {  	_ =	swait.ge @!p0 [sflag:s0], $0x100  }
0x194: {  	[sflag:s0] =	ssyncset.done @!p0 $0x0  }
0x195: {  	[sflag:s0] =	ssyncadd.s32 @!p0 $0xFFFFFF00  }
0x196: {  	_ =	sfence.sel $0x180000  }
0x197: {  	[bflag:$0x0] =	sbarrier.arrive $0xFFFF  }
0x198: {  	_ =	strace $0x9000004A  }
0x199: {  	s0 =	stileid.u32;
	[bflag:$0x2] =	sbarrier.arrive $0xFFFF  }
0x19a: {  	p0 =	sne.s32 s0, $0x0;
	s0 =	rddreg [dreg:$0x4]  }
0x19b: {  	s0 =	sadd.s32 @!p0 $0x100000, s0  }
0x19c: {  	[sflag:s0] =	ssyncadd.tile.s32 @!p0 $0x1;
	_ =	shalt  }
.Lfunc_end2:
_tile_overlayer_lowered:
.L_overlay_start_2:
0x19d: {  	(tag) =	ssettag $0x2  }
0x19e: {  	s0 =	rddreg [dreg:$0x0];
	s2 =	stileid.u32  }
0x19f: {  	s1 =	rddreg [dreg:$0x1];
	p0 =	sne.s32 s2, $0x0  }
0x1a0: {  	s3 =	rddreg [dreg:$0x2];
	[bflag:$0x3] =	sbarrier.arrive $0xFFFF;
	s2 =	simm.s32 @!p0 $0x1C05  }
0x1a1: {  	[timem:s3], [sflag:s2] =	dma.local @!p0 [hbm:s0], s1  }
0x1a2: {  	s0 =	simm.s32 @!p0 $0x5  }
0x1a3: {  	_ =	swait.ge @!p0 [sflag:s0], s1  }
0x1a4: {  	s1 =	ssub.s32 @!p0 $0x0, s1;
	[sflag:s0] =	ssyncset.done @!p0 $0x0  }
0x1a5: {  	[sflag:s0] =	ssyncadd.s32 @!p0 s1  }
0x1a6: {  	[bflag:$0x3] =	sbarrier.arrive $0xFFFF  }
0x1a7: {  	_ =	shalt  }

// kernel: kernel.7.cloned.1.call-start
scs
__scs_entry_jumppad:
0x0: {  	(pc) =	sbr.rel $0x88, $3  }
0x1: {  	(tag) =	ssettag $0x0;
	lr =	simm.s32 $0x1  }
0x2: {  	[smem:$0x3F9A] =	sst lr;
	_ =	strace $0xD0000000  }
0x3: {  	_ = 	snop  }
0x4: {  	_ = 	snop  }
0x5: {  	_ = 	snop  }
0x6: {  	_ = 	snop  }
0x7: {  	_ = 	snop  }
__scs_overlays_trampoline_lowered:
0x8: {  	[smem:$0x3FA9] =	sst s0  }
0x9: {  	[smem:$0x3FAA] =	sst s1  }
0xa: {  	[smem:$0x3FAB] =	sst s2  }
0xb: {  	[smem:$0x3FAC] =	sst s3  }
0xc: {  	[smem:$0x3FAD] =	sst s4  }
0xd: {  	[smem:$0x3FAE] =	sst s5  }
0xe: {  	[smem:$0x3FAF] =	sst s6  }
0xf: {  	[smem:$0x3FB0] =	sst s7  }
0x10: {  	[smem:$0x3FB1] =	sst s8  }
0x11: {  	[smem:$0x3FB2] =	sst s9;
	s0 =	simm.s32 @!p0 $0x0  }
0x12: {  	s1 =	sld [smem:$0x3F98];
	s0 =	simm.s32 @p0 $0x1  }
0x13: {  	[smem:$0x3FB3] =	sst s0;
	s0 =	simm.s32 @!p1 $0x0  }
0x14: {  	s2 =	sld [smem:$0x3F97];
	s0 =	simm.s32 @p1 $0x1  }
0x15: {  	[smem:$0x3FB4] =	sst s0;
	s0 =	simm.s32 @!p2 $0x0  }
0x16: {  	s3 =	sld [smem:$0x3FDB];
	s0 =	simm.s32 @p2 $0x1  }
0x17: {  	s4 =	simm.s32 $0x1BF5;
	[smem:$0x3FB6] =	sst s0  }
0x18: {  	s0 =	sld [smem:$0x3F99];
	_ =	swait.ge [sflag:s4], $0x0  }
0x19: {  	s7 =	sld [smem:$0x3F9A]  }
0x1a: {  	s8 =	sadd.s32 $0xFFFFE003, lr  }
0x1b: {  	s9 =	sadd.s32 $0xFFFFFEF7, lr;
	s5 =	simm.s32 $0xFFFFFFFF;
	p2 =	slt.u32 s8, $0xFFFFF086  }
0x1c: {  	p1 =	slt.u32 s9, $0xF7A;
	s5 =	simm.s32 @!p2 $0x0  }
0x1d: {  	s5 =	simm.s32 @p1 $0x1;
	p0 =	seq.s32 s7, s2  }
0x1e: {  	s7 =	smul.u32 @!p0 $0xF7A, s2;
	p2 =	seq.s32 @!p0 s5, $0x0  }
0x1f: {  	s9 =	smul.u32 $0xF7A, s1;
	s8 =	simm.s32 @!p0 $0x1BF5;
	p2 =	por !p2, p0  }
0x20: {  	[sflag:s8] =	ssyncset.s32 @!p0 $0xFFFFF086;
	s6 =	sadd.s32 @!p0 s3, s7;
	s7 =	simm.s32 @!p0 $0x108  }
0x21: {  	s3 =	sadd.s32 s3, s9;
	s6 =	sadd.s32 @!p0 $0x88, s6;
	s7 =	simm.s32 @p2 $0x1082  }
0x22: {  	[simem:s7], [sflag:s8] =	dma.local @!p0 [hbm:s6], $0xF7A  }
0x23: {  	s9 =	sor.u32 $0xD0000000, s2;
	s6 =	simm.s32 $0x108;
	_ =	swait.ge @!p0 [sflag:s8], $0x0  }
0x24: {  	s3 =	sadd.s32 $0x88, s3;
	s6 =	simm.s32 @!p1 $0x1082;
	[sflag:s4] =	ssyncset.s32 $0xFFFFF086  }
0x25: {  	[simem:s6], [sflag:s4] =	dma.local [hbm:s3], $0xF7A  }
0x26: {  	[smem:$0x3F9A] =	sst s1;
	(tag) =	ssettag s2;
	_ =	strace s9  }
0x27: {  	s1 =	sld [smem:$0x3FAA]  }
0x28: {  	s2 =	sld [smem:$0x3FAB]  }
0x29: {  	s4 =	sld [smem:$0x3FAD]  }
0x2a: {  	p0 =	seq.s32 s5, $0x0;
	s5 =	sld [smem:$0x3FAE]  }
0x2b: {  	s6 =	sld [smem:$0x3FAF]  }
0x2c: {  	s7 =	sld [smem:$0x3FB0]  }
0x2d: {  	s3 =	simm.s32 $0x108;
	s8 =	sld [smem:$0x3FB1]  }
0x2e: {  	s3 =	simm.s32 @!p0 $0x1082;
	s9 =	sld [smem:$0x3FB2]  }
0x2f: {  	lr =	sadd.s32 s0, s3;
	s0 =	sld [smem:$0x3FA9]  }
0x30: {  	s3 =	sld [smem:$0x3FAC]  }
0x31: {  	[smem:$0x3FB5] =	sst s10  }
0x32: {  	s10 =	sld [smem:$0x3FB3];
	_ =	sdelay $0x3  }
0x33: {  	p0 =	seq.s32 s10, $0x1;
	s10 =	sld [smem:$0x3FB5];
	_ =	sdelay $0x3  }
0x34: {  	[smem:$0x3FB5] =	sst s10  }
0x35: {  	s10 =	sld [smem:$0x3FB4];
	_ =	sdelay $0x3  }
0x36: {  	p1 =	seq.s32 s10, $0x1;
	s10 =	sld [smem:$0x3FB5];
	_ =	sdelay $0x3  }
0x37: {  	[smem:$0x3FB5] =	sst s10  }
0x38: {  	s10 =	sld [smem:$0x3FB6]  }
0x39: {  	_ = 	snop;
	(pc) =	sbr.ind lr, $3  }
0x3a: {  	_ = 	snop  }
0x3b: {  	_ = 	snop  }
0x3c: {  	p2 =	seq.s32 s10, $0x1;
	s10 =	sld [smem:$0x3FB5]  }
0x3d: {  	_ =	shalt  }
0x3e: {  	_ =	shalt  }
0x3f: {  	_ =	shalt  }
0x40: {  	_ =	shalt  }
0x41: {  	_ =	shalt  }
0x42: {  	_ =	shalt  }
0x43: {  	_ =	shalt  }
0x44: {  	_ =	shalt  }
0x45: {  	_ =	shalt  }
0x46: {  	_ =	shalt  }
0x47: {  	_ =	shalt  }
0x48: {  	_ =	shalt  }
0x49: {  	_ =	shalt  }
0x4a: {  	_ =	shalt  }
0x4b: {  	_ =	shalt  }
0x4c: {  	_ =	shalt  }
0x4d: {  	_ =	shalt  }
0x4e: {  	_ =	shalt  }
0x4f: {  	_ =	shalt  }
0x50: {  	_ =	shalt  }
0x51: {  	_ =	shalt  }
0x52: {  	_ =	shalt  }
0x53: {  	_ =	shalt  }
0x54: {  	_ =	shalt  }
0x55: {  	_ =	shalt  }
0x56: {  	_ =	shalt  }
0x57: {  	_ =	shalt  }
0x58: {  	_ =	shalt  }
0x59: {  	_ =	shalt  }
0x5a: {  	_ =	shalt  }
0x5b: {  	_ =	shalt  }
0x5c: {  	_ =	shalt  }
0x5d: {  	_ =	shalt  }
0x5e: {  	_ =	shalt  }
0x5f: {  	_ =	shalt  }
0x60: {  	_ =	shalt  }
0x61: {  	_ =	shalt  }
0x62: {  	_ =	shalt  }
0x63: {  	_ =	shalt  }
0x64: {  	_ =	shalt  }
0x65: {  	_ =	shalt  }
0x66: {  	_ =	shalt  }
0x67: {  	_ =	shalt  }
0x68: {  	_ =	shalt  }
0x69: {  	_ =	shalt  }
0x6a: {  	_ =	shalt  }
0x6b: {  	_ =	shalt  }
0x6c: {  	_ =	shalt  }
0x6d: {  	_ =	shalt  }
0x6e: {  	_ =	shalt  }
0x6f: {  	_ =	shalt  }
0x70: {  	_ =	shalt  }
0x71: {  	_ =	shalt  }
0x72: {  	_ =	shalt  }
0x73: {  	_ =	shalt  }
0x74: {  	_ =	shalt  }
0x75: {  	_ =	shalt  }
0x76: {  	_ =	shalt  }
0x77: {  	_ =	shalt  }
0x78: {  	_ =	shalt  }
0x79: {  	_ =	shalt  }
0x7a: {  	_ =	shalt  }
0x7b: {  	_ =	shalt  }
0x7c: {  	_ =	shalt  }
0x7d: {  	_ =	shalt  }
0x7e: {  	_ =	shalt  }
0x7f: {  	_ =	shalt  }
0x80: {  	_ =	shalt  }
0x81: {  	_ =	shalt  }
0x82: {  	_ =	shalt  }
0x83: {  	_ =	shalt  }
0x84: {  	_ =	shalt  }
0x85: {  	_ =	shalt  }
0x86: {  	_ =	shalt  }
0x87: {  	_ =	shalt  }
.Lfunc_end0:
.L_simem_size_0:
called_computation_lowered:
.L_overlay_start_0:
0x88: {  	s2 =	sld [smem:$0x3FD9]  }
0x89: {  	s3 =	sld [smem:$0x3FFE];
	_ =	sdelay $0x1  }
0x8a: {  	s1 =	srdreg.scid  }
0x8b: {  	s0 =	sand.u32 $0x1, s1  }
0x8c: {  	s17 =	sshll.u32 s0, $0xA;
	s2 =	sadd.s32 s3, s2  }
0x8d: {  	s2 =	sadd.s32 s2, s17  }
0x8e: {  	[smem:$0x3FC1] =	sst s2  }
0x8f: {  	_ = 	snop  }
0x90: {  	s2 =	sld [smem:$0x3FC7]  }
0x91: {  	s18 =	sld [smem:$0x3FD0];
	(tm) =	ssettm $0x1  }
0x92: {  	s4 =	sld [smem:$0x3FFB];
	_ =	sdelay $0x3  }
0x93: {  	_ =	strace s4  }
0x94: {  	s4 =	sld [smem:$0x3FFC];
	_ =	sdelay $0x3  }
0x95: {  	_ =	strace s4  }
0x96: {  	s4 =	sld [smem:$0x3FFD];
	_ =	sdelay $0x3  }
0x97: {  	_ =	strace s4  }
0x98: {  	_ =	strace $0x8FFFFFFF  }
0x99: {  	s19 =	sld [smem:$0x3FDB];
	_ =	sdelay $0x1  }
0x9a: {  	s5 =	simm.s32 $_scs_section_size  }
0x9b: {  	s6 =	simm.s32 $_size__tile_overlayer_lowered;
	s7 =	simm.s32 $_tile_overlayer_lowered  }
0x9c: {  	s22 =	simm.s32 $0x1BFF;
	s21 =	sshll.u32 s7, $0x1;
	s4 =	sadd.s32 s5, s19  }
0x9d: {  	s8 =	simm.s32 $0x0;
	s20 =	sshll.u32 s6, $0x1;
	s6 =	sadd.s32 s21, s4  }
0x9e: {  	[timem:s8], [sflag:s22] =	dma.local [hbm:s6], s20  }
0x9f: {  	_ =	swait.ge [sflag:s22], s20  }
0xa0: {  	s5 =	ssub.s32 $0x0, s20;
	[sflag:s22] =	ssyncset.done $0x0  }
0xa1: {  	[sflag:s22] =	ssyncadd.s32 s5;
	_ =	sdelay $0x1  }
0xa2: {  	s23 =	simm.s32 $0x1B8B  }
0xa3: {  	_ =	swait.ge [sflag:s23], $0x1  }
0xa4: {  	[sflag:s23] =	ssyncset.done $0x0  }
0xa5: {  	s25 =	simm.s32 $0x1B8E;
	s24 =	sld [smem:$0x3FFE];
	[sflag:s23] =	ssyncadd.s32 $0xFFFFFFFF  }
0xa6: {  	s26 =	simm.s32 $execute0_lowered;
	[smem:$0x3FD2] =	sst s25  }
0xa7: {  	s6 =	sshll.u32 s26, $0x1;
	_ =	strace $0x80000046;
	[dreg:$0x1] =	wrdreg $0xFFFFFFFF  }
0xa8: {  	s28 =	simm.s32 $_size_execute0_lowered;
	s4 =	sadd.s32 s4, s6;
	[dreg:$0x0] =	wrdreg $0x0  }
0xa9: {  	s6 =	sshll.u32 s28, $0x1;
	[dreg:$0x2] =	wrdreg s4  }
0xaa: {  	[dreg:$0x3] =	wrdreg s6  }
0xab: {  	[dreg:$0x4] =	wrdreg $0xC0  }
0xac: {  	_ =	task [dreg:s8], $0x5FFFF  }
0xad: {  	[dreg:$0x1] =	wrdreg $0xFFFFFFFF  }
0xae: {  	[dreg:$0x0] =	wrdreg $0x60  }
0xaf: {  	[dreg:$0x2] =	wrdreg s24  }
0xb0: {  	[dreg:$0x3] =	wrdreg s2  }
0xb1: {  	[dreg:$0x4] =	wrdreg s18  }
0xb2: {  	[dreg:$0x5] =	wrdreg $0xA6800  }
0xb3: {  	[dreg:$0x6] =	wrdreg $0x9  }
0xb4: {  	_ =	task.clear_ibuf [dreg:s8], $0x7FFFF;
	_ =	strace $0x90000046  }
0xb5: {  	s29 =	simm.s32 $0x9;
	_ =	strace $0x80000048  }
0xb6: {  	_ =	swait.ge [sflag:s29], $0x1  }
0xb7: {  	[sflag:s29] =	ssyncadd.s32 $0xFFFFFFFF  }
0xb8: {  	_ =	strace $0x90000048  }
0xb9: {  	_ =	sfence  }
0xba: {  	s30 =	sld [smem:$0x0];
	_ =	sdelay $0x2  }
0xbb: {  	s31 =	sshll.u32 s1, $0xD;
	s1 =	sshrl.u32 s1, $0x2  }
0xbc: {  	s3 =	sand.u32 $0x4000, s31;
	s1 =	sadd.s32 s1, s30  }
0xbd: {  	s0 =	sor.u32 s3, s0;
	s1 =	sshll.u32 s1, $0x11  }
0xbe: {  	s0 =	sor.u32 s1, s0  }
0xbf: {  	s0 =	sadd.s32 $0x8F2B, s0  }
0xc0: {  	[sflag:s0] =	ssyncadd.remote.s32 $0x1  }
0xc1: {  	_ =	sfence.sel $0xFFFF  }
0xc2: {  	[dreg:$0x0] =	wrdreg $0xFFFFFFFF;
	(pc) =	sbr.abs _section_cstart, $3  }
0xc3: {  	[dreg:$0x1] =	wrdreg $0xFFFFFFFF  }
0xc4: {  	_ =	task.clear_ibuf [dreg:s8], $0x2FFFF;
	_ =	strace $0x9FFFFFFF  }
0xc5: {  	(tm) =	ssettm $0x7FFFFFFF  }
tec
execute0_lowered:
.L_overlay_start_1:
0x0: {  	(tag) =	ssettag $0x1  }
0x1: {  	s1 =	rddreg [dreg:$0x0]  }
0x2: {  	s0 =	srdreg.scid;
	s7 =	rddreg [dreg:$0x1]  }
0x3: {  	s12 =	rddreg [dreg:$0x2];
	s21 =	stileid.u32  }
0x4: {  	s2 =	rddreg [dreg:$0x3];
	s15 =	simm.s32 $0x4F00;
	s19 =	simm.s32 $0x28  }
0x5: {  	s20 =	simm.s32 $0x7680;
	s5 =	sand.u32 $0x1, s0;
	s10 =	smul.u32 $0x4E000, s21  }
0x6: {  	s22 =	sshll.u32 s21, $0x7;
	s14 =	smul.u32 $0x13800, s21;
	p0 =	sne.s32 s21, $0xF  }
0x7: {  	s3 =	sshll.u32 s5, $0x4;
	s9 =	sand.u32 $0x380, s22;
	s23 =	ssub.s32 $0x2, s5  }
0x8: {  	s26 =	smul.u32 $0x138800, s5;
	s22 =	simm.s32 $0x1;
	s6 =	sor.u32 s21, s3  }
0x9: {  	s3 =	simm.s32 $0x0;
	s24 =	sshrl.u32 s23, $0x1;
	s25 =	sshrl.u32 s10, $0x2  }
0xa: {  	s21 =	simm.s32 $0x8A80;
	s4 =	sshrl.u32 s6, $0x3;
	[smem:$0x7FF] =	sst s3  }
0xb: {  	s11 =	smul.u32 $0x4E2, s6;
	s13 =	ssub.s32 s23, s24;
	s5 =	sadd.s32 s25, s2  }
0xc: {  	s6 =	sadd.s32 $0x138000, s2;
	s29 =	sshrl.u32 s26, $0x3;
	s14 =	sadd.s32 s14, s26  }
0xd: {  	s23 =	simm.s32 $0x2;
	s24 =	simm.s32 $0x3;
	s8 =	smul.u32 $0x13C00, s4  }
0xe: {  	s25 =	simm.s32 $0x4;
	_ =	strace $0x80000047;
	s4 =	sadd.s32 $0x15000, s1  }
0xf: {  	s30 =	sadd.s32 s12, s29;
	s31 =	sshrl.u32 s14, $0x3;
	s8 =	sor.u32 s9, s8  }
0x10: {  	s14 =	simm.s32 $0x5;
	s7 =	sadd.s32 s7, s11;
	s8 =	sshrl.u32 s8, $0x3  }
0x11: {  	s10 =	sadd.s32 $0x27000, s30;
	s11 =	smax.u32 s13, $0x1;
	s1 =	sadd.s32 s8, s1  }
0x12: {  	s12 =	sadd.s32 s31, s12;
	[dreg:$0x5] =	wrdreg s7;
	s28 =	sadd.s32 $0xB200, s1  }
0x13: {  	v0 =	vimm.f32 $0.0e+00;
	s13 =	simm.s32 $0x9E80;
	s9 =	sadd.s32 $0x1400, s1;
	[dreg:$0x6] =	wrdreg s28  }
.LBB2_1:
0x14: {  	s1 =	simm.s32 $0x0;
	s18 =	simm.s32 $0x200  }
.LBB2_2:
0x15: {  	p1 =	sne.s32 s18, $0x1E00;
	[tilespmem:s1+$0x9EF0] =	vst v0  }
0x16: {  	[tilespmem:s1+$0x9E80] =	vst v0  }
0x17: {  	[tilespmem:s1+$0x9E90] =	vst v0  }
.Ltmp0:
0x18: {  	[tilespmem:s1+$0x9EA0] =	vst v0;
	(pc) =	sbr.rel @p1 .LBB2_2-.Ltmp0, $4  }
0x19: {  	[tilespmem:s1+$0x9EB0] =	vst v0  }
0x1a: {  	[tilespmem:s1+$0x9EC0] =	vst v0  }
0x1b: {  	[tilespmem:s1+$0x9ED0] =	vst v0  }
0x1c: {  	[tilespmem:s1+$0x9EE0] =	vst v0;
	s1 =	sshra.s32 s18, $0x2;
	s18 =	sadd.s32 $0x200, s18  }
0x1d: {  	[tilespmem:s1+$0x9EF0] =	vst v0  }
0x1e: {  	[tilespmem:s1+$0x9E80] =	vst v0  }
0x1f: {  	[tilespmem:s1+$0x9E90] =	vst v0  }
0x20: {  	[tilespmem:s1+$0x9EA0] =	vst v0  }
0x21: {  	[tilespmem:s1+$0x9EB0] =	vst v0  }
0x22: {  	[tilespmem:s1+$0x9EC0] =	vst v0  }
0x23: {  	[tilespmem:s1+$0x9ED0] =	vst v0  }
0x24: {  	[tilespmem:s1+$0x9EE0] =	vst v0;
	s31 =	sadd.s32 $0x0, s5  }
0x25: {  	[spmem:s31] =	stream.linear.scatter [tilespmem:s13], [sflag:$0x5], $0x800, $0x38;
	[tilespmem:$0x1DF00] =	vst v63  }
0x26: {  	s1 =	simm.s32 $0x2000;
	_ =	swait.ge [sflag:s14], $0x800  }
.LBB2_4:
0x27: {  	s18 =	sshra.s32 s1, $0x2;
	[sflag:s14] =	ssyncset.done $0x0;
	p1 =	sne.s32 s1, $0x4C000  }
.Ltmp1:
0x28: {  	s18 =	sadd.s32 s18, s5;
	[sflag:s14] =	ssyncadd.s32 $0xFFFFF800;
	(pc) =	sbr.rel @p1 .LBB2_4-.Ltmp1, $3  }
0x29: {  	[spmem:s18] =	stream.linear.scatter [tilespmem:s13], [sflag:$0x5], $0x800, $0x38;
	[tilespmem:$0x1DF00] =	vst v63  }
0x2a: {  	s1 =	sadd.s32 $0x2000, s1;
	_ =	sdelay $0x1  }
0x2b: {  	_ =	swait.ge [sflag:s14], $0x800  }
0x2c: {  	[sflag:s14] =	ssyncset.done $0x0  }
0x2d: {  	s1 =	simm.s32 @!p0 $0x9E80;
	[sflag:s14] =	ssyncadd.s32 $0xFFFFF800  }
0x2e: {  	[spmem:s6] =	stream.linear.scatter @!p0 [tilespmem:s1], [sflag:$0x5], $0x800, $0x38;
	[tilespmem:$0x1DF00] =	vst v63  }
0x2f: {  	s1 =	simm.s32 @!p0 $0x5  }
0x30: {  	_ =	swait.ge @!p0 [sflag:s1], $0x800  }
0x31: {  	[sflag:s1] =	ssyncset.done @!p0 $0x0  }
0x32: {  	s26 =	simm.s32 $0x0;
	s0 =	rddreg [dreg:$0x5];
	[sflag:s1] =	ssyncadd.s32 @!p0 $0xFFFFF800  }
0x33: {  	[tilespmem:s15], [sflag:$0x5] =	stream.linear.gather [hbm4b:s0+s26], $0x2710, $0x38;
	[tilespmem:$0x1DF00] =	vst v63  }
0x34: {  	_ =	swait.ge [sflag:s14], $0x2710  }
0x35: {  	s30 =	simm.s32 $0x80;
	[sflag:s14] =	ssyncset.done $0x0  }
0x36: {  	s7 =	simm.s32 $0x400;
	s29 =	rddreg [dreg:$0x6];
	[sflag:s14] =	ssyncadd.s32 $0xFFFFD8F0  }
0x37: {  	[tilespmem:s26], [sflag:$0x5] =	stream.strided.gather [hbm4b:s29+s30], $0x2780, s7, s30, $0x38;
	[tilespmem:$0x1DF00] =	vst v63  }
0x38: {  	_ =	swait.ge [sflag:s14], $0x2780  }
0x39: {  	[sflag:s14] =	ssyncset.done $0x0  }
0x3a: {  	s31 =	simm.s32 $0x2780;
	[sflag:s14] =	ssyncadd.s32 $0xFFFFD880  }
0x3b: {  	[tilespmem:s31], [sflag:$0x5] =	stream.strided.gather [hbm4b:s9+s30], $0x2780, s7, s30, $0x38;
	[tilespmem:$0x1DF00] =	vst v63  }
0x3c: {  	_ =	swait.ge [sflag:s14], $0x2780  }
0x3d: {  	[sflag:s14] =	ssyncset.done $0x0  }
0x3e: {  	[sflag:s14] =	ssyncadd.s32 $0xFFFFD880  }
0x3f: {  	[bflag:$0x0] =	sbarrier.arrive $0xFFFF  }
0x40: {  	[tilespmem:s20], [sflag:$0x1] =	stream.indirect.gather [hbm4b:s4+s19], $0x80, s26, s19, $0xb8;
	[tilespmem:$0x1DF00] =	vst v63  }
0x41: {  	s28 =	simm.s32 $0x0  }
0x42: {  	[tilespmem:s21], [sflag:$0x2] =	stream.indirect.gather [hbm4b:s4+s19], $0x80, s19, s19, $0xb8;
	[tilespmem:$0x1DF00] =	vst v63  }
.LBB2_6:
0x43: {  	s1 =	sadd.s32 $0xFFFFFFF8, s26;
	_ =	swait.ge [sflag:s22], $0x1400  }
0x44: {  	s18 =	sadd.s32 $0x8, s1;
	[sflag:s22] =	ssyncset.done $0x0  }
0x45: {  	s29 =	simm.s32 $0x7880;
	s0 =	sadd.s32 $0xE, s1;
	v1 =	vmov s18;
	[sflag:s22] =	ssyncadd.s32 $0xFFFFEC00  }
0x46: {  	v2 =	vmov s0;
	v1 =	vand.u32 $0xFFFFFFF8, v1;
	v4 =	vld [tilespmem:s29+$0xFFFFFE00]  }
0x47: {  	v2 =	vand.u32 $0xFFFFFFFE, v2;
	v6 =	vld [tilespmem:s29+$0xFFFFFE10];
	v1 =	vbroadcast v1, $0x0  }
0x48: {  	v7 =	vld [tilespmem:s29+$0xFFFFFE30];
	v2 =	vbroadcast v2, $0x0  }
0x49: {  	v8 =	vld [tilespmem:s29+$0xFFFFFE40]  }
0x4a: {  	v9 =	vld [tilespmem:s29+$0xFFFFFE50]  }
0x4b: {  	s7 =	sadd.s32 $0x9, s1;
	v10 =	vld [tilespmem:s29+$0xFFFFFE60]  }
0x4c: {  	v3 =	vmov s7;
	v12 =	vld [tilespmem:s29+$0xFFFFFE70]  }
0x4d: {  	v3 =	vand.u32 $0xFFFFFFF9, v3;
	v5 =	vld.idx.msk [tilespmem:v1+s15+$0x0], $0xffff  }
0x4e: {  	v3 =	vbroadcast v3, $0x0;
	v1 =	vld.idx.msk [tilespmem:v2+s15+$0x0], $0xffff  }
0x4f: {  	v2 =	vld [tilespmem:s29+$0x170]  }
0x50: {  	v13 =	vld [tilespmem:s29+$0xFFFFFE80]  }
0x51: {  	v14 =	vld [tilespmem:s29+$0xFFFFFE90]  }
0x52: {  	s8 =	sadd.s32 $0xA, s1;
	v15 =	vld [tilespmem:s29+$0xFFFFFEA0]  }
0x53: {  	v11 =	vmov s8;
	v16 =	vld [tilespmem:s29+$0xFFFFFEB0];
	v4 =	vmul.f32 v4, v5  }
0x54: {  	v11 =	vand.u32 $0xFFFFFFFA, v11;
	v3 =	vld.idx.msk [tilespmem:v3+s15+$0x0], $0xffff;
	v2 =	vmul.f32 v2, v1  }
0x55: {  	v51 =	vld [tilespmem:s29+$0xFFFFFED0];
	v11 =	vbroadcast v11, $0x0;
	v8 =	vmul.f32 v8, v5;
	[tilespmem:s29+$0xFFFFFE00] =	vst v4  }
0x56: {  	v52 =	vld [tilespmem:s29+$0xFFFFFF20];
	v6 =	vmul.f32 v6, v5;
	[tilespmem:s29+$0x170] =	vst v2  }
0x57: {  	v4 =	vld [tilespmem:s29+$0xFFFFFE20];
	[tilespmem:s29+$0xFFFFFE40] =	vst v8;
	v8 =	vmul.f32 v10, v5  }
0x58: {  	v53 =	vld [tilespmem:s29+$0xFFFFFF30];
	v7 =	vmul.f32 v7, v5;
	[tilespmem:s29+$0xFFFFFE10] =	vst v6  }
0x59: {  	v54 =	vld [tilespmem:s29+$0xFFFFFF40];
	[tilespmem:s29+$0xFFFFFE60] =	vst v8;
	v8 =	vmul.f32 v14, v3  }
0x5a: {  	v55 =	vld [tilespmem:s29+$0xFFFFFFA0];
	v6 =	vmul.f32 v13, v3;
	[tilespmem:s29+$0xFFFFFE30] =	vst v7  }
0x5b: {  	s16 =	sadd.s32 $0xB, s1;
	v11 =	vld.idx.msk [tilespmem:v11+s15+$0x0], $0xffff;
	[tilespmem:s29+$0xFFFFFE90] =	vst v8;
	v8 =	vmul.f32 v16, v3  }
0x5c: {  	v10 =	vld [tilespmem:s29+$0xFFFFFF00];
	[tilespmem:s29+$0xFFFFFE80] =	vst v6;
	v6 =	vmov s16;
	v2 =	vmul.f32 v4, v5  }
0x5d: {  	v7 =	vmul.f32 v9, v5;
	v6 =	vand.u32 $0xFFFFFFFB, v6;
	v4 =	vld [tilespmem:s29+$0xFFFFFEC0];
	v5 =	vmul.f32 v12, v5;
	[tilespmem:s29+$0xFFFFFEB0] =	vst v8  }
0x5e: {  	v6 =	vbroadcast v6, $0x0;
	v8 =	vld [tilespmem:s29+$0xFFFFFF60];
	[tilespmem:s29+$0xFFFFFE20] =	vst v2  }
0x5f: {  	v2 =	vld [tilespmem:s29+$0xFFFFFEE0];
	[tilespmem:s29+$0xFFFFFE70] =	vst v5;
	v5 =	vmul.f32 v15, v3  }
0x60: {  	v9 =	vld [tilespmem:s29+$0xFFFFFEF0];
	v13 =	vmul.f32 v51, v3;
	[tilespmem:s29+$0xFFFFFE50] =	vst v7  }
0x61: {  	v7 =	vld [tilespmem:s29+$0xFFFFFF10];
	[tilespmem:s29+$0xFFFFFEA0] =	vst v5;
	v5 =	vmul.f32 v10, v11  }
0x62: {  	v56 =	vld [tilespmem:s29+$0xFFFFFFB0];
	[tilespmem:s29+$0xFFFFFED0] =	vst v13;
	v4 =	vmul.f32 v4, v3  }
0x63: {  	v10 =	vld [tilespmem:s29+$0xFFFFFF50];
	[tilespmem:s29+$0xFFFFFF00] =	vst v5;
	v8 =	vmul.f32 v8, v11  }
0x64: {  	s17 =	sadd.s32 $0xC, s1;
	v6 =	vld.idx.msk [tilespmem:v6+s15+$0x0], $0xffff;
	[tilespmem:s29+$0xFFFFFEC0] =	vst v4;
	v2 =	vmul.f32 v2, v3  }
0x65: {  	v5 =	vmov s17;
	v4 =	vld [tilespmem:s29+$0xFFFFFF70];
	v3 =	vmul.f32 v9, v3;
	[tilespmem:s29+$0xFFFFFF60] =	vst v8  }
0x66: {  	v5 =	vand.u32 $0xFFFFFFFC, v5;
	v9 =	vld [tilespmem:s29+$0xFFFFFF80];
	[tilespmem:s29+$0xFFFFFEE0] =	vst v2;
	v2 =	vmul.f32 v7, v11  }
0x67: {  	v57 =	vld [tilespmem:s29+$0xFFFFFFC0];
	v5 =	vbroadcast v5, $0x0;
	[tilespmem:s29+$0xFFFFFEF0] =	vst v3;
	v3 =	vmul.f32 v52, v11  }
0x68: {  	v7 =	vld [tilespmem:s29+$0xFFFFFF90];
	v10 =	vmul.f32 v10, v11;
	[tilespmem:s29+$0xFFFFFF10] =	vst v2  }
0x69: {  	v58 =	vld [tilespmem:s29+$0x20];
	v2 =	vmul.f32 v53, v11;
	[tilespmem:s29+$0xFFFFFF20] =	vst v3  }
0x6a: {  	v8 =	vld [tilespmem:s29+$0x0];
	v3 =	vmul.f32 v54, v11;
	[tilespmem:s29+$0xFFFFFF50] =	vst v10  }
0x6b: {  	v4 =	vmul.f32 v4, v11;
	v11 =	vld [tilespmem:s29+$0x10];
	[tilespmem:s29+$0xFFFFFF30] =	vst v2;
	v2 =	vmul.f32 v9, v6  }
0x6c: {  	s31 =	sadd.s32 $0xD, s1;
	[tilespmem:s29+$0xFFFFFF40] =	vst v3;
	v3 =	vld [tilespmem:s29+$0xFFFFFFE0]  }
0x6d: {  	v5 =	vld.idx.msk [tilespmem:v5+s15+$0x0], $0xffff;
	v7 =	vmul.f32 v7, v6;
	[tilespmem:s29+$0xFFFFFF80] =	vst v2;
	v2 =	vmov s31  }
0x6e: {  	v9 =	vld [tilespmem:s29+$0xFFFFFFD0];
	[tilespmem:s29+$0xFFFFFF70] =	vst v4;
	v4 =	vmul.f32 v55, v6;
	v2 =	vand.u32 $0xFFFFFFFD, v2  }
0x6f: {  	v59 =	vld [tilespmem:s29+$0x30];
	[tilespmem:s29+$0xFFFFFF90] =	vst v7;
	v7 =	vmul.f32 v56, v6;
	v2 =	vbroadcast v2, $0x0  }
0x70: {  	v61 =	vld [tilespmem:s29+$0xC0];
	[tilespmem:s29+$0xFFFFFFA0] =	vst v4;
	v4 =	vmul.f32 v57, v6  }
0x71: {  	v10 =	vld [tilespmem:s29+$0xFFFFFFF0];
	[tilespmem:s29+$0xFFFFFFB0] =	vst v7;
	v3 =	vmul.f32 v3, v6  }
0x72: {  	[tilespmem:s29+$0xFFFFFFC0] =	vst v4;
	v4 =	vmul.f32 v8, v5;
	v8 =	vld [tilespmem:s29+$0x50]  }
0x73: {  	v7 =	vmul.f32 v9, v6;
	v9 =	vld [tilespmem:s29+$0x40];
	[tilespmem:s29+$0xFFFFFFE0] =	vst v3;
	v3 =	vmul.f32 v11, v5  }
0x74: {  	[tilespmem:s29+$0x0] =	vst v4;
	v4 =	vld [tilespmem:s29+$0x70]  }
0x75: {  	[tilespmem:s29+$0x10] =	vst v3;
	v3 =	vmul.f32 v59, v5;
	v60 =	vld.idx.msk [tilespmem:v2+s15+$0x0], $0xffff  }
0x76: {  	[tilespmem:s29+$0xFFFFFFD0] =	vst v7;
	v2 =	vmul.f32 v10, v6;
	v6 =	vld [tilespmem:s29+$0x80]  }
0x77: {  	v7 =	vld [tilespmem:s29+$0x60];
	[tilespmem:s29+$0x30] =	vst v3;
	v3 =	vmul.f32 v8, v5  }
0x78: {  	v10 =	vld [tilespmem:s29+$0x90];
	[tilespmem:s29+$0xFFFFFFF0] =	vst v2;
	v2 =	vmul.f32 v58, v5  }
0x79: {  	v8 =	vld [tilespmem:s29+$0xB0];
	[tilespmem:s29+$0x50] =	vst v3;
	v4 =	vmul.f32 v4, v5  }
0x7a: {  	s1 =	sadd.s32 $0xF, s1;
	[tilespmem:s29+$0x20] =	vst v2;
	v2 =	vmul.f32 v9, v5;
	v9 =	vld [tilespmem:s29+$0xA0]  }
0x7b: {  	v62 =	vld [tilespmem:s29+$0xD0];
	v11 =	vmov s1;
	v3 =	vmul.f32 v6, v60;
	[tilespmem:s29+$0x70] =	vst v4  }
0x7c: {  	v63 =	vld [tilespmem:s29+$0xE0];
	[tilespmem:s29+$0x40] =	vst v2;
	v2 =	vmul.f32 v7, v5  }
0x7d: {  	v6 =	vld [tilespmem:s29+$0x110];
	v5 =	vmul.f32 v10, v60;
	[tilespmem:s29+$0x80] =	vst v3  }
0x7e: {  	v10 =	vld [tilespmem:s29+$0xF0];
	v4 =	vmul.f32 v8, v60;
	[tilespmem:s29+$0x60] =	vst v2  }
0x7f: {  	v7 =	vld [tilespmem:s29+$0x100];
	[tilespmem:s29+$0x90] =	vst v5;
	v3 =	vmul.f32 v9, v60  }
0x80: {  	v8 =	vmul.f32 v62, v60;
	v2 =	vld.idx.msk [tilespmem:v11+s15+$0x0], $0xffff;
	[tilespmem:s29+$0xB0] =	vst v4  }
0x81: {  	v5 =	vld [tilespmem:s29+$0x120];
	[tilespmem:s29+$0xA0] =	vst v3;
	v3 =	vmul.f32 v61, v60  }
0x82: {  	v4 =	vld [tilespmem:s29+$0x130];
	[tilespmem:s29+$0xD0] =	vst v8;
	v9 =	vmul.f32 v63, v60  }
0x83: {  	s30 =	simm.s32 $0x7880;
	s1 =	simm.s32 $0x0;
	v8 =	vmul.f32 v10, v60;
	[tilespmem:s29+$0xC0] =	vst v3;
	v3 =	vld [tilespmem:s29+$0x140]  }
.LBB2_7:
0x84: {  	s18 =	sadd.s32 s1, s26;
	s1 =	sadd.s32 $0x8, s1;
	[tilespmem:s29+$0xE0] =	vst v9;
	v7 =	vmul.f32 v7, v1;
	v9 =	vld [tilespmem:s29+$0x150]  }
0x85: {  	s31 =	sadd.s32 $0x8, s18;
	s0 =	sadd.s32 $0xE, s18;
	p1 =	slt.u32 s1, $0x20;
	[tilespmem:s29+$0xF0] =	vst v8;
	v6 =	vmul.f32 v6, v1;
	v8 =	vld [tilespmem:s29+$0x160]  }
0x86: {  	s16 =	sadd.s32 $0xA, s18;
	s17 =	sadd.s32 $0xB, s18;
	v10 =	vmov s31;
	s31 =	sadd.s32 $0x9, s18;
	v11 =	vmov s0;
	[tilespmem:s29+$0x100] =	vst v7;
	v5 =	vmul.f32 v5, v1;
	v7 =	vld [tilespmem:s29+$0x180]  }
0x87: {  	v13 =	vmov s16;
	s0 =	sadd.s32 $0xC, s18;
	s16 =	sadd.s32 $0xD, s18;
	s18 =	sadd.s32 $0xF, s18;
	v12 =	vmov s31;
	v11 =	vand.u32 $0xFFFFFFFE, v11;
	[tilespmem:s29+$0x110] =	vst v6;
	v6 =	vld [tilespmem:s29+$0x190]  }
0x88: {  	v14 =	vmov s17;
	v15 =	vmov s0;
	v11 =	vbroadcast v11, $0x0;
	[tilespmem:s29+$0x120] =	vst v5;
	v5 =	vld [tilespmem:s29+$0x1A0]  }
0x89: {  	v10 =	vand.u32 $0xFFFFFFF8, v10;
	v16 =	vmov s16;
	v12 =	vand.u32 $0xFFFFFFF9, v12;
	v17 =	vld [tilespmem:s29+$0x1B0]  }
0x8a: {  	v13 =	vand.u32 $0xFFFFFFFA, v13;
	v14 =	vand.u32 $0xFFFFFFFB, v14;
	v15 =	vand.u32 $0xFFFFFFFC, v15;
	v18 =	vld [tilespmem:s29+$0x1C0]  }
0x8b: {  	v10 =	vbroadcast v10, $0x0;
	v16 =	vand.u32 $0xFFFFFFFD, v16;
	v12 =	vbroadcast v12, $0x0;
	v19 =	vld [tilespmem:s29+$0x1D0]  }
0x8c: {  	v20 =	vmov s18;
	v13 =	vbroadcast v13, $0x0;
	v14 =	vbroadcast v14, $0x0;
	v21 =	vld [tilespmem:s29+$0x1E0]  }
0x8d: {  	v15 =	vbroadcast v15, $0x0;
	v16 =	vbroadcast v16, $0x0;
	v22 =	vld [tilespmem:s29+$0x1F0]  }
0x8e: {  	v4 =	vmul.f32 v4, v1;
	v3 =	vmul.f32 v3, v1;
	s29 =	sadd.s32 $0x400, s29;
	v11 =	vld.idx.msk [tilespmem:v11+s15+$0x0], $0xffff  }
0x8f: {  	v9 =	vmul.f32 v9, v1;
	v1 =	vmul.f32 v8, v1;
	v23 =	vld [tilespmem:s29+$0x170]  }
0x90: {  	v6 =	vmul.f32 v6, v2;
	v8 =	vld [tilespmem:s29+$0xFFFFFE00];
	[tilespmem:s30+$0x130] =	vst v4;
	v4 =	vmul.f32 v7, v2  }
0x91: {  	v17 =	vmul.f32 v17, v2;
	v7 =	vld.idx.msk [tilespmem:v10+s15+$0x0], $0xffff;
	[tilespmem:s30+$0x140] =	vst v3;
	v10 =	vmul.f32 v5, v2  }
0x92: {  	v12 =	vld.idx.msk [tilespmem:v12+s15+$0x0], $0xffff;
	[tilespmem:s30+$0x150] =	vst v9;
	v9 =	vmul.f32 v18, v2;
	v18 =	vmul.f32 v19, v2  }
0x93: {  	v19 =	vmul.f32 v21, v2;
	v21 =	vmul.f32 v22, v2;
	v13 =	vld.idx.msk [tilespmem:v13+s15+$0x0], $0xffff;
	[tilespmem:s30+$0x160] =	vst v1  }
0x94: {  	v1 =	vmov v11;
	v5 =	vld.idx.msk [tilespmem:v14+s15+$0x0], $0xffff;
	v2 =	vmul.f32 v23, v11;
	[tilespmem:s30+$0x180] =	vst v4  }
0x95: {  	v4 =	vld.idx.msk [tilespmem:v15+s15+$0x0], $0xffff;
	[tilespmem:s30+$0x190] =	vst v6  }
0x96: {  	v3 =	vld.idx.msk [tilespmem:v16+s15+$0x0], $0xffff;
	[tilespmem:s29+$0x170] =	vst v2  }
0x97: {  	v6 =	vmul.f32 v8, v7;
	v2 =	vld.idx.msk [tilespmem:v20+s15+$0x0], $0xffff;
	[tilespmem:s30+$0x1A0] =	vst v10  }
0x98: {  	v8 =	vld [tilespmem:s29+$0xFFFFFE10];
	[tilespmem:s30+$0x1B0] =	vst v17  }
0x99: {  	[tilespmem:s29+$0xFFFFFE00] =	vst v6;
	v6 =	vld [tilespmem:s29+$0xFFFFFE20]  }
0x9a: {  	v10 =	vld [tilespmem:s29+$0xFFFFFE30];
	[tilespmem:s30+$0x1C0] =	vst v9  }
0x9b: {  	v9 =	vld [tilespmem:s29+$0xFFFFFE40];
	[tilespmem:s30+$0x1D0] =	vst v18  }
0x9c: {  	v11 =	vld [tilespmem:s29+$0xFFFFFE50];
	[tilespmem:s30+$0x1E0] =	vst v19  }
0x9d: {  	v8 =	vmul.f32 v8, v7;
	v14 =	vld [tilespmem:s29+$0xFFFFFE60];
	[tilespmem:s30+$0x1F0] =	vst v21;
	s30 =	smov.u32 s29  }
0x9e: {  	v6 =	vmul.f32 v6, v7;
	v15 =	vld [tilespmem:s29+$0xFFFFFE70]  }
0x9f: {  	[tilespmem:s29+$0xFFFFFE10] =	vst v8;
	v8 =	vmul.f32 v10, v7;
	v10 =	vld [tilespmem:s29+$0xFFFFFE80]  }
0xa0: {  	[tilespmem:s29+$0xFFFFFE20] =	vst v6;
	v6 =	vmul.f32 v9, v7;
	v9 =	vld [tilespmem:s29+$0xFFFFFE90]  }
0xa1: {  	[tilespmem:s29+$0xFFFFFE30] =	vst v8;
	v8 =	vmul.f32 v11, v7;
	v11 =	vld [tilespmem:s29+$0xFFFFFEA0]  }
0xa2: {  	[tilespmem:s29+$0xFFFFFE40] =	vst v6;
	v6 =	vmul.f32 v14, v7;
	v14 =	vld [tilespmem:s29+$0xFFFFFEB0]  }
0xa3: {  	[tilespmem:s29+$0xFFFFFE50] =	vst v8;
	v7 =	vmul.f32 v15, v7;
	v8 =	vld [tilespmem:s29+$0xFFFFFEC0]  }
0xa4: {  	[tilespmem:s29+$0xFFFFFE60] =	vst v6;
	v6 =	vmul.f32 v10, v12;
	v10 =	vld [tilespmem:s29+$0xFFFFFED0]  }
0xa5: {  	[tilespmem:s29+$0xFFFFFE70] =	vst v7;
	v7 =	vmul.f32 v9, v12;
	v9 =	vld [tilespmem:s29+$0xFFFFFEE0]  }
0xa6: {  	[tilespmem:s29+$0xFFFFFE80] =	vst v6;
	v6 =	vmul.f32 v11, v12;
	v11 =	vld [tilespmem:s29+$0xFFFFFEF0]  }
0xa7: {  	[tilespmem:s29+$0xFFFFFE90] =	vst v7;
	v7 =	vmul.f32 v14, v12;
	v14 =	vld [tilespmem:s29+$0xFFFFFF00]  }
0xa8: {  	[tilespmem:s29+$0xFFFFFEA0] =	vst v6;
	v6 =	vmul.f32 v8, v12;
	v8 =	vld [tilespmem:s29+$0xFFFFFF10]  }
0xa9: {  	[tilespmem:s29+$0xFFFFFEB0] =	vst v7;
	v7 =	vmul.f32 v10, v12;
	v10 =	vld [tilespmem:s29+$0xFFFFFF20]  }
0xaa: {  	[tilespmem:s29+$0xFFFFFEC0] =	vst v6;
	v6 =	vmul.f32 v9, v12;
	v9 =	vld [tilespmem:s29+$0xFFFFFF30]  }
0xab: {  	[tilespmem:s29+$0xFFFFFED0] =	vst v7;
	v7 =	vmul.f32 v11, v12;
	v11 =	vld [tilespmem:s29+$0xFFFFFF40]  }
0xac: {  	[tilespmem:s29+$0xFFFFFEE0] =	vst v6;
	v6 =	vmul.f32 v14, v13;
	v12 =	vld [tilespmem:s29+$0xFFFFFF50]  }
0xad: {  	[tilespmem:s29+$0xFFFFFEF0] =	vst v7;
	v7 =	vmul.f32 v8, v13;
	v8 =	vld [tilespmem:s29+$0xFFFFFF60]  }
0xae: {  	[tilespmem:s29+$0xFFFFFF00] =	vst v6;
	v6 =	vmul.f32 v10, v13;
	v10 =	vld [tilespmem:s29+$0xFFFFFF70]  }
0xaf: {  	[tilespmem:s29+$0xFFFFFF10] =	vst v7;
	v7 =	vmul.f32 v9, v13;
	v9 =	vld [tilespmem:s29+$0xFFFFFF80]  }
0xb0: {  	[tilespmem:s29+$0xFFFFFF20] =	vst v6;
	v6 =	vmul.f32 v11, v13;
	v11 =	vld [tilespmem:s29+$0xFFFFFF90]  }
0xb1: {  	[tilespmem:s29+$0xFFFFFF30] =	vst v7;
	v7 =	vmul.f32 v12, v13;
	v12 =	vld [tilespmem:s29+$0xFFFFFFA0]  }
0xb2: {  	[tilespmem:s29+$0xFFFFFF40] =	vst v6;
	v6 =	vmul.f32 v8, v13;
	v8 =	vld [tilespmem:s29+$0xFFFFFFB0]  }
0xb3: {  	[tilespmem:s29+$0xFFFFFF50] =	vst v7;
	v7 =	vmul.f32 v10, v13;
	v10 =	vld [tilespmem:s29+$0xFFFFFFC0]  }
0xb4: {  	[tilespmem:s29+$0xFFFFFF60] =	vst v6;
	v6 =	vmul.f32 v9, v5;
	v9 =	vld [tilespmem:s29+$0xFFFFFFD0]  }
0xb5: {  	[tilespmem:s29+$0xFFFFFF70] =	vst v7;
	v7 =	vmul.f32 v11, v5;
	v11 =	vld [tilespmem:s29+$0xFFFFFFE0]  }
0xb6: {  	[tilespmem:s29+$0xFFFFFF80] =	vst v6;
	v6 =	vmul.f32 v12, v5;
	v12 =	vld [tilespmem:s29+$0xFFFFFFF0]  }
0xb7: {  	[tilespmem:s29+$0xFFFFFF90] =	vst v7;
	v7 =	vmul.f32 v8, v5;
	v8 =	vld [tilespmem:s29+$0x0]  }
0xb8: {  	[tilespmem:s29+$0xFFFFFFA0] =	vst v6;
	v6 =	vmul.f32 v10, v5;
	v10 =	vld [tilespmem:s29+$0x10]  }
0xb9: {  	[tilespmem:s29+$0xFFFFFFB0] =	vst v7;
	v7 =	vmul.f32 v9, v5;
	v9 =	vld [tilespmem:s29+$0x20]  }
0xba: {  	[tilespmem:s29+$0xFFFFFFC0] =	vst v6;
	v6 =	vmul.f32 v11, v5;
	v11 =	vld [tilespmem:s29+$0x30]  }
0xbb: {  	[tilespmem:s29+$0xFFFFFFD0] =	vst v7;
	v5 =	vmul.f32 v12, v5;
	v7 =	vld [tilespmem:s29+$0x40]  }
0xbc: {  	[tilespmem:s29+$0xFFFFFFE0] =	vst v6;
	v6 =	vmul.f32 v8, v4;
	v8 =	vld [tilespmem:s29+$0x50]  }
0xbd: {  	[tilespmem:s29+$0xFFFFFFF0] =	vst v5;
	v5 =	vmul.f32 v10, v4;
	v10 =	vld [tilespmem:s29+$0x60]  }
0xbe: {  	[tilespmem:s29+$0x0] =	vst v6;
	v6 =	vmul.f32 v9, v4;
	v9 =	vld [tilespmem:s29+$0x70]  }
0xbf: {  	[tilespmem:s29+$0x10] =	vst v5;
	v5 =	vmul.f32 v11, v4;
	v11 =	vld [tilespmem:s29+$0x80]  }
0xc0: {  	[tilespmem:s29+$0x20] =	vst v6;
	v6 =	vmul.f32 v7, v4;
	v7 =	vld [tilespmem:s29+$0x90]  }
0xc1: {  	[tilespmem:s29+$0x30] =	vst v5;
	v5 =	vmul.f32 v8, v4;
	v8 =	vld [tilespmem:s29+$0xA0]  }
0xc2: {  	[tilespmem:s29+$0x40] =	vst v6;
	v6 =	vmul.f32 v10, v4;
	v10 =	vld [tilespmem:s29+$0xB0]  }
0xc3: {  	[tilespmem:s29+$0x50] =	vst v5;
	v4 =	vmul.f32 v9, v4;
	v5 =	vld [tilespmem:s29+$0xC0]  }
0xc4: {  	[tilespmem:s29+$0x60] =	vst v6;
	v6 =	vmul.f32 v11, v3;
	v9 =	vld [tilespmem:s29+$0xD0]  }
0xc5: {  	[tilespmem:s29+$0x70] =	vst v4;
	v4 =	vmul.f32 v7, v3;
	v11 =	vld [tilespmem:s29+$0xE0]  }
0xc6: {  	[tilespmem:s29+$0x80] =	vst v6;
	v6 =	vmul.f32 v8, v3;
	v8 =	vld [tilespmem:s29+$0xF0]  }
.Ltmp2:
0xc7: {  	[tilespmem:s29+$0x90] =	vst v4;
	v4 =	vmul.f32 v10, v3;
	v7 =	vld [tilespmem:s29+$0x100];
	(pc) =	sbr.rel @p1 .LBB2_7-.Ltmp2, $4  }
0xc8: {  	[tilespmem:s29+$0xA0] =	vst v6;
	v10 =	vmul.f32 v5, v3;
	v6 =	vld [tilespmem:s29+$0x110]  }
0xc9: {  	[tilespmem:s29+$0xB0] =	vst v4;
	v12 =	vmul.f32 v9, v3;
	v5 =	vld [tilespmem:s29+$0x120]  }
0xca: {  	[tilespmem:s29+$0xC0] =	vst v10;
	v9 =	vmul.f32 v11, v3;
	v4 =	vld [tilespmem:s29+$0x130]  }
0xcb: {  	[tilespmem:s29+$0xD0] =	vst v12;
	v8 =	vmul.f32 v8, v3;
	v3 =	vld [tilespmem:s29+$0x140]  }
0xcc: {  	v10 =	vld [tilespmem:s29+$0x150];
	[tilespmem:s29+$0xE0] =	vst v9;
	v7 =	vmul.f32 v7, v1  }
0xcd: {  	v9 =	vld [tilespmem:s29+$0x160];
	[tilespmem:s29+$0xF0] =	vst v8;
	v6 =	vmul.f32 v6, v1  }
0xce: {  	v8 =	vld [tilespmem:s29+$0x180];
	[tilespmem:s29+$0x100] =	vst v7;
	v5 =	vmul.f32 v5, v1  }
0xcf: {  	v7 =	vld [tilespmem:s29+$0x190];
	[tilespmem:s29+$0x110] =	vst v6;
	v4 =	vmul.f32 v4, v1  }
0xd0: {  	v6 =	vld [tilespmem:s29+$0x1A0];
	[tilespmem:s29+$0x120] =	vst v5;
	v3 =	vmul.f32 v3, v1  }
0xd1: {  	v11 =	vld [tilespmem:s29+$0x1C0];
	v10 =	vmul.f32 v10, v1;
	[tilespmem:s30+$0x130] =	vst v4  }
0xd2: {  	v5 =	vld [tilespmem:s29+$0x1B0];
	v1 =	vmul.f32 v9, v1;
	[tilespmem:s30+$0x140] =	vst v3  }
0xd3: {  	v4 =	vld [tilespmem:s29+$0x1D0];
	v8 =	vmul.f32 v8, v2;
	[tilespmem:s30+$0x150] =	vst v10  }
0xd4: {  	v3 =	vld [tilespmem:s29+$0x1E0];
	v7 =	vmul.f32 v7, v2;
	[tilespmem:s30+$0x160] =	vst v1  }
0xd5: {  	v9 =	vld [tilespmem:s29+$0x1F0];
	v1 =	vmul.f32 v6, v2;
	[tilespmem:s30+$0x180] =	vst v8  }
0xd6: {  	v6 =	vmul.f32 v11, v2;
	[tilespmem:s30+$0x190] =	vst v7  }
0xd7: {  	v5 =	vmul.f32 v5, v2;
	[tilespmem:s30+$0x1A0] =	vst v1  }
0xd8: {  	v1 =	vmul.f32 v4, v2;
	[tilespmem:s30+$0x1C0] =	vst v6  }
0xd9: {  	s0 =	smul.u32 $0x140, s28;
	[tilespmem:s30+$0x1B0] =	vst v5;
	v3 =	vmul.f32 v3, v2  }
0xda: {  	v2 =	vmul.f32 v9, v2;
	[tilespmem:s30+$0x1D0] =	vst v1  }
0xdb: {  	s29 =	sshra.s32 s0, $0x2;
	[tilespmem:s30+$0x1E0] =	vst v3  }
0xdc: {  	s0 =	sadd.s32 $0x2780, s29;
	[tilespmem:s30+$0x1F0] =	vst v2  }
0xdd: {  	[spmem:s2] =	stream.indirect.scatter.add.f32 [tilespmem:s20], [sflag:$0x3], $0x80, s0, s19, $0xb8;
	[tilespmem:$0x1DF00] =	vst v63  }
0xde: {  	_ =	swait.ge [sflag:s23], $0x1400  }
0xdf: {  	s1 =	sadd.s32 $0xFFFFFFF8, s26;
	[sflag:s23] =	ssyncset.done $0x0  }
0xe0: {  	s16 =	sadd.s32 $0x30, s1;
	s30 =	simm.s32 $0x8C80;
	[sflag:s23] =	ssyncadd.s32 $0xFFFFEC00  }
0xe1: {  	v1 =	vmov s16;
	v4 =	vld [tilespmem:s30+$0xFFFFFE00]  }
0xe2: {  	v1 =	vand.u32 $0xFFFFFFF8, v1;
	v6 =	vld [tilespmem:s30+$0xFFFFFE10]  }
0xe3: {  	v1 =	vbroadcast v1, $0x0;
	v7 =	vld [tilespmem:s30+$0xFFFFFE30]  }
0xe4: {  	s17 =	sadd.s32 $0x36, s1;
	v8 =	vld [tilespmem:s30+$0xFFFFFE40]  }
0xe5: {  	v2 =	vmov s17;
	v9 =	vld [tilespmem:s30+$0xFFFFFE50]  }
0xe6: {  	s18 =	sadd.s32 $0x31, s1;
	v2 =	vand.u32 $0xFFFFFFFE, v2;
	v10 =	vld [tilespmem:s30+$0xFFFFFE60]  }
0xe7: {  	v3 =	vmov s18;
	v2 =	vbroadcast v2, $0x0;
	v12 =	vld [tilespmem:s30+$0xFFFFFE70]  }
0xe8: {  	s7 =	sadd.s32 $0x32, s1;
	v3 =	vand.u32 $0xFFFFFFF9, v3;
	v13 =	vld [tilespmem:s30+$0xFFFFFE80]  }
0xe9: {  	v11 =	vmov s7;
	v3 =	vbroadcast v3, $0x0;
	v5 =	vld.idx.msk [tilespmem:v1+s15+$0x0], $0xffff  }
0xea: {  	v11 =	vand.u32 $0xFFFFFFFA, v11;
	v14 =	vld [tilespmem:s30+$0xFFFFFE90]  }
0xeb: {  	v11 =	vbroadcast v11, $0x0;
	v15 =	vld [tilespmem:s30+$0xFFFFFEA0]  }
0xec: {  	v16 =	vld [tilespmem:s30+$0xFFFFFEB0]  }
0xed: {  	v1 =	vld.idx.msk [tilespmem:v2+s15+$0x0], $0xffff  }
0xee: {  	v2 =	vld [tilespmem:s30+$0x170];
	v4 =	vmul.f32 v4, v5  }
0xef: {  	v3 =	vld.idx.msk [tilespmem:v3+s15+$0x0], $0xffff;
	v6 =	vmul.f32 v6, v5  }
0xf0: {  	v51 =	vld [tilespmem:s30+$0xFFFFFED0];
	v8 =	vmul.f32 v8, v5;
	[tilespmem:s30+$0xFFFFFE00] =	vst v4  }
0xf1: {  	v11 =	vld.idx.msk [tilespmem:v11+s15+$0x0], $0xffff;
	v7 =	vmul.f32 v7, v5;
	[tilespmem:s30+$0xFFFFFE10] =	vst v6  }
0xf2: {  	v4 =	vld [tilespmem:s30+$0xFFFFFE20];
	[tilespmem:s30+$0xFFFFFE40] =	vst v8;
	v8 =	vmul.f32 v10, v5  }
0xf3: {  	v52 =	vld [tilespmem:s30+$0xFFFFFF20];
	v2 =	vmul.f32 v2, v1;
	[tilespmem:s30+$0xFFFFFE30] =	vst v7  }
0xf4: {  	v53 =	vld [tilespmem:s30+$0xFFFFFF30];
	[tilespmem:s30+$0xFFFFFE60] =	vst v8;
	v8 =	vmul.f32 v14, v3  }
0xf5: {  	v54 =	vld [tilespmem:s30+$0xFFFFFF40];
	v6 =	vmul.f32 v13, v3;
	[tilespmem:s30+$0x170] =	vst v2  }
0xf6: {  	s8 =	sadd.s32 $0x33, s1;
	v55 =	vld [tilespmem:s30+$0xFFFFFFA0];
	[tilespmem:s30+$0xFFFFFE90] =	vst v8;
	v8 =	vmul.f32 v16, v3  }
0xf7: {  	v10 =	vld [tilespmem:s30+$0xFFFFFF00];
	[tilespmem:s30+$0xFFFFFE80] =	vst v6;
	v6 =	vmov s8;
	v2 =	vmul.f32 v4, v5  }
0xf8: {  	v7 =	vmul.f32 v9, v5;
	v6 =	vand.u32 $0xFFFFFFFB, v6;
	v4 =	vld [tilespmem:s30+$0xFFFFFEC0];
	v5 =	vmul.f32 v12, v5;
	[tilespmem:s30+$0xFFFFFEB0] =	vst v8  }
0xf9: {  	v6 =	vbroadcast v6, $0x0;
	v8 =	vld [tilespmem:s30+$0xFFFFFF60];
	[tilespmem:s30+$0xFFFFFE20] =	vst v2  }
0xfa: {  	v2 =	vld [tilespmem:s30+$0xFFFFFEE0];
	[tilespmem:s30+$0xFFFFFE70] =	vst v5;
	v5 =	vmul.f32 v15, v3  }
0xfb: {  	v9 =	vld [tilespmem:s30+$0xFFFFFEF0];
	v13 =	vmul.f32 v51, v3;
	[tilespmem:s30+$0xFFFFFE50] =	vst v7  }
0xfc: {  	v7 =	vld [tilespmem:s30+$0xFFFFFF10];
	[tilespmem:s30+$0xFFFFFEA0] =	vst v5;
	v5 =	vmul.f32 v10, v11  }
0xfd: {  	v56 =	vld [tilespmem:s30+$0xFFFFFFB0];
	[tilespmem:s30+$0xFFFFFED0] =	vst v13;
	v4 =	vmul.f32 v4, v3  }
0xfe: {  	v10 =	vld [tilespmem:s30+$0xFFFFFF50];
	[tilespmem:s30+$0xFFFFFF00] =	vst v5;
	v8 =	vmul.f32 v8, v11  }
0xff: {  	s16 =	sadd.s32 $0x34, s1;
	v6 =	vld.idx.msk [tilespmem:v6+s15+$0x0], $0xffff;
	[tilespmem:s30+$0xFFFFFEC0] =	vst v4;
	v2 =	vmul.f32 v2, v3  }
0x100: {  	v5 =	vmov s16;
	v4 =	vld [tilespmem:s30+$0xFFFFFF70];
	v3 =	vmul.f32 v9, v3;
	[tilespmem:s30+$0xFFFFFF60] =	vst v8  }
0x101: {  	v5 =	vand.u32 $0xFFFFFFFC, v5;
	v9 =	vld [tilespmem:s30+$0xFFFFFF80];
	[tilespmem:s30+$0xFFFFFEE0] =	vst v2;
	v2 =	vmul.f32 v7, v11  }
0x102: {  	v57 =	vld [tilespmem:s30+$0xFFFFFFC0];
	v5 =	vbroadcast v5, $0x0;
	[tilespmem:s30+$0xFFFFFEF0] =	vst v3;
	v3 =	vmul.f32 v52, v11  }
0x103: {  	v7 =	vld [tilespmem:s30+$0xFFFFFF90];
	v10 =	vmul.f32 v10, v11;
	[tilespmem:s30+$0xFFFFFF10] =	vst v2  }
0x104: {  	v58 =	vld [tilespmem:s30+$0x20];
	v2 =	vmul.f32 v53, v11;
	[tilespmem:s30+$0xFFFFFF20] =	vst v3  }
0x105: {  	v8 =	vld [tilespmem:s30+$0x0];
	v3 =	vmul.f32 v54, v11;
	[tilespmem:s30+$0xFFFFFF50] =	vst v10  }
0x106: {  	v4 =	vmul.f32 v4, v11;
	v11 =	vld [tilespmem:s30+$0x10];
	[tilespmem:s30+$0xFFFFFF30] =	vst v2;
	v2 =	vmul.f32 v9, v6  }
0x107: {  	s17 =	sadd.s32 $0x35, s1;
	[tilespmem:s30+$0xFFFFFF40] =	vst v3;
	v3 =	vld [tilespmem:s30+$0xFFFFFFE0]  }
0x108: {  	v5 =	vld.idx.msk [tilespmem:v5+s15+$0x0], $0xffff;
	v7 =	vmul.f32 v7, v6;
	[tilespmem:s30+$0xFFFFFF80] =	vst v2;
	v2 =	vmov s17  }
0x109: {  	v9 =	vld [tilespmem:s30+$0xFFFFFFD0];
	[tilespmem:s30+$0xFFFFFF70] =	vst v4;
	v4 =	vmul.f32 v55, v6;
	v2 =	vand.u32 $0xFFFFFFFD, v2  }
0x10a: {  	v59 =	vld [tilespmem:s30+$0x30];
	[tilespmem:s30+$0xFFFFFF90] =	vst v7;
	v7 =	vmul.f32 v56, v6;
	v2 =	vbroadcast v2, $0x0  }
0x10b: {  	v61 =	vld [tilespmem:s30+$0xC0];
	[tilespmem:s30+$0xFFFFFFA0] =	vst v4;
	v4 =	vmul.f32 v57, v6  }
0x10c: {  	v10 =	vld [tilespmem:s30+$0xFFFFFFF0];
	[tilespmem:s30+$0xFFFFFFB0] =	vst v7;
	v3 =	vmul.f32 v3, v6  }
0x10d: {  	[tilespmem:s30+$0xFFFFFFC0] =	vst v4;
	v4 =	vmul.f32 v8, v5;
	v8 =	vld [tilespmem:s30+$0x50]  }
0x10e: {  	v7 =	vmul.f32 v9, v6;
	v9 =	vld [tilespmem:s30+$0x40];
	[tilespmem:s30+$0xFFFFFFE0] =	vst v3;
	v3 =	vmul.f32 v11, v5  }
0x10f: {  	[tilespmem:s30+$0x0] =	vst v4;
	v4 =	vld [tilespmem:s30+$0x70]  }
0x110: {  	[tilespmem:s30+$0x10] =	vst v3;
	v3 =	vmul.f32 v59, v5;
	v60 =	vld.idx.msk [tilespmem:v2+s15+$0x0], $0xffff  }
0x111: {  	[tilespmem:s30+$0xFFFFFFD0] =	vst v7;
	v2 =	vmul.f32 v10, v6;
	v6 =	vld [tilespmem:s30+$0x80]  }
0x112: {  	v7 =	vld [tilespmem:s30+$0x60];
	[tilespmem:s30+$0x30] =	vst v3;
	v3 =	vmul.f32 v8, v5  }
0x113: {  	v10 =	vld [tilespmem:s30+$0x90];
	[tilespmem:s30+$0xFFFFFFF0] =	vst v2;
	v2 =	vmul.f32 v58, v5  }
0x114: {  	v8 =	vld [tilespmem:s30+$0xB0];
	[tilespmem:s30+$0x50] =	vst v3;
	v4 =	vmul.f32 v4, v5  }
0x115: {  	s18 =	sadd.s32 $0x37, s1;
	[tilespmem:s30+$0x20] =	vst v2;
	v2 =	vmul.f32 v9, v5;
	v9 =	vld [tilespmem:s30+$0xA0]  }
0x116: {  	v62 =	vld [tilespmem:s30+$0xD0];
	v11 =	vmov s18;
	v3 =	vmul.f32 v6, v60;
	[tilespmem:s30+$0x70] =	vst v4  }
0x117: {  	v63 =	vld [tilespmem:s30+$0xE0];
	[tilespmem:s30+$0x40] =	vst v2;
	v2 =	vmul.f32 v7, v5  }
0x118: {  	v6 =	vld [tilespmem:s30+$0x110];
	v5 =	vmul.f32 v10, v60;
	[tilespmem:s30+$0x80] =	vst v3  }
0x119: {  	v10 =	vld [tilespmem:s30+$0xF0];
	v4 =	vmul.f32 v8, v60;
	[tilespmem:s30+$0x60] =	vst v2  }
0x11a: {  	v7 =	vld [tilespmem:s30+$0x100];
	[tilespmem:s30+$0x90] =	vst v5;
	v3 =	vmul.f32 v9, v60  }
0x11b: {  	v8 =	vmul.f32 v62, v60;
	v2 =	vld.idx.msk [tilespmem:v11+s15+$0x0], $0xffff;
	[tilespmem:s30+$0xB0] =	vst v4  }
0x11c: {  	v5 =	vld [tilespmem:s30+$0x120];
	[tilespmem:s30+$0xA0] =	vst v3;
	v3 =	vmul.f32 v61, v60  }
0x11d: {  	v4 =	vld [tilespmem:s30+$0x130];
	[tilespmem:s30+$0xD0] =	vst v8;
	v9 =	vmul.f32 v63, v60  }
0x11e: {  	s31 =	sshllo.u32 s28, $0x1;
	s1 =	simm.s32 $0x8C80;
	s18 =	simm.s32 $0x0;
	v8 =	vmul.f32 v10, v60;
	[tilespmem:s30+$0xC0] =	vst v3;
	v3 =	vld [tilespmem:s30+$0x140]  }
.LBB2_9:
0x11f: {  	s0 =	sadd.s32 s18, s26;
	s18 =	sadd.s32 $0x8, s18;
	[tilespmem:s30+$0xE0] =	vst v9;
	v7 =	vmul.f32 v7, v1;
	v9 =	vld [tilespmem:s30+$0x150]  }
0x120: {  	s16 =	sadd.s32 $0x30, s0;
	s17 =	sadd.s32 $0x36, s0;
	p1 =	slt.u32 s18, $0x20;
	[tilespmem:s30+$0xF0] =	vst v8;
	v6 =	vmul.f32 v6, v1;
	v8 =	vld [tilespmem:s30+$0x160]  }
0x121: {  	s7 =	sadd.s32 $0x32, s0;
	s8 =	sadd.s32 $0x33, s0;
	v10 =	vmov s16;
	s16 =	sadd.s32 $0x31, s0;
	v11 =	vmov s17;
	[tilespmem:s30+$0x100] =	vst v7;
	v5 =	vmul.f32 v5, v1;
	v7 =	vld [tilespmem:s30+$0x180]  }
0x122: {  	v13 =	vmov s7;
	s7 =	sadd.s32 $0x34, s0;
	v12 =	vmov s16;
	s16 =	sadd.s32 $0x35, s0;
	v11 =	vand.u32 $0xFFFFFFFE, v11;
	s0 =	sadd.s32 $0x37, s0;
	[tilespmem:s30+$0x110] =	vst v6;
	v6 =	vld [tilespmem:s30+$0x190]  }
0x123: {  	v14 =	vmov s8;
	v15 =	vmov s7;
	v11 =	vbroadcast v11, $0x0;
	[tilespmem:s30+$0x120] =	vst v5;
	v5 =	vld [tilespmem:s30+$0x1A0]  }
0x124: {  	v10 =	vand.u32 $0xFFFFFFF8, v10;
	v12 =	vand.u32 $0xFFFFFFF9, v12;
	v16 =	vmov s16;
	v17 =	vld [tilespmem:s30+$0x1B0]  }
0x125: {  	v13 =	vand.u32 $0xFFFFFFFA, v13;
	v14 =	vand.u32 $0xFFFFFFFB, v14;
	v15 =	vand.u32 $0xFFFFFFFC, v15;
	v18 =	vld [tilespmem:s30+$0x1C0]  }
0x126: {  	v10 =	vbroadcast v10, $0x0;
	v12 =	vbroadcast v12, $0x0;
	v16 =	vand.u32 $0xFFFFFFFD, v16;
	v19 =	vld [tilespmem:s30+$0x1D0]  }
0x127: {  	v13 =	vbroadcast v13, $0x0;
	v14 =	vbroadcast v14, $0x0;
	v20 =	vmov s0;
	v21 =	vld [tilespmem:s30+$0x1E0]  }
0x128: {  	v15 =	vbroadcast v15, $0x0;
	v16 =	vbroadcast v16, $0x0;
	v22 =	vld [tilespmem:s30+$0x1F0]  }
0x129: {  	v4 =	vmul.f32 v4, v1;
	v3 =	vmul.f32 v3, v1;
	s30 =	sadd.s32 $0x400, s30;
	v11 =	vld.idx.msk [tilespmem:v11+s15+$0x0], $0xffff  }
0x12a: {  	v9 =	vmul.f32 v9, v1;
	v1 =	vmul.f32 v8, v1;
	v23 =	vld [tilespmem:s30+$0x170]  }
0x12b: {  	v6 =	vmul.f32 v6, v2;
	v8 =	vld [tilespmem:s30+$0xFFFFFE00];
	[tilespmem:s1+$0x130] =	vst v4;
	v4 =	vmul.f32 v7, v2  }
0x12c: {  	v17 =	vmul.f32 v17, v2;
	v7 =	vld.idx.msk [tilespmem:v10+s15+$0x0], $0xffff;
	[tilespmem:s1+$0x140] =	vst v3;
	v10 =	vmul.f32 v5, v2  }
0x12d: {  	v12 =	vld.idx.msk [tilespmem:v12+s15+$0x0], $0xffff;
	[tilespmem:s1+$0x150] =	vst v9;
	v9 =	vmul.f32 v18, v2;
	v18 =	vmul.f32 v19, v2  }
0x12e: {  	v19 =	vmul.f32 v21, v2;
	v21 =	vmul.f32 v22, v2;
	v13 =	vld.idx.msk [tilespmem:v13+s15+$0x0], $0xffff;
	[tilespmem:s1+$0x160] =	vst v1  }
0x12f: {  	v1 =	vmov v11;
	v5 =	vld.idx.msk [tilespmem:v14+s15+$0x0], $0xffff;
	v2 =	vmul.f32 v23, v11;
	[tilespmem:s1+$0x180] =	vst v4  }
0x130: {  	v4 =	vld.idx.msk [tilespmem:v15+s15+$0x0], $0xffff;
	[tilespmem:s1+$0x190] =	vst v6  }
0x131: {  	v3 =	vld.idx.msk [tilespmem:v16+s15+$0x0], $0xffff;
	[tilespmem:s30+$0x170] =	vst v2  }
0x132: {  	v6 =	vmul.f32 v8, v7;
	v2 =	vld.idx.msk [tilespmem:v20+s15+$0x0], $0xffff;
	[tilespmem:s1+$0x1A0] =	vst v10  }
0x133: {  	v8 =	vld [tilespmem:s30+$0xFFFFFE10];
	[tilespmem:s1+$0x1B0] =	vst v17  }
0x134: {  	[tilespmem:s30+$0xFFFFFE00] =	vst v6;
	v6 =	vld [tilespmem:s30+$0xFFFFFE20]  }
0x135: {  	v10 =	vld [tilespmem:s30+$0xFFFFFE30];
	[tilespmem:s1+$0x1C0] =	vst v9  }
0x136: {  	v9 =	vld [tilespmem:s30+$0xFFFFFE40];
	[tilespmem:s1+$0x1D0] =	vst v18  }
0x137: {  	v11 =	vld [tilespmem:s30+$0xFFFFFE50];
	[tilespmem:s1+$0x1E0] =	vst v19  }
0x138: {  	v8 =	vmul.f32 v8, v7;
	v14 =	vld [tilespmem:s30+$0xFFFFFE60];
	[tilespmem:s1+$0x1F0] =	vst v21;
	s1 =	smov.u32 s30  }
0x139: {  	v6 =	vmul.f32 v6, v7;
	v15 =	vld [tilespmem:s30+$0xFFFFFE70]  }
0x13a: {  	[tilespmem:s30+$0xFFFFFE10] =	vst v8;
	v8 =	vmul.f32 v10, v7;
	v10 =	vld [tilespmem:s30+$0xFFFFFE80]  }
0x13b: {  	[tilespmem:s30+$0xFFFFFE20] =	vst v6;
	v6 =	vmul.f32 v9, v7;
	v9 =	vld [tilespmem:s30+$0xFFFFFE90]  }
0x13c: {  	[tilespmem:s30+$0xFFFFFE30] =	vst v8;
	v8 =	vmul.f32 v11, v7;
	v11 =	vld [tilespmem:s30+$0xFFFFFEA0]  }
0x13d: {  	[tilespmem:s30+$0xFFFFFE40] =	vst v6;
	v6 =	vmul.f32 v14, v7;
	v14 =	vld [tilespmem:s30+$0xFFFFFEB0]  }
0x13e: {  	[tilespmem:s30+$0xFFFFFE50] =	vst v8;
	v7 =	vmul.f32 v15, v7;
	v8 =	vld [tilespmem:s30+$0xFFFFFEC0]  }
0x13f: {  	[tilespmem:s30+$0xFFFFFE60] =	vst v6;
	v6 =	vmul.f32 v10, v12;
	v10 =	vld [tilespmem:s30+$0xFFFFFED0]  }
0x140: {  	[tilespmem:s30+$0xFFFFFE70] =	vst v7;
	v7 =	vmul.f32 v9, v12;
	v9 =	vld [tilespmem:s30+$0xFFFFFEE0]  }
0x141: {  	[tilespmem:s30+$0xFFFFFE80] =	vst v6;
	v6 =	vmul.f32 v11, v12;
	v11 =	vld [tilespmem:s30+$0xFFFFFEF0]  }
0x142: {  	[tilespmem:s30+$0xFFFFFE90] =	vst v7;
	v7 =	vmul.f32 v14, v12;
	v14 =	vld [tilespmem:s30+$0xFFFFFF00]  }
0x143: {  	[tilespmem:s30+$0xFFFFFEA0] =	vst v6;
	v6 =	vmul.f32 v8, v12;
	v8 =	vld [tilespmem:s30+$0xFFFFFF10]  }
0x144: {  	[tilespmem:s30+$0xFFFFFEB0] =	vst v7;
	v7 =	vmul.f32 v10, v12;
	v10 =	vld [tilespmem:s30+$0xFFFFFF20]  }
0x145: {  	[tilespmem:s30+$0xFFFFFEC0] =	vst v6;
	v6 =	vmul.f32 v9, v12;
	v9 =	vld [tilespmem:s30+$0xFFFFFF30]  }
0x146: {  	[tilespmem:s30+$0xFFFFFED0] =	vst v7;
	v7 =	vmul.f32 v11, v12;
	v11 =	vld [tilespmem:s30+$0xFFFFFF40]  }
0x147: {  	[tilespmem:s30+$0xFFFFFEE0] =	vst v6;
	v6 =	vmul.f32 v14, v13;
	v12 =	vld [tilespmem:s30+$0xFFFFFF50]  }
0x148: {  	[tilespmem:s30+$0xFFFFFEF0] =	vst v7;
	v7 =	vmul.f32 v8, v13;
	v8 =	vld [tilespmem:s30+$0xFFFFFF60]  }
0x149: {  	[tilespmem:s30+$0xFFFFFF00] =	vst v6;
	v6 =	vmul.f32 v10, v13;
	v10 =	vld [tilespmem:s30+$0xFFFFFF70]  }
0x14a: {  	[tilespmem:s30+$0xFFFFFF10] =	vst v7;
	v7 =	vmul.f32 v9, v13;
	v9 =	vld [tilespmem:s30+$0xFFFFFF80]  }
0x14b: {  	[tilespmem:s30+$0xFFFFFF20] =	vst v6;
	v6 =	vmul.f32 v11, v13;
	v11 =	vld [tilespmem:s30+$0xFFFFFF90]  }
0x14c: {  	[tilespmem:s30+$0xFFFFFF30] =	vst v7;
	v7 =	vmul.f32 v12, v13;
	v12 =	vld [tilespmem:s30+$0xFFFFFFA0]  }
0x14d: {  	[tilespmem:s30+$0xFFFFFF40] =	vst v6;
	v6 =	vmul.f32 v8, v13;
	v8 =	vld [tilespmem:s30+$0xFFFFFFB0]  }
0x14e: {  	[tilespmem:s30+$0xFFFFFF50] =	vst v7;
	v7 =	vmul.f32 v10, v13;
	v10 =	vld [tilespmem:s30+$0xFFFFFFC0]  }
0x14f: {  	[tilespmem:s30+$0xFFFFFF60] =	vst v6;
	v6 =	vmul.f32 v9, v5;
	v9 =	vld [tilespmem:s30+$0xFFFFFFD0]  }
0x150: {  	[tilespmem:s30+$0xFFFFFF70] =	vst v7;
	v7 =	vmul.f32 v11, v5;
	v11 =	vld [tilespmem:s30+$0xFFFFFFE0]  }
0x151: {  	[tilespmem:s30+$0xFFFFFF80] =	vst v6;
	v6 =	vmul.f32 v12, v5;
	v12 =	vld [tilespmem:s30+$0xFFFFFFF0]  }
0x152: {  	[tilespmem:s30+$0xFFFFFF90] =	vst v7;
	v7 =	vmul.f32 v8, v5;
	v8 =	vld [tilespmem:s30+$0x0]  }
0x153: {  	[tilespmem:s30+$0xFFFFFFA0] =	vst v6;
	v6 =	vmul.f32 v10, v5;
	v10 =	vld [tilespmem:s30+$0x10]  }
0x154: {  	[tilespmem:s30+$0xFFFFFFB0] =	vst v7;
	v7 =	vmul.f32 v9, v5;
	v9 =	vld [tilespmem:s30+$0x20]  }
0x155: {  	[tilespmem:s30+$0xFFFFFFC0] =	vst v6;
	v6 =	vmul.f32 v11, v5;
	v11 =	vld [tilespmem:s30+$0x30]  }
0x156: {  	[tilespmem:s30+$0xFFFFFFD0] =	vst v7;
	v5 =	vmul.f32 v12, v5;
	v7 =	vld [tilespmem:s30+$0x40]  }
0x157: {  	[tilespmem:s30+$0xFFFFFFE0] =	vst v6;
	v6 =	vmul.f32 v8, v4;
	v8 =	vld [tilespmem:s30+$0x50]  }
0x158: {  	[tilespmem:s30+$0xFFFFFFF0] =	vst v5;
	v5 =	vmul.f32 v10, v4;
	v10 =	vld [tilespmem:s30+$0x60]  }
0x159: {  	[tilespmem:s30+$0x0] =	vst v6;
	v6 =	vmul.f32 v9, v4;
	v9 =	vld [tilespmem:s30+$0x70]  }
0x15a: {  	[tilespmem:s30+$0x10] =	vst v5;
	v5 =	vmul.f32 v11, v4;
	v11 =	vld [tilespmem:s30+$0x80]  }
0x15b: {  	[tilespmem:s30+$0x20] =	vst v6;
	v6 =	vmul.f32 v7, v4;
	v7 =	vld [tilespmem:s30+$0x90]  }
0x15c: {  	[tilespmem:s30+$0x30] =	vst v5;
	v5 =	vmul.f32 v8, v4;
	v8 =	vld [tilespmem:s30+$0xA0]  }
0x15d: {  	[tilespmem:s30+$0x40] =	vst v6;
	v6 =	vmul.f32 v10, v4;
	v10 =	vld [tilespmem:s30+$0xB0]  }
0x15e: {  	[tilespmem:s30+$0x50] =	vst v5;
	v4 =	vmul.f32 v9, v4;
	v5 =	vld [tilespmem:s30+$0xC0]  }
0x15f: {  	[tilespmem:s30+$0x60] =	vst v6;
	v6 =	vmul.f32 v11, v3;
	v9 =	vld [tilespmem:s30+$0xD0]  }
0x160: {  	[tilespmem:s30+$0x70] =	vst v4;
	v4 =	vmul.f32 v7, v3;
	v11 =	vld [tilespmem:s30+$0xE0]  }
0x161: {  	[tilespmem:s30+$0x80] =	vst v6;
	v6 =	vmul.f32 v8, v3;
	v8 =	vld [tilespmem:s30+$0xF0]  }
.Ltmp3:
0x162: {  	[tilespmem:s30+$0x90] =	vst v4;
	v4 =	vmul.f32 v10, v3;
	v7 =	vld [tilespmem:s30+$0x100];
	(pc) =	sbr.rel @p1 .LBB2_9-.Ltmp3, $4  }
0x163: {  	[tilespmem:s30+$0xA0] =	vst v6;
	v10 =	vmul.f32 v5, v3;
	v6 =	vld [tilespmem:s30+$0x110]  }
0x164: {  	[tilespmem:s30+$0xB0] =	vst v4;
	v12 =	vmul.f32 v9, v3;
	v5 =	vld [tilespmem:s30+$0x120]  }
0x165: {  	[tilespmem:s30+$0xC0] =	vst v10;
	v9 =	vmul.f32 v11, v3;
	v4 =	vld [tilespmem:s30+$0x130]  }
0x166: {  	[tilespmem:s30+$0xD0] =	vst v12;
	v8 =	vmul.f32 v8, v3;
	v3 =	vld [tilespmem:s30+$0x140]  }
0x167: {  	v10 =	vld [tilespmem:s30+$0x150];
	[tilespmem:s30+$0xE0] =	vst v9;
	v7 =	vmul.f32 v7, v1  }
0x168: {  	v56 =	vld [tilespmem:s30+$0x160];
	[tilespmem:s30+$0xF0] =	vst v8;
	v6 =	vmul.f32 v6, v1  }
0x169: {  	v57 =	vld [tilespmem:s30+$0x180];
	[tilespmem:s30+$0x100] =	vst v7;
	v5 =	vmul.f32 v5, v1  }
0x16a: {  	v58 =	vld [tilespmem:s30+$0x190];
	[tilespmem:s30+$0x110] =	vst v6;
	v4 =	vmul.f32 v4, v1  }
0x16b: {  	v60 =	vld [tilespmem:s30+$0x1B0];
	[tilespmem:s30+$0x120] =	vst v5;
	v3 =	vmul.f32 v3, v1  }
0x16c: {  	v59 =	vld [tilespmem:s30+$0x1A0];
	v10 =	vmul.f32 v10, v1;
	[tilespmem:s1+$0x130] =	vst v4  }
0x16d: {  	v11 =	vld [tilespmem:s30+$0x1C0];
	v1 =	vmul.f32 v56, v1;
	[tilespmem:s1+$0x140] =	vst v3  }
0x16e: {  	v61 =	vld [tilespmem:s30+$0x1D0];
	v8 =	vmul.f32 v57, v2;
	[tilespmem:s1+$0x150] =	vst v10  }
0x16f: {  	v7 =	vmul.f32 v58, v2;
	v3 =	vld [tilespmem:s30+$0x1E0];
	[tilespmem:s1+$0x160] =	vst v1  }
0x170: {  	v62 =	vld [tilespmem:s30+$0x1F0];
	v5 =	vmul.f32 v60, v2;
	[tilespmem:s1+$0x180] =	vst v8  }
0x171: {  	v1 =	vmul.f32 v59, v2;
	[tilespmem:s1+$0x190] =	vst v7  }
0x172: {  	v63 =	vmul.f32 v11, v2;
	[tilespmem:s1+$0x1B0] =	vst v5  }
0x173: {  	[tilespmem:s1+$0x1A0] =	vst v1;
	v1 =	vmul.f32 v61, v2  }
0x174: {  	s0 =	smul.u32 $0xA0, s31;
	[tilespmem:s1+$0x1C0] =	vst v63;
	v3 =	vmul.f32 v3, v2  }
0x175: {  	v2 =	vmul.f32 v62, v2;
	[tilespmem:s1+$0x1D0] =	vst v1  }
0x176: {  	p1 =	seq.s32 s28, $0x7C;
	s0 =	sshra.s32 s0, $0x2;
	[tilespmem:s1+$0x1E0] =	vst v3  }
.Ltmp4:
0x177: {  	s0 =	sadd.s32 $0x2780, s0;
	[tilespmem:s1+$0x1F0] =	vst v2;
	(pc) =	sbr.rel @p1 .LBB2_12-.Ltmp4, $4  }
0x178: {  	[spmem:s2] =	stream.indirect.scatter.add.f32 [tilespmem:s21], [sflag:$0x4], $0x80, s0, s19, $0xb8;
	[tilespmem:$0x1DF00] =	vst v63  }
0x179: {  	_ =	swait.ge [sflag:s24], $0x1400  }
0x17a: {  	[sflag:s24] =	ssyncset.done $0x0  }
0x17b: {  	[sflag:s24] =	ssyncadd.s32 $0xFFFFEC00  }
0x17c: {  	s0 =	sadd.s32 $0x50, s29  }
0x17d: {  	[tilespmem:s20], [sflag:$0x1] =	stream.indirect.gather [hbm4b:s4+s19], $0x80, s0, s19, $0xb8;
	[tilespmem:$0x1DF00] =	vst v63  }
.Ltmp5:
0x17e: {  	_ = 	snop;
	(pc) =	sbr.rel .LBB2_6-.Ltmp5, $4  }
0x17f: {  	_ =	swait.ge [sflag:s25], $0x1400  }
0x180: {  	s31 =	sadd.s32 $0x78, s29;
	[sflag:s25] =	ssyncset.done $0x0  }
0x181: {  	s28 =	sadd.s32 $0x1, s28;
	s26 =	sadd.s32 $0x50, s26;
	[sflag:s25] =	ssyncadd.s32 $0xFFFFEC00  }
0x182: {  	[tilespmem:s21], [sflag:$0x2] =	stream.indirect.gather [hbm4b:s4+s19], $0x80, s31, s19, $0xb8;
	[tilespmem:$0x1DF00] =	vst v63  }
.LBB2_12:
0x183: {  	_ =	swait.ge [sflag:s25], $0x1400  }
0x184: {  	s0 =	stileid.u32;
	[sflag:s25] =	ssyncset.done $0x0  }
0x185: {  	s7 =	sadd.s32 $0x0, s12;
	s0 =	sshll.u32 s0, $0x6;
	[sflag:s25] =	ssyncadd.s32 $0xFFFFEC00  }
0x186: {  	s31 =	sshrl.u32 s5, $0x3;
	s1 =	sor.u32 $0x1C05, s0;
	[bflag:$0x0] =	sbarrier.arrive $0xFFFF  }
0x187: {  	[hbm:s7], [sflag:s1] =	dma.local [spmem:s31], $0x100  }
0x188: {  	s18 =	simm.s32 $0x100;
	s26 =	sadd.s32 $0x800, s5;
	_ =	swait.ge [sflag:s14], $0x100  }
.LBB2_13:
0x189: {  	s0 =	sadd.s32 s18, s12;
	[sflag:s14] =	ssyncset.done $0x0;
	p1 =	sne.s32 s18, $0x2600  }
.Ltmp6:
0x18a: {  	s7 =	sshrl.u32 s26, $0x3;
	[sflag:s14] =	ssyncadd.s32 $0xFFFFFF00;
	(pc) =	sbr.rel @p1 .LBB2_13-.Ltmp6, $3  }
0x18b: {  	[hbm:s0], [sflag:s1] =	dma.local [spmem:s7], $0x100  }
0x18c: {  	s18 =	sadd.s32 $0x100, s18;
	_ =	sdelay $0x1  }
0x18d: {  	s26 =	sadd.s32 $0x800, s26;
	_ =	swait.ge [sflag:s14], $0x100  }
0x18e: {  	[sflag:s14] =	ssyncset.done $0x0;
	s0 =	sshrl.u32 @!p0 s6, $0x3;
	s3 =	sadd.s32 $0x1, s3  }
0x18f: {  	s1 =	simm.s32 @!p0 $0x1FC5;
	[sflag:s14] =	ssyncadd.s32 $0xFFFFFF00;
	p1 =	sne.s32 s3, s11  }
0x190: {  	[hbm:s10], [sflag:s1] =	dma.local @!p0 [spmem:s0], $0x100  }
.Ltmp7:
0x191: {  	_ = 	snop;
	(pc) =	sbr.rel @p1 .LBB2_1-.Ltmp7, $4  }
0x192: {  	s0 =	simm.s32 @!p0 $0x5  }
0x193: {  	_ =	swait.ge @!p0 [sflag:s0], $0x100  }
0x194: {  	[sflag:s0] =	ssyncset.done @!p0 $0x0  }
0x195: {  	[sflag:s0] =	ssyncadd.s32 @!p0 $0xFFFFFF00  }
0x196: {  	_ =	sfence.sel $0x180000  }
0x197: {  	[bflag:$0x0] =	sbarrier.arrive $0xFFFF  }
0x198: {  	_ =	strace $0x90000047  }
0x199: {  	s0 =	stileid.u32;
	[bflag:$0x2] =	sbarrier.arrive $0xFFFF  }
0x19a: {  	p0 =	sne.s32 s0, $0x0;
	s0 =	rddreg [dreg:$0x4]  }
0x19b: {  	s0 =	sadd.s32 @!p0 $0x100000, s0  }
0x19c: {  	[sflag:s0] =	ssyncadd.tile.s32 @!p0 $0x1;
	_ =	shalt  }
.Lfunc_end2:
_tile_overlayer_lowered:
.L_overlay_start_2:
0x19d: {  	(tag) =	ssettag $0x2  }
0x19e: {  	s0 =	rddreg [dreg:$0x0];
	s2 =	stileid.u32  }
0x19f: {  	s1 =	rddreg [dreg:$0x1];
	p0 =	sne.s32 s2, $0x0  }
0x1a0: {  	s3 =	rddreg [dreg:$0x2];
	[bflag:$0x3] =	sbarrier.arrive $0xFFFF;
	s2 =	simm.s32 @!p0 $0x1C05  }
0x1a1: {  	[timem:s3], [sflag:s2] =	dma.local @!p0 [hbm:s0], s1  }
0x1a2: {  	s0 =	simm.s32 @!p0 $0x5  }
0x1a3: {  	_ =	swait.ge @!p0 [sflag:s0], s1  }
0x1a4: {  	s1 =	ssub.s32 @!p0 $0x0, s1;
	[sflag:s0] =	ssyncset.done @!p0 $0x0  }
0x1a5: {  	[sflag:s0] =	ssyncadd.s32 @!p0 s1  }
0x1a6: {  	[bflag:$0x3] =	sbarrier.arrive $0xFFFF  }
0x1a7: {  	_ =	shalt  }

</sc_bundles>
